<compile_context>
chip_gen: v7x
topology: tpu7x:2x2x1
jax: 0.10.2.dev20260603
libtpu: 0.0.44.dev20260713+nightly
codegen_flags: <defaults>
</compile_context>

<pallas_src>
import functools
import jax
import jax.numpy as jnp
from jax import lax
from jax.experimental import pallas as pl
from jax.experimental.pallas import tpu as pltpu
from jax.experimental.pallas import tpu_sc as plsc

NC = 2
NS = 16
NW = NC * NS

N_NODES = 10000
N_EDGES = 320000
EMBED = 128

NODE_PER_W = 312
NODE_CHUNKS = ((0, 128), (128, 128), (256, 56))
NODE_TAIL_OFF = NW * NODE_PER_W
NODE_TAIL = N_NODES - NODE_TAIL_OFF

EC = 125
EDGE_GRID = N_EDGES // (EC * 128)


def _node_body(x_hbm, node_tab, xout, nidx_v, nrows_v, tidx_v, sem):
    wid = lax.axis_index("s") * NC + lax.axis_index("c")
    base = wid * NODE_PER_W
    pltpu.sync_copy(x_hbm.at[pl.ds(base, NODE_PER_W)], nidx_v)
    for off, sz in NODE_CHUNKS:
        pltpu.async_copy(
            node_tab.at[nidx_v.at[pl.ds(off, sz)]],
            nrows_v.at[pl.ds(0, sz)], sem).wait()
        pltpu.sync_copy(nrows_v.at[pl.ds(0, sz)],
                        xout.at[pl.ds(base + off, sz)])

    @pl.when(wid == 0)
    def _tail():
        pltpu.sync_copy(x_hbm.at[pl.ds(NODE_TAIL_OFF, NODE_TAIL)], tidx_v)
        pltpu.async_copy(node_tab.at[tidx_v],
                         nrows_v.at[pl.ds(0, NODE_TAIL)], sem).wait()
        pltpu.sync_copy(nrows_v.at[pl.ds(0, NODE_TAIL)],
                        xout.at[pl.ds(NODE_TAIL_OFF, NODE_TAIL)])


def _edge_body(attr_ref, tab_ref, out_ref):
    row0 = tab_ref[0:1, :]
    row1 = tab_ref[1:2, :]
    for j in range(EC):
        sel = attr_ref[0, :, j:j + 1] == 0
        out_ref[j * 128:(j + 1) * 128, :] = jnp.where(sel, row0, row1)


@jax.jit
def kernel(x, edge_index, edge_attr, node_table, edge_table):
    del edge_index

    mesh = plsc.VectorSubcoreMesh(core_axis_name="c", subcore_axis_name="s")
    xout = pl.kernel(
        _node_body,
        out_type=jax.ShapeDtypeStruct((N_NODES, EMBED), jnp.float32),
        mesh=mesh,
        scratch_types=[
            pltpu.VMEM((NODE_PER_W,), jnp.int32),
            pltpu.VMEM((128, EMBED), jnp.float32),
            pltpu.VMEM((NODE_TAIL,), jnp.int32),
            pltpu.SemaphoreType.DMA,
        ],
    )(x, node_table)

    attr3 = edge_attr.reshape(EDGE_GRID, EC, 128).transpose(0, 2, 1)
    eout = pl.pallas_call(
        _edge_body,
        grid=(EDGE_GRID,),
        in_specs=[
            pl.BlockSpec((1, 128, EC), lambda i: (i, 0, 0)),
            pl.BlockSpec((2, EMBED), lambda i: (0, 0)),
        ],
        out_specs=pl.BlockSpec((EC * 128, EMBED), lambda i: (i, 0)),
        out_shape=jax.ShapeDtypeStruct((N_EDGES, EMBED), jnp.float32),
    )(attr3, edge_table)

    return xout, eout

# --- scband reference (transcript-rebuilt; emitter-appended) ---
"""Pipeline reference for scband-feature-encoder-41068477284518 (READ-ONLY COPY).

The authoritative reference and input builder live on the scoring server;
editing this copy changes nothing except your own understanding.
"""

import jax, jax.numpy as jnp
import numpy as np

N_NODES = 10000
N_EDGES = 320000
NODE_DIM = 100000
EDGE_DIM = 2
EMBED = 128


def setup_inputs(seed: int = 0) -> dict:
    key = jax.random.key(seed)
    k1, k2, k3, k4, k5 = jax.random.split(key, 5)
    # forward inputs (fields of the torch_geometric-style `data` object)
    x = jax.random.randint(k1, (N_NODES,), 0, NODE_DIM, dtype=jnp.int32)
    edge_index = jax.random.randint(k2, (2, N_EDGES), 0, N_NODES, dtype=jnp.int32)
    edge_attr = jax.random.randint(k3, (N_EDGES,), 0, EDGE_DIM, dtype=jnp.int32)
    # learned parameters: node embedding table and edge embedding table
    node_table = jax.random.normal(k4, (NODE_DIM, EMBED), dtype=jnp.float32)
    edge_table = jax.random.normal(k5, (EDGE_DIM, EMBED), dtype=jnp.float32)
    return {"x": x, "edge_index": edge_index, "edge_attr": edge_attr,
            "node_table": node_table, "edge_table": edge_table}


def reference(x, edge_index, edge_attr, node_table, edge_table):
    # FeatureEncoder.forward: data.x = node_encoder(data.x) (nn.Embedding lookup)
    x_emb = jnp.take(node_table, x, axis=0)
    # edge_attr is provided (int categorical), so no ones_like fallback needed;
    # data.edge_attr = edge_encoder(data.edge_attr) (nn.Embedding lookup, 2 rows)
    e_emb = jnp.take(edge_table, edge_attr, axis=0)
    # edge_positional_encoder is a no-op (no positional encoder configured)
    return (x_emb, e_emb)

if __name__ == "__main__":
    import jax
    _d = setup_inputs()
    print(jax.jit(kernel)(*tuple(_d.values())))

</pallas_src>

<mosaic_0001>
#map = affine_map<(d0, d1) -> (0)>
#map1 = affine_map<(d0, d1) -> (0, 0)>
module attributes {stable_mosaic.version = 14 : i64} {
  func.func @_node_body(%arg0: i32, %arg1: i32, %arg2: memref<10000xi32, #tpu.memory_space<hbm>>, %arg3: memref<100000x128xf32, #tpu.memory_space<hbm>>, %arg4: memref<10000x128xf32, #tpu.memory_space<hbm>>, %arg5: memref<312xi32, #tpu.memory_space<vmem>>, %arg6: memref<128x128xf32, #tpu.memory_space<vmem>>, %arg7: memref<16xi32, #tpu.memory_space<vmem>>, %arg8: memref<!tpu.dma_semaphore, #tpu.memory_space<semaphore_mem>>) attributes {dimension_semantics = [#tpu.dimension_semantics<core_parallel>, #tpu.dimension_semantics<subcore_parallel>], iteration_bounds = array<i64: 2, 16>, scalar_prefetch = 0 : i64, scratch_operands = 4 : i64, tpu.core_type = #tpu.core_type<sc_vector_subcore>, window_params = [{transform_indices = #map}, {transform_indices = #map1}, {transform_indices = #map1}]} {
    %mul3A = arith.constant 2 : i32
    %mul3A_0 = arith.muli %arg1, %mul3A : i32
    %add3A = arith.addi %mul3A_0, %arg0 : i32
    %mul3A_1 = arith.constant 312 : i32
    %mul3A_2 = arith.muli %add3A, %mul3A_1 : i32
    "tpu.region"() ({
      %run_scoped3A = tpu.sem_alloc : memref<!tpu.dma_semaphore, #tpu.memory_space<semaphore_mem>>
      %dma_start3A_57 = tpu.memref_slice %arg2[%mul3A_2] : memref<10000xi32, #tpu.memory_space<hbm>> -> memref<312xi32, #tpu.memory_space<hbm>>
      %dma_start3A_58 = tpu.memref_slice %arg2[%mul3A_2] : memref<10000xi32, #tpu.memory_space<hbm>> -> memref<312xi32, #tpu.memory_space<hbm>>
      tpu.enqueue_dma source(%dma_start3A_58 : memref<312xi32, #tpu.memory_space<hbm>>) target(%arg5 : memref<312xi32, #tpu.memory_space<vmem>>) target_semaphore(%run_scoped3A : memref<!tpu.dma_semaphore, #tpu.memory_space<semaphore_mem>>)
      %dma_wait3A_59 = tpu.memref_slice %arg2[%mul3A_2] : memref<10000xi32, #tpu.memory_space<hbm>> -> memref<312xi32, #tpu.memory_space<hbm>>
      %dma_wait3A_60 = tpu.memref_slice %arg2[%mul3A_2] : memref<10000xi32, #tpu.memory_space<hbm>> -> memref<312xi32, #tpu.memory_space<hbm>>
      tpu.wait_dma2 semaphore(%run_scoped3A : memref<!tpu.dma_semaphore, #tpu.memory_space<semaphore_mem>>) src(%dma_wait3A_60 : memref<312xi32, #tpu.memory_space<hbm>>) dst(%arg5 : memref<312xi32, #tpu.memory_space<vmem>>)
      tpu.yield
    }) : () -> ()
    %dma_start3A = arith.constant 0 : i32
    %dma_start3A_3 = arith.constant 0 : i32
    %dma_start3A_4 = tpu.memref_slice %arg6[%dma_start3A, %dma_start3A_3] : memref<128x128xf32, #tpu.memory_space<vmem>> -> memref<128x128xf32, #tpu.memory_space<vmem>>
    %dma_start3A_5 = arith.constant 0 : i32
    %dma_start3A_6 = tpu.memref_slice %arg5[%dma_start3A_5] : memref<312xi32, #tpu.memory_space<vmem>> -> memref<128xi32, #tpu.memory_space<vmem>>
    %dma_start3A_7 = arith.constant 0 : i32
    %dma_start3A_8 = arith.constant 0 : i32
    %dma_start3A_9 = tpu.memref_slice %arg3[%dma_start3A_7, %dma_start3A_8] : memref<100000x128xf32, #tpu.memory_space<hbm>> -> memref<100000x128xf32, #tpu.memory_space<hbm>>
    tpu.enqueue_indirect_dma source(%dma_start3A_9 : memref<100000x128xf32, #tpu.memory_space<hbm>>) target(%dma_start3A_4 : memref<128x128xf32, #tpu.memory_space<vmem>>) offsets(%dma_start3A_6 : memref<128xi32, #tpu.memory_space<vmem>>) semaphore(%arg8 : memref<!tpu.dma_semaphore, #tpu.memory_space<semaphore_mem>>)
    %dma_wait3A = arith.constant 0 : i32
    %dma_wait3A_10 = arith.constant 0 : i32
    %dma_wait3A_11 = tpu.memref_slice %arg6[%dma_wait3A, %dma_wait3A_10] : memref<128x128xf32, #tpu.memory_space<vmem>> -> memref<128x128xf32, #tpu.memory_space<vmem>>
    %dma_wait3A_12 = arith.constant 0 : i32
    %dma_wait3A_13 = tpu.memref_slice %arg5[%dma_wait3A_12] : memref<312xi32, #tpu.memory_space<vmem>> -> memref<128xi32, #tpu.memory_space<vmem>>
    %dma_wait3A_14 = arith.constant 0 : i32
    %dma_wait3A_15 = arith.constant 0 : i32
    %dma_wait3A_16 = tpu.memref_slice %arg3[%dma_wait3A_14, %dma_wait3A_15] : memref<100000x128xf32, #tpu.memory_space<hbm>> -> memref<100000x128xf32, #tpu.memory_space<hbm>>
    tpu.wait_indirect_dma semaphore(%arg8 : memref<!tpu.dma_semaphore, #tpu.memory_space<semaphore_mem>>) src(%dma_wait3A_16 : memref<100000x128xf32, #tpu.memory_space<hbm>>) dst(%dma_wait3A_11 : memref<128x128xf32, #tpu.memory_space<vmem>>)
    %add3A_17 = arith.constant 0 : i32
    %add3A_18 = arith.addi %mul3A_2, %add3A_17 : i32
    "tpu.region"() ({
      %run_scoped3A = tpu.sem_alloc : memref<!tpu.dma_semaphore, #tpu.memory_space<semaphore_mem>>
      %dma_start3A_57 = arith.constant 0 : i32
      %dma_start3A_58 = arith.constant 0 : i32
      %dma_start3A_59 = tpu.memref_slice %arg6[%dma_start3A_57, %dma_start3A_58] : memref<128x128xf32, #tpu.memory_space<vmem>> -> memref<128x128xf32, #tpu.memory_space<vmem>>
      %dma_start3A_60 = arith.constant 0 : i32
      %dma_start3A_61 = tpu.memref_slice %arg4[%add3A_18, %dma_start3A_60] : memref<10000x128xf32, #tpu.memory_space<hbm>> -> memref<128x128xf32, #tpu.memory_space<hbm>>
      %dma_start3A_62 = arith.constant 0 : i32
      %dma_start3A_63 = tpu.memref_slice %arg4[%add3A_18, %dma_start3A_62] : memref<10000x128xf32, #tpu.memory_space<hbm>> -> memref<128x128xf32, #tpu.memory_space<hbm>>
      %dma_start3A_64 = arith.constant 0 : i32
      %dma_start3A_65 = arith.constant 0 : i32
      %dma_start3A_66 = tpu.memref_slice %arg6[%dma_start3A_64, %dma_start3A_65] : memref<128x128xf32, #tpu.memory_space<vmem>> -> memref<128x128xf32, #tpu.memory_space<vmem>>
      tpu.enqueue_dma source(%dma_start3A_66 : memref<128x128xf32, #tpu.memory_space<vmem>>) target(%dma_start3A_63 : memref<128x128xf32, #tpu.memory_space<hbm>>) target_semaphore(%run_scoped3A : memref<!tpu.dma_semaphore, #tpu.memory_space<semaphore_mem>>)
      %dma_wait3A_67 = arith.constant 0 : i32
      %dma_wait3A_68 = arith.constant 0 : i32
      %dma_wait3A_69 = tpu.memref_slice %arg6[%dma_wait3A_67, %dma_wait3A_68] : memref<128x128xf32, #tpu.memory_space<vmem>> -> memref<128x128xf32, #tpu.memory_space<vmem>>
      %dma_wait3A_70 = arith.constant 0 : i32
      %dma_wait3A_71 = tpu.memref_slice %arg4[%add3A_18, %dma_wait3A_70] : memref<10000x128xf32, #tpu.memory_space<hbm>> -> memref<128x128xf32, #tpu.memory_space<hbm>>
      %dma_wait3A_72 = arith.constant 0 : i32
      %dma_wait3A_73 = tpu.memref_slice %arg4[%add3A_18, %dma_wait3A_72] : memref<10000x128xf32, #tpu.memory_space<hbm>> -> memref<128x128xf32, #tpu.memory_space<hbm>>
      %dma_wait3A_74 = arith.constant 0 : i32
      %dma_wait3A_75 = arith.constant 0 : i32
      %dma_wait3A_76 = tpu.memref_slice %arg6[%dma_wait3A_74, %dma_wait3A_75] : memref<128x128xf32, #tpu.memory_space<vmem>> -> memref<128x128xf32, #tpu.memory_space<vmem>>
      tpu.wait_dma2 semaphore(%run_scoped3A : memref<!tpu.dma_semaphore, #tpu.memory_space<semaphore_mem>>) src(%dma_wait3A_76 : memref<128x128xf32, #tpu.memory_space<vmem>>) dst(%dma_wait3A_73 : memref<128x128xf32, #tpu.memory_space<hbm>>)
      tpu.yield
    }) : () -> ()
    %dma_start3A_19 = arith.constant 0 : i32
    %dma_start3A_20 = arith.constant 0 : i32
    %dma_start3A_21 = tpu.memref_slice %arg6[%dma_start3A_19, %dma_start3A_20] : memref<128x128xf32, #tpu.memory_space<vmem>> -> memref<128x128xf32, #tpu.memory_space<vmem>>
    %dma_start3A_22 = arith.constant 128 : i32
    %dma_start3A_23 = tpu.memref_slice %arg5[%dma_start3A_22] : memref<312xi32, #tpu.memory_space<vmem>> -> memref<128xi32, #tpu.memory_space<vmem>>
    %dma_start3A_24 = arith.constant 0 : i32
    %dma_start3A_25 = arith.constant 0 : i32
    %dma_start3A_26 = tpu.memref_slice %arg3[%dma_start3A_24, %dma_start3A_25] : memref<100000x128xf32, #tpu.memory_space<hbm>> -> memref<100000x128xf32, #tpu.memory_space<hbm>>
    tpu.enqueue_indirect_dma source(%dma_start3A_26 : memref<100000x128xf32, #tpu.memory_space<hbm>>) target(%dma_start3A_21 : memref<128x128xf32, #tpu.memory_space<vmem>>) offsets(%dma_start3A_23 : memref<128xi32, #tpu.memory_space<vmem>>) semaphore(%arg8 : memref<!tpu.dma_semaphore, #tpu.memory_space<semaphore_mem>>)
    %dma_wait3A_27 = arith.constant 0 : i32
    %dma_wait3A_28 = arith.constant 0 : i32
    %dma_wait3A_29 = tpu.memref_slice %arg6[%dma_wait3A_27, %dma_wait3A_28] : memref<128x128xf32, #tpu.memory_space<vmem>> -> memref<128x128xf32, #tpu.memory_space<vmem>>
    %dma_wait3A_30 = arith.constant 128 : i32
    %dma_wait3A_31 = tpu.memref_slice %arg5[%dma_wait3A_30] : memref<312xi32, #tpu.memory_space<vmem>> -> memref<128xi32, #tpu.memory_space<vmem>>
    %dma_wait3A_32 = arith.constant 0 : i32
    %dma_wait3A_33 = arith.constant 0 : i32
    %dma_wait3A_34 = tpu.memref_slice %arg3[%dma_wait3A_32, %dma_wait3A_33] : memref<100000x128xf32, #tpu.memory_space<hbm>> -> memref<100000x128xf32, #tpu.memory_space<hbm>>
    tpu.wait_indirect_dma semaphore(%arg8 : memref<!tpu.dma_semaphore, #tpu.memory_space<semaphore_mem>>) src(%dma_wait3A_34 : memref<100000x128xf32, #tpu.memory_space<hbm>>) dst(%dma_wait3A_29 : memref<128x128xf32, #tpu.memory_space<vmem>>)
    %add3A_35 = arith.constant 128 : i32
    %add3A_36 = arith.addi %mul3A_2, %add3A_35 : i32
    "tpu.region"() ({
      %run_scoped3A = tpu.sem_alloc : memref<!tpu.dma_semaphore, #tpu.memory_space<semaphore_mem>>
      %dma_start3A_57 = arith.constant 0 : i32
      %dma_start3A_58 = arith.constant 0 : i32
      %dma_start3A_59 = tpu.memref_slice %arg6[%dma_start3A_57, %dma_start3A_58] : memref<128x128xf32, #tpu.memory_space<vmem>> -> memref<128x128xf32, #tpu.memory_space<vmem>>
      %dma_start3A_60 = arith.constant 0 : i32
      %dma_start3A_61 = tpu.memref_slice %arg4[%add3A_36, %dma_start3A_60] : memref<10000x128xf32, #tpu.memory_space<hbm>> -> memref<128x128xf32, #tpu.memory_space<hbm>>
      %dma_start3A_62 = arith.constant 0 : i32
      %dma_start3A_63 = tpu.memref_slice %arg4[%add3A_36, %dma_start3A_62] : memref<10000x128xf32, #tpu.memory_space<hbm>> -> memref<128x128xf32, #tpu.memory_space<hbm>>
      %dma_start3A_64 = arith.constant 0 : i32
      %dma_start3A_65 = arith.constant 0 : i32
      %dma_start3A_66 = tpu.memref_slice %arg6[%dma_start3A_64, %dma_start3A_65] : memref<128x128xf32, #tpu.memory_space<vmem>> -> memref<128x128xf32, #tpu.memory_space<vmem>>
      tpu.enqueue_dma source(%dma_start3A_66 : memref<128x128xf32, #tpu.memory_space<vmem>>) target(%dma_start3A_63 : memref<128x128xf32, #tpu.memory_space<hbm>>) target_semaphore(%run_scoped3A : memref<!tpu.dma_semaphore, #tpu.memory_space<semaphore_mem>>)
      %dma_wait3A_67 = arith.constant 0 : i32
      %dma_wait3A_68 = arith.constant 0 : i32
      %dma_wait3A_69 = tpu.memref_slice %arg6[%dma_wait3A_67, %dma_wait3A_68] : memref<128x128xf32, #tpu.memory_space<vmem>> -> memref<128x128xf32, #tpu.memory_space<vmem>>
      %dma_wait3A_70 = arith.constant 0 : i32
      %dma_wait3A_71 = tpu.memref_slice %arg4[%add3A_36, %dma_wait3A_70] : memref<10000x128xf32, #tpu.memory_space<hbm>> -> memref<128x128xf32, #tpu.memory_space<hbm>>
      %dma_wait3A_72 = arith.constant 0 : i32
      %dma_wait3A_73 = tpu.memref_slice %arg4[%add3A_36, %dma_wait3A_72] : memref<10000x128xf32, #tpu.memory_space<hbm>> -> memref<128x128xf32, #tpu.memory_space<hbm>>
      %dma_wait3A_74 = arith.constant 0 : i32
      %dma_wait3A_75 = arith.constant 0 : i32
      %dma_wait3A_76 = tpu.memref_slice %arg6[%dma_wait3A_74, %dma_wait3A_75] : memref<128x128xf32, #tpu.memory_space<vmem>> -> memref<128x128xf32, #tpu.memory_space<vmem>>
      tpu.wait_dma2 semaphore(%run_scoped3A : memref<!tpu.dma_semaphore, #tpu.memory_space<semaphore_mem>>) src(%dma_wait3A_76 : memref<128x128xf32, #tpu.memory_space<vmem>>) dst(%dma_wait3A_73 : memref<128x128xf32, #tpu.memory_space<hbm>>)
      tpu.yield
    }) : () -> ()
    %dma_start3A_37 = arith.constant 0 : i32
    %dma_start3A_38 = arith.constant 0 : i32
    %dma_start3A_39 = tpu.memref_slice %arg6[%dma_start3A_37, %dma_start3A_38] : memref<128x128xf32, #tpu.memory_space<vmem>> -> memref<56x128xf32, #tpu.memory_space<vmem>>
    %dma_start3A_40 = arith.constant 256 : i32
    %dma_start3A_41 = tpu.memref_slice %arg5[%dma_start3A_40] : memref<312xi32, #tpu.memory_space<vmem>> -> memref<56xi32, #tpu.memory_space<vmem>>
    %dma_start3A_42 = arith.constant 0 : i32
    %dma_start3A_43 = arith.constant 0 : i32
    %dma_start3A_44 = tpu.memref_slice %arg3[%dma_start3A_42, %dma_start3A_43] : memref<100000x128xf32, #tpu.memory_space<hbm>> -> memref<100000x128xf32, #tpu.memory_space<hbm>>
    tpu.enqueue_indirect_dma source(%dma_start3A_44 : memref<100000x128xf32, #tpu.memory_space<hbm>>) target(%dma_start3A_39 : memref<56x128xf32, #tpu.memory_space<vmem>>) offsets(%dma_start3A_41 : memref<56xi32, #tpu.memory_space<vmem>>) semaphore(%arg8 : memref<!tpu.dma_semaphore, #tpu.memory_space<semaphore_mem>>)
    %dma_wait3A_45 = arith.constant 0 : i32
    %dma_wait3A_46 = arith.constant 0 : i32
    %dma_wait3A_47 = tpu.memref_slice %arg6[%dma_wait3A_45, %dma_wait3A_46] : memref<128x128xf32, #tpu.memory_space<vmem>> -> memref<56x128xf32, #tpu.memory_space<vmem>>
    %dma_wait3A_48 = arith.constant 256 : i32
    %dma_wait3A_49 = tpu.memref_slice %arg5[%dma_wait3A_48] : memref<312xi32, #tpu.memory_space<vmem>> -> memref<56xi32, #tpu.memory_space<vmem>>
    %dma_wait3A_50 = arith.constant 0 : i32
    %dma_wait3A_51 = arith.constant 0 : i32
    %dma_wait3A_52 = tpu.memref_slice %arg3[%dma_wait3A_50, %dma_wait3A_51] : memref<100000x128xf32, #tpu.memory_space<hbm>> -> memref<100000x128xf32, #tpu.memory_space<hbm>>
    tpu.wait_indirect_dma semaphore(%arg8 : memref<!tpu.dma_semaphore, #tpu.memory_space<semaphore_mem>>) src(%dma_wait3A_52 : memref<100000x128xf32, #tpu.memory_space<hbm>>) dst(%dma_wait3A_47 : memref<56x128xf32, #tpu.memory_space<vmem>>)
    %add3A_53 = arith.constant 256 : i32
    %add3A_54 = arith.addi %mul3A_2, %add3A_53 : i32
    "tpu.region"() ({
      %run_scoped3A = tpu.sem_alloc : memref<!tpu.dma_semaphore, #tpu.memory_space<semaphore_mem>>
      %dma_start3A_57 = arith.constant 0 : i32
      %dma_start3A_58 = arith.constant 0 : i32
      %dma_start3A_59 = tpu.memref_slice %arg6[%dma_start3A_57, %dma_start3A_58] : memref<128x128xf32, #tpu.memory_space<vmem>> -> memref<56x128xf32, #tpu.memory_space<vmem>>
      %dma_start3A_60 = arith.constant 0 : i32
      %dma_start3A_61 = tpu.memref_slice %arg4[%add3A_54, %dma_start3A_60] : memref<10000x128xf32, #tpu.memory_space<hbm>> -> memref<56x128xf32, #tpu.memory_space<hbm>>
      %dma_start3A_62 = arith.constant 0 : i32
      %dma_start3A_63 = tpu.memref_slice %arg4[%add3A_54, %dma_start3A_62] : memref<10000x128xf32, #tpu.memory_space<hbm>> -> memref<56x128xf32, #tpu.memory_space<hbm>>
      %dma_start3A_64 = arith.constant 0 : i32
      %dma_start3A_65 = arith.constant 0 : i32
      %dma_start3A_66 = tpu.memref_slice %arg6[%dma_start3A_64, %dma_start3A_65] : memref<128x128xf32, #tpu.memory_space<vmem>> -> memref<56x128xf32, #tpu.memory_space<vmem>>
      tpu.enqueue_dma source(%dma_start3A_66 : memref<56x128xf32, #tpu.memory_space<vmem>>) target(%dma_start3A_63 : memref<56x128xf32, #tpu.memory_space<hbm>>) target_semaphore(%run_scoped3A : memref<!tpu.dma_semaphore, #tpu.memory_space<semaphore_mem>>)
      %dma_wait3A_67 = arith.constant 0 : i32
      %dma_wait3A_68 = arith.constant 0 : i32
      %dma_wait3A_69 = tpu.memref_slice %arg6[%dma_wait3A_67, %dma_wait3A_68] : memref<128x128xf32, #tpu.memory_space<vmem>> -> memref<56x128xf32, #tpu.memory_space<vmem>>
      %dma_wait3A_70 = arith.constant 0 : i32
      %dma_wait3A_71 = tpu.memref_slice %arg4[%add3A_54, %dma_wait3A_70] : memref<10000x128xf32, #tpu.memory_space<hbm>> -> memref<56x128xf32, #tpu.memory_space<hbm>>
      %dma_wait3A_72 = arith.constant 0 : i32
      %dma_wait3A_73 = tpu.memref_slice %arg4[%add3A_54, %dma_wait3A_72] : memref<10000x128xf32, #tpu.memory_space<hbm>> -> memref<56x128xf32, #tpu.memory_space<hbm>>
      %dma_wait3A_74 = arith.constant 0 : i32
      %dma_wait3A_75 = arith.constant 0 : i32
      %dma_wait3A_76 = tpu.memref_slice %arg6[%dma_wait3A_74, %dma_wait3A_75] : memref<128x128xf32, #tpu.memory_space<vmem>> -> memref<56x128xf32, #tpu.memory_space<vmem>>
      tpu.wait_dma2 semaphore(%run_scoped3A : memref<!tpu.dma_semaphore, #tpu.memory_space<semaphore_mem>>) src(%dma_wait3A_76 : memref<56x128xf32, #tpu.memory_space<vmem>>) dst(%dma_wait3A_73 : memref<56x128xf32, #tpu.memory_space<hbm>>)
      tpu.yield
    }) : () -> ()
    %eq3A = arith.constant 0 : i32
    %eq3A_55 = arith.cmpi eq, %add3A, %eq3A : i32
    %convert_element_type3A = arith.extui %eq3A_55 : i1 to i32
    %cond3A = arith.constant 0 : i32
    %cond3A_56 = arith.cmpi ne, %convert_element_type3A, %cond3A : i32
    scf.if %cond3A_56 {
      "tpu.region"() ({
        %run_scoped3A = tpu.sem_alloc : memref<!tpu.dma_semaphore, #tpu.memory_space<semaphore_mem>>
        %dma_start3A_69 = arith.constant 9984 : i32
        %dma_start3A_70 = tpu.memref_slice %arg2[%dma_start3A_69] : memref<10000xi32, #tpu.memory_space<hbm>> -> memref<16xi32, #tpu.memory_space<hbm>>
        %dma_start3A_71 = arith.constant 9984 : i32
        %dma_start3A_72 = tpu.memref_slice %arg2[%dma_start3A_71] : memref<10000xi32, #tpu.memory_space<hbm>> -> memref<16xi32, #tpu.memory_space<hbm>>
        tpu.enqueue_dma source(%dma_start3A_72 : memref<16xi32, #tpu.memory_space<hbm>>) target(%arg7 : memref<16xi32, #tpu.memory_space<vmem>>) target_semaphore(%run_scoped3A : memref<!tpu.dma_semaphore, #tpu.memory_space<semaphore_mem>>)
        %dma_wait3A_73 = arith.constant 9984 : i32
        %dma_wait3A_74 = tpu.memref_slice %arg2[%dma_wait3A_73] : memref<10000xi32, #tpu.memory_space<hbm>> -> memref<16xi32, #tpu.memory_space<hbm>>
        %dma_wait3A_75 = arith.constant 9984 : i32
        %dma_wait3A_76 = tpu.memref_slice %arg2[%dma_wait3A_75] : memref<10000xi32, #tpu.memory_space<hbm>> -> memref<16xi32, #tpu.memory_space<hbm>>
        tpu.wait_dma2 semaphore(%run_scoped3A : memref<!tpu.dma_semaphore, #tpu.memory_space<semaphore_mem>>) src(%dma_wait3A_76 : memref<16xi32, #tpu.memory_space<hbm>>) dst(%arg7 : memref<16xi32, #tpu.memory_space<vmem>>)
        tpu.yield
      }) : () -> ()
      %dma_start3A_57 = arith.constant 0 : i32
      %dma_start3A_58 = arith.constant 0 : i32
      %dma_start3A_59 = tpu.memref_slice %arg6[%dma_start3A_57, %dma_start3A_58] : memref<128x128xf32, #tpu.memory_space<vmem>> -> memref<16x128xf32, #tpu.memory_space<vmem>>
      %dma_start3A_60 = arith.constant 0 : i32
      %dma_start3A_61 = arith.constant 0 : i32
      %dma_start3A_62 = tpu.memref_slice %arg3[%dma_start3A_60, %dma_start3A_61] : memref<100000x128xf32, #tpu.memory_space<hbm>> -> memref<100000x128xf32, #tpu.memory_space<hbm>>
      tpu.enqueue_indirect_dma source(%dma_start3A_62 : memref<100000x128xf32, #tpu.memory_space<hbm>>) target(%dma_start3A_59 : memref<16x128xf32, #tpu.memory_space<vmem>>) offsets(%arg7 : memref<16xi32, #tpu.memory_space<vmem>>) semaphore(%arg8 : memref<!tpu.dma_semaphore, #tpu.memory_space<semaphore_mem>>)
      %dma_wait3A_63 = arith.constant 0 : i32
      %dma_wait3A_64 = arith.constant 0 : i32
      %dma_wait3A_65 = tpu.memref_slice %arg6[%dma_wait3A_63, %dma_wait3A_64] : memref<128x128xf32, #tpu.memory_space<vmem>> -> memref<16x128xf32, #tpu.memory_space<vmem>>
      %dma_wait3A_66 = arith.constant 0 : i32
      %dma_wait3A_67 = arith.constant 0 : i32
      %dma_wait3A_68 = tpu.memref_slice %arg3[%dma_wait3A_66, %dma_wait3A_67] : memref<100000x128xf32, #tpu.memory_space<hbm>> -> memref<100000x128xf32, #tpu.memory_space<hbm>>
      tpu.wait_indirect_dma semaphore(%arg8 : memref<!tpu.dma_semaphore, #tpu.memory_space<semaphore_mem>>) src(%dma_wait3A_68 : memref<100000x128xf32, #tpu.memory_space<hbm>>) dst(%dma_wait3A_65 : memref<16x128xf32, #tpu.memory_space<vmem>>)
      "tpu.region"() ({
        %run_scoped3A = tpu.sem_alloc : memref<!tpu.dma_semaphore, #tpu.memory_space<semaphore_mem>>
        %dma_start3A_69 = arith.constant 0 : i32
        %dma_start3A_70 = arith.constant 0 : i32
        %dma_start3A_71 = tpu.memref_slice %arg6[%dma_start3A_69, %dma_start3A_70] : memref<128x128xf32, #tpu.memory_space<vmem>> -> memref<16x128xf32, #tpu.memory_space<vmem>>
        %dma_start3A_72 = arith.constant 9984 : i32
        %dma_start3A_73 = arith.constant 0 : i32
        %dma_start3A_74 = tpu.memref_slice %arg4[%dma_start3A_72, %dma_start3A_73] : memref<10000x128xf32, #tpu.memory_space<hbm>> -> memref<16x128xf32, #tpu.memory_space<hbm>>
        %dma_start3A_75 = arith.constant 9984 : i32
        %dma_start3A_76 = arith.constant 0 : i32
        %dma_start3A_77 = tpu.memref_slice %arg4[%dma_start3A_75, %dma_start3A_76] : memref<10000x128xf32, #tpu.memory_space<hbm>> -> memref<16x128xf32, #tpu.memory_space<hbm>>
        %dma_start3A_78 = arith.constant 0 : i32
        %dma_start3A_79 = arith.constant 0 : i32
        %dma_start3A_80 = tpu.memref_slice %arg6[%dma_start3A_78, %dma_start3A_79] : memref<128x128xf32, #tpu.memory_space<vmem>> -> memref<16x128xf32, #tpu.memory_space<vmem>>
        tpu.enqueue_dma source(%dma_start3A_80 : memref<16x128xf32, #tpu.memory_space<vmem>>) target(%dma_start3A_77 : memref<16x128xf32, #tpu.memory_space<hbm>>) target_semaphore(%run_scoped3A : memref<!tpu.dma_semaphore, #tpu.memory_space<semaphore_mem>>)
        %dma_wait3A_81 = arith.constant 0 : i32
        %dma_wait3A_82 = arith.constant 0 : i32
        %dma_wait3A_83 = tpu.memref_slice %arg6[%dma_wait3A_81, %dma_wait3A_82] : memref<128x128xf32, #tpu.memory_space<vmem>> -> memref<16x128xf32, #tpu.memory_space<vmem>>
        %dma_wait3A_84 = arith.constant 9984 : i32
        %dma_wait3A_85 = arith.constant 0 : i32
        %dma_wait3A_86 = tpu.memref_slice %arg4[%dma_wait3A_84, %dma_wait3A_85] : memref<10000x128xf32, #tpu.memory_space<hbm>> -> memref<16x128xf32, #tpu.memory_space<hbm>>
        %dma_wait3A_87 = arith.constant 9984 : i32
        %dma_wait3A_88 = arith.constant 0 : i32
        %dma_wait3A_89 = tpu.memref_slice %arg4[%dma_wait3A_87, %dma_wait3A_88] : memref<10000x128xf32, #tpu.memory_space<hbm>> -> memref<16x128xf32, #tpu.memory_space<hbm>>
        %dma_wait3A_90 = arith.constant 0 : i32
        %dma_wait3A_91 = arith.constant 0 : i32
        %dma_wait3A_92 = tpu.memref_slice %arg6[%dma_wait3A_90, %dma_wait3A_91] : memref<128x128xf32, #tpu.memory_space<vmem>> -> memref<16x128xf32, #tpu.memory_space<vmem>>
        tpu.wait_dma2 semaphore(%run_scoped3A : memref<!tpu.dma_semaphore, #tpu.memory_space<semaphore_mem>>) src(%dma_wait3A_92 : memref<16x128xf32, #tpu.memory_space<vmem>>) dst(%dma_wait3A_89 : memref<16x128xf32, #tpu.memory_space<hbm>>)
        tpu.yield
      }) : () -> ()
    } else {
    }
    return
  }
}

module attributes {stable_mosaic.version = 14 : i64} {
  func.func @_edge_body(%arg0: i32, %arg1: memref<1x128x125xi32, #tpu.memory_space<vmem>>, %arg2: memref<2x128xf32, #tpu.memory_space<vmem>>, %arg3: memref<16000x128xf32, #tpu.memory_space<vmem>>) attributes {dimension_semantics = [#tpu.dimension_semantics<arbitrary>], iteration_bounds = array<i64: 20>, scalar_prefetch = 0 : i64, scratch_operands = 0 : i64, tpu.core_type = #tpu.core_type<tc>, window_params = [{transform_indices = @transform_0, window_bounds = array<i64: 1, 128, 125>}, {pipeline_mode = #tpu.pipeline_mode<synchronous>, transform_indices = @transform_1, window_bounds = array<i64: 2, 128>}, {transform_indices = @transform_2, window_bounds = array<i64: 16000, 128>}]} {
    %get3A = arith.constant 0 : index
    %get3A_0 = arith.constant 0 : index
    %get3A_1 = vector.load %arg2[%get3A, %get3A_0] : memref<2x128xf32, #tpu.memory_space<vmem>>, vector<1x128xf32>
    %get3A_2 = arith.constant 1 : index
    %get3A_3 = arith.constant 0 : index
    %get3A_4 = vector.load %arg2[%get3A_2, %get3A_3] : memref<2x128xf32, #tpu.memory_space<vmem>>, vector<1x128xf32>
    %get3A_5 = arith.constant 0 : index
    %get3A_6 = arith.constant 0 : index
    %get3A_7 = arith.constant 0 : index
    %get3A_8 = vector.load %arg1[%get3A_5, %get3A_6, %get3A_7] : memref<1x128x125xi32, #tpu.memory_space<vmem>>, vector<1x128x1xi32>
    %get3A_9 = vector.shape_cast %get3A_8 : vector<1x128x1xi32> to vector<128x1xi32>
    %eq3A = arith.constant 0 : i32
    %eq3A_10 = vector.broadcast %eq3A : i32 to vector<128x1xi32>
    %eq3A_11 = arith.cmpi eq, %get3A_9, %eq3A_10 : vector<128x1xi32>
    %broadcast_in_dim3A = vector.shape_cast %eq3A_11 : vector<128x1xi1> to vector<128x1xi1>
    %broadcast_in_dim3A_12 = vector.broadcast %broadcast_in_dim3A : vector<128x1xi1> to vector<128x128xi1>
    %broadcast_in_dim3A_13 = vector.shape_cast %get3A_1 : vector<1x128xf32> to vector<1x128xf32>
    %broadcast_in_dim3A_14 = vector.broadcast %broadcast_in_dim3A_13 : vector<1x128xf32> to vector<128x128xf32>
    %broadcast_in_dim3A_15 = vector.shape_cast %get3A_4 : vector<1x128xf32> to vector<1x128xf32>
    %broadcast_in_dim3A_16 = vector.broadcast %broadcast_in_dim3A_15 : vector<1x128xf32> to vector<128x128xf32>
    %select_n3A = arith.select %broadcast_in_dim3A_12, %broadcast_in_dim3A_14, %broadcast_in_dim3A_16 : vector<128x128xi1>, vector<128x128xf32>
    %swap3A = arith.constant 0 : index
    %swap3A_17 = arith.constant 0 : index
    %swap3A_18 = vector.load %arg3[%swap3A, %swap3A_17] : memref<16000x128xf32, #tpu.memory_space<vmem>>, vector<128x128xf32>
    tpu.vector_store %arg3[%swap3A, %swap3A_17], %select_n3A {strides = array<i32>} : memref<16000x128xf32, #tpu.memory_space<vmem>>, vector<128x128xf32>,
    %get3A_19 = arith.constant 0 : index
    %get3A_20 = arith.constant 0 : index
    %get3A_21 = arith.constant 1 : index
    %get3A_22 = vector.load %arg1[%get3A_19, %get3A_20, %get3A_21] : memref<1x128x125xi32, #tpu.memory_space<vmem>>, vector<1x128x1xi32>
    %get3A_23 = vector.shape_cast %get3A_22 : vector<1x128x1xi32> to vector<128x1xi32>
    %eq3A_24 = arith.constant 0 : i32
    %eq3A_25 = vector.broadcast %eq3A_24 : i32 to vector<128x1xi32>
    %eq3A_26 = arith.cmpi eq, %get3A_23, %eq3A_25 : vector<128x1xi32>
    %broadcast_in_dim3A_27 = vector.shape_cast %eq3A_26 : vector<128x1xi1> to vector<128x1xi1>
    %broadcast_in_dim3A_28 = vector.broadcast %broadcast_in_dim3A_27 : vector<128x1xi1> to vector<128x128xi1>
    %broadcast_in_dim3A_29 = vector.shape_cast %get3A_1 : vector<1x128xf32> to vector<1x128xf32>
    %broadcast_in_dim3A_30 = vector.broadcast %broadcast_in_dim3A_29 : vector<1x128xf32> to vector<128x128xf32>
    %broadcast_in_dim3A_31 = vector.shape_cast %get3A_4 : vector<1x128xf32> to vector<1x128xf32>
    %broadcast_in_dim3A_32 = vector.broadcast %broadcast_in_dim3A_31 : vector<1x128xf32> to vector<128x128xf32>
    %select_n3A_33 = arith.select %broadcast_in_dim3A_28, %broadcast_in_dim3A_30, %broadcast_in_dim3A_32 : vector<128x128xi1>, vector<128x128xf32>
    %swap3A_34 = arith.constant 128 : index
    %swap3A_35 = arith.constant 0 : index
    %swap3A_36 = vector.load %arg3[%swap3A_34, %swap3A_35] : memref<16000x128xf32, #tpu.memory_space<vmem>>, vector<128x128xf32>
    tpu.vector_store %arg3[%swap3A_34, %swap3A_35], %select_n3A_33 {strides = array<i32>} : memref<16000x128xf32, #tpu.memory_space<vmem>>, vector<128x128xf32>,
    %get3A_37 = arith.constant 0 : index
    %get3A_38 = arith.constant 0 : index
    %get3A_39 = arith.constant 2 : index
    %get3A_40 = vector.load %arg1[%get3A_37, %get3A_38, %get3A_39] : memref<1x128x125xi32, #tpu.memory_space<vmem>>, vector<1x128x1xi32>
    %get3A_41 = vector.shape_cast %get3A_40 : vector<1x128x1xi32> to vector<128x1xi32>
    %eq3A_42 = arith.constant 0 : i32
    %eq3A_43 = vector.broadcast %eq3A_42 : i32 to vector<128x1xi32>
    %eq3A_44 = arith.cmpi eq, %get3A_41, %eq3A_43 : vector<128x1xi32>
    %broadcast_in_dim3A_45 = vector.shape_cast %eq3A_44 : vector<128x1xi1> to vector<128x1xi1>
    %broadcast_in_dim3A_46 = vector.broadcast %broadcast_in_dim3A_45 : vector<128x1xi1> to vector<128x128xi1>
    %broadcast_in_dim3A_47 = vector.shape_cast %get3A_1 : vector<1x128xf32> to vector<1x128xf32>
    %broadcast_in_dim3A_48 = vector.broadcast %broadcast_in_dim3A_47 : vector<1x128xf32> to vector<128x128xf32>
    %broadcast_in_dim3A_49 = vector.shape_cast %get3A_4 : vector<1x128xf32> to vector<1x128xf32>
    %broadcast_in_dim3A_50 = vector.broadcast %broadcast_in_dim3A_49 : vector<1x128xf32> to vector<128x128xf32>
    %select_n3A_51 = arith.select %broadcast_in_dim3A_46, %broadcast_in_dim3A_48, %broadcast_in_dim3A_50 : vector<128x128xi1>, vector<128x128xf32>
    %swap3A_52 = arith.constant 256 : index
    %swap3A_53 = arith.constant 0 : index
    %swap3A_54 = vector.load %arg3[%swap3A_52, %swap3A_53] : memref<16000x128xf32, #tpu.memory_space<vmem>>, vector<128x128xf32>
    tpu.vector_store %arg3[%swap3A_52, %swap3A_53], %select_n3A_51 {strides = array<i32>} : memref<16000x128xf32, #tpu.memory_space<vmem>>, vector<128x128xf32>,
    %get3A_55 = arith.constant 0 : index
    %get3A_56 = arith.constant 0 : index
    %get3A_57 = arith.constant 3 : index
    %get3A_58 = vector.load %arg1[%get3A_55, %get3A_56, %get3A_57] : memref<1x128x125xi32, #tpu.memory_space<vmem>>, vector<1x128x1xi32>
    %get3A_59 = vector.shape_cast %get3A_58 : vector<1x128x1xi32> to vector<128x1xi32>
    %eq3A_60 = arith.constant 0 : i32
    %eq3A_61 = vector.broadcast %eq3A_60 : i32 to vector<128x1xi32>
    %eq3A_62 = arith.cmpi eq, %get3A_59, %eq3A_61 : vector<128x1xi32>
    %broadcast_in_dim3A_63 = vector.shape_cast %eq3A_62 : vector<128x1xi1> to vector<128x1xi1>
    %broadcast_in_dim3A_64 = vector.broadcast %broadcast_in_dim3A_63 : vector<128x1xi1> to vector<128x128xi1>
    %broadcast_in_dim3A_65 = vector.shape_cast %get3A_1 : vector<1x128xf32> to vector<1x128xf32>
    %broadcast_in_dim3A_66 = vector.broadcast %broadcast_in_dim3A_65 : vector<1x128xf32> to vector<128x128xf32>
    %broadcast_in_dim3A_67 = vector.shape_cast %get3A_4 : vector<1x128xf32> to vector<1x128xf32>
    %broadcast_in_dim3A_68 = vector.broadcast %broadcast_in_dim3A_67 : vector<1x128xf32> to vector<128x128xf32>
    %select_n3A_69 = arith.select %broadcast_in_dim3A_64, %broadcast_in_dim3A_66, %broadcast_in_dim3A_68 : vector<128x128xi1>, vector<128x128xf32>
    %swap3A_70 = arith.constant 384 : index
    %swap3A_71 = arith.constant 0 : index
    %swap3A_72 = vector.load %arg3[%swap3A_70, %swap3A_71] : memref<16000x128xf32, #tpu.memory_space<vmem>>, vector<128x128xf32>
    tpu.vector_store %arg3[%swap3A_70, %swap3A_71], %select_n3A_69 {strides = array<i32>} : memref<16000x128xf32, #tpu.memory_space<vmem>>, vector<128x128xf32>,
    %get3A_73 = arith.constant 0 : index
    %get3A_74 = arith.constant 0 : index
    %get3A_75 = arith.constant 4 : index
    %get3A_76 = vector.load %arg1[%get3A_73, %get3A_74, %get3A_75] : memref<1x128x125xi32, #tpu.memory_space<vmem>>, vector<1x128x1xi32>
    %get3A_77 = vector.shape_cast %get3A_76 : vector<1x128x1xi32> to vector<128x1xi32>
    %eq3A_78 = arith.constant 0 : i32
    %eq3A_79 = vector.broadcast %eq3A_78 : i32 to vector<128x1xi32>
    %eq3A_80 = arith.cmpi eq, %get3A_77, %eq3A_79 : vector<128x1xi32>
    %broadcast_in_dim3A_81 = vector.shape_cast %eq3A_80 : vector<128x1xi1> to vector<128x1xi1>
    %broadcast_in_dim3A_82 = vector.broadcast %broadcast_in_dim3A_81 : vector<128x1xi1> to vector<128x128xi1>
    %broadcast_in_dim3A_83 = vector.shape_cast %get3A_1 : vector<1x128xf32> to vector<1x128xf32>
    %broadcast_in_dim3A_84 = vector.broadcast %broadcast_in_dim3A_83 : vector<1x128xf32> to vector<128x128xf32>
    %broadcast_in_dim3A_85 = vector.shape_cast %get3A_4 : vector<1x128xf32> to vector<1x128xf32>
    %broadcast_in_dim3A_86 = vector.broadcast %broadcast_in_dim3A_85 : vector<1x128xf32> to vector<128x128xf32>
    %select_n3A_87 = arith.select %broadcast_in_dim3A_82, %broadcast_in_dim3A_84, %broadcast_in_dim3A_86 : vector<128x128xi1>, vector<128x128xf32>
    %swap3A_88 = arith.constant 512 : index
    %swap3A_89 = arith.constant 0 : index
    %swap3A_90 = vector.load %arg3[%swap3A_88, %swap3A_89] : memref<16000x128xf32, #tpu.memory_space<vmem>>, vector<128x128xf32>
    tpu.vector_store %arg3[%swap3A_88, %swap3A_89], %select_n3A_87 {strides = array<i32>} : memref<16000x128xf32, #tpu.memory_space<vmem>>, vector<128x128xf32>,
    %get3A_91 = arith.constant 0 : index
    %get3A_92 = arith.constant 0 : index
    %get3A_93 = arith.constant 5 : index
    %get3A_94 = vector.load %arg1[%get3A_91, %get3A_92, %get3A_93] : memref<1x128x125xi32, #tpu.memory_space<vmem>>, vector<1x128x1xi32>
    %get3A_95 = vector.shape_cast %get3A_94 : vector<1x128x1xi32> to vector<128x1xi32>
    %eq3A_96 = arith.constant 0 : i32
    %eq3A_97 = vector.broadcast %eq3A_96 : i32 to vector<128x1xi32>
    %eq3A_98 = arith.cmpi eq, %get3A_95, %eq3A_97 : vector<128x1xi32>
    %broadcast_in_dim3A_99 = vector.shape_cast %eq3A_98 : vector<128x1xi1> to vector<128x1xi1>
    %broadcast_in_dim3A_100 = vector.broadcast %broadcast_in_dim3A_99 : vector<128x1xi1> to vector<128x128xi1>
    %broadcast_in_dim3A_101 = vector.shape_cast %get3A_1 : vector<1x128xf32> to vector<1x128xf32>
    %broadcast_in_dim3A_102 = vector.broadcast %broadcast_in_dim3A_101 : vector<1x128xf32> to vector<128x128xf32>
    %broadcast_in_dim3A_103 = vector.shape_cast %get3A_4 : vector<1x128xf32> to vector<1x128xf32>
    %broadcast_in_dim3A_104 = vector.broadcast %broadcast_in_dim3A_103 : vector<1x128xf32> to vector<128x128xf32>
    %select_n3A_105 = arith.select %broadcast_in_dim3A_100, %broadcast_in_dim3A_102, %broadcast_in_dim3A_104 : vector<128x128xi1>, vector<128x128xf32>
    %swap3A_106 = arith.constant 640 : index
    %swap3A_107 = arith.constant 0 : index
    %swap3A_108 = vector.load %arg3[%swap3A_106, %swap3A_107] : memref<16000x128xf32, #tpu.memory_space<vmem>>, vector<128x128xf32>
    tpu.vector_store %arg3[%swap3A_106, %swap3A_107], %select_n3A_105 {strides = array<i32>} : memref<16000x128xf32, #tpu.memory_space<vmem>>, vector<128x128xf32>,
    %get3A_109 = arith.constant 0 : index
    %get3A_110 = arith.constant 0 : index
    %get3A_111 = arith.constant 6 : index
    %get3A_112 = vector.load %arg1[%get3A_109, %get3A_110, %get3A_111] : memref<1x128x125xi32, #tpu.memory_space<vmem>>, vector<1x128x1xi32>
    %get3A_113 = vector.shape_cast %get3A_112 : vector<1x128x1xi32> to vector<128x1xi32>
    %eq3A_114 = arith.constant 0 : i32
    %eq3A_115 = vector.broadcast %eq3A_114 : i32 to vector<128x1xi32>
    %eq3A_116 = arith.cmpi eq, %get3A_113, %eq3A_115 : vector<128x1xi32>
    %broadcast_in_dim3A_117 = vector.shape_cast %eq3A_116 : vector<128x1xi1> to vector<128x1xi1>
    %broadcast_in_dim3A_118 = vector.broadcast %broadcast_in_dim3A_117 : vector<128x1xi1> to vector<128x128xi1>
    %broadcast_in_dim3A_119 = vector.shape_cast %get3A_1 : vector<1x128xf32> to vector<1x128xf32>
    %broadcast_in_dim3A_120 = vector.broadcast %broadcast_in_dim3A_119 : vector<1x128xf32> to vector<128x128xf32>
    %broadcast_in_dim3A_121 = vector.shape_cast %get3A_4 : vector<1x128xf32> to vector<1x128xf32>
    %broadcast_in_dim3A_122 = vector.broadcast %broadcast_in_dim3A_121 : vector<1x128xf32> to vector<128x128xf32>
    %select_n3A_123 = arith.select %broadcast_in_dim3A_118, %broadcast_in_dim3A_120, %broadcast_in_dim3A_122 : vector<128x128xi1>, vector<128x128xf32>
    %swap3A_124 = arith.constant 768 : index
    %swap3A_125 = arith.constant 0 : index
    %swap3A_126 = vector.load %arg3[%swap3A_124, %swap3A_125] : memref<16000x128xf32, #tpu.memory_space<vmem>>, vector<128x128xf32>
    tpu.vector_store %arg3[%swap3A_124, %swap3A_125], %select_n3A_123 {strides = array<i32>} : memref<16000x128xf32, #tpu.memory_space<vmem>>, vector<128x128xf32>,
    %get3A_127 = arith.constant 0 : index
    %get3A_128 = arith.constant 0 : index
    %get3A_129 = arith.constant 7 : index
    %get3A_130 = vector.load %arg1[%get3A_127, %get3A_128, %get3A_129] : memref<1x128x125xi32, #tpu.memory_space<vmem>>, vector<1x128x1xi32>
    %get3A_131 = vector.shape_cast %get3A_130 : vector<1x128x1xi32> to vector<128x1xi32>
    %eq3A_132 = arith.constant 0 : i32
    %eq3A_133 = vector.broadcast %eq3A_132 : i32 to vector<128x1xi32>
    %eq3A_134 = arith.cmpi eq, %get3A_131, %eq3A_133 : vector<128x1xi32>
    %broadcast_in_dim3A_135 = vector.shape_cast %eq3A_134 : vector<128x1xi1> to vector<128x1xi1>
    %broadcast_in_dim3A_136 = vector.broadcast %broadcast_in_dim3A_135 : vector<128x1xi1> to vector<128x128xi1>
    %broadcast_in_dim3A_137 = vector.shape_cast %get3A_1 : vector<1x128xf32> to vector<1x128xf32>
    %broadcast_in_dim3A_138 = vector.broadcast %broadcast_in_dim3A_137 : vector<1x128xf32> to vector<128x128xf32>
    %broadcast_in_dim3A_139 = vector.shape_cast %get3A_4 : vector<1x128xf32> to vector<1x128xf32>
    %broadcast_in_dim3A_140 = vector.broadcast %broadcast_in_dim3A_139 : vector<1x128xf32> to vector<128x128xf32>
    %select_n3A_141 = arith.select %broadcast_in_dim3A_136, %broadcast_in_dim3A_138, %broadcast_in_dim3A_140 : vector<128x128xi1>, vector<128x128xf32>
    %swap3A_142 = arith.constant 896 : index
    %swap3A_143 = arith.constant 0 : index
    %swap3A_144 = vector.load %arg3[%swap3A_142, %swap3A_143] : memref<16000x128xf32, #tpu.memory_space<vmem>>, vector<128x128xf32>
    tpu.vector_store %arg3[%swap3A_142, %swap3A_143], %select_n3A_141 {strides = array<i32>} : memref<16000x128xf32, #tpu.memory_space<vmem>>, vector<128x128xf32>,
    %get3A_145 = arith.constant 0 : index
    %get3A_146 = arith.constant 0 : index
    %get3A_147 = arith.constant 8 : index
    %get3A_148 = vector.load %arg1[%get3A_145, %get3A_146, %get3A_147] : memref<1x128x125xi32, #tpu.memory_space<vmem>>, vector<1x128x1xi32>
    %get3A_149 = vector.shape_cast %get3A_148 : vector<1x128x1xi32> to vector<128x1xi32>
    %eq3A_150 = arith.constant 0 : i32
    %eq3A_151 = vector.broadcast %eq3A_150 : i32 to vector<128x1xi32>
    %eq3A_152 = arith.cmpi eq, %get3A_149, %eq3A_151 : vector<128x1xi32>
    %broadcast_in_dim3A_153 = vector.shape_cast %eq3A_152 : vector<128x1xi1> to vector<128x1xi1>
    %broadcast_in_dim3A_154 = vector.broadcast %broadcast_in_dim3A_153 : vector<128x1xi1> to vector<128x128xi1>
    %broadcast_in_dim3A_155 = vector.shape_cast %get3A_1 : vector<1x128xf32> to vector<1x128xf32>
    %broadcast_in_dim3A_156 = vector.broadcast %broadcast_in_dim3A_155 : vector<1x128xf32> to vector<128x128xf32>
    %broadcast_in_dim3A_157 = vector.shape_cast %get3A_4 : vector<1x128xf32> to vector<1x128xf32>
    %broadcast_in_dim3A_158 = vector.broadcast %broadcast_in_dim3A_157 : vector<1x128xf32> to vector<128x128xf32>
    %select_n3A_159 = arith.select %broadcast_in_dim3A_154, %broadcast_in_dim3A_156, %broadcast_in_dim3A_158 : vector<128x128xi1>, vector<128x128xf32>
    %swap3A_160 = arith.constant 1024 : index
    %swap3A_161 = arith.constant 0 : index
    %swap3A_162 = vector.load %arg3[%swap3A_160, %swap3A_161] : memref<16000x128xf32, #tpu.memory_space<vmem>>, vector<128x128xf32>
    tpu.vector_store %arg3[%swap3A_160, %swap3A_161], %select_n3A_159 {strides = array<i32>} : memref<16000x128xf32, #tpu.memory_space<vmem>>, vector<128x128xf32>,
    %get3A_163 = arith.constant 0 : index
    %get3A_164 = arith.constant 0 : index
    %get3A_165 = arith.constant 9 : index
    %get3A_166 = vector.load %arg1[%get3A_163, %get3A_164, %get3A_165] : memref<1x128x125xi32, #tpu.memory_space<vmem>>, vector<1x128x1xi32>
    %get3A_167 = vector.shape_cast %get3A_166 : vector<1x128x1xi32> to vector<128x1xi32>
    %eq3A_168 = arith.constant 0 : i32
    %eq3A_169 = vector.broadcast %eq3A_168 : i32 to vector<128x1xi32>
    %eq3A_170 = arith.cmpi eq, %get3A_167, %eq3A_169 : vector<128x1xi32>
    %broadcast_in_dim3A_171 = vector.shape_cast %eq3A_170 : vector<128x1xi1> to vector<128x1xi1>
    %broadcast_in_dim3A_172 = vector.broadcast %broadcast_in_dim3A_171 : vector<128x1xi1> to vector<128x128xi1>
    %broadcast_in_dim3A_173 = vector.shape_cast %get3A_1 : vector<1x128xf32> to vector<1x128xf32>
    %broadcast_in_dim3A_174 = vector.broadcast %broadcast_in_dim3A_173 : vector<1x128xf32> to vector<128x128xf32>
    %broadcast_in_dim3A_175 = vector.shape_cast %get3A_4 : vector<1x128xf32> to vector<1x128xf32>
    %broadcast_in_dim3A_176 = vector.broadcast %broadcast_in_dim3A_175 : vector<1x128xf32> to vector<128x128xf32>
    %select_n3A_177 = arith.select %broadcast_in_dim3A_172, %broadcast_in_dim3A_174, %broadcast_in_dim3A_176 : vector<128x128xi1>, vector<128x128xf32>
    %swap3A_178 = arith.constant 1152 : index
    %swap3A_179 = arith.constant 0 : index
    %swap3A_180 = vector.load %arg3[%swap3A_178, %swap3A_179] : memref<16000x128xf32, #tpu.memory_space<vmem>>, vector<128x128xf32>
    tpu.vector_store %arg3[%swap3A_178, %swap3A_179], %select_n3A_177 {strides = array<i32>} : memref<16000x128xf32, #tpu.memory_space<vmem>>, vector<128x128xf32>,
    %get3A_181 = arith.constant 0 : index
    %get3A_182 = arith.constant 0 : index
    %get3A_183 = arith.constant 10 : index
    %get3A_184 = vector.load %arg1[%get3A_181, %get3A_182, %get3A_183] : memref<1x128x125xi32, #tpu.memory_space<vmem>>, vector<1x128x1xi32>
    %get3A_185 = vector.shape_cast %get3A_184 : vector<1x128x1xi32> to vector<128x1xi32>
    %eq3A_186 = arith.constant 0 : i32
    %eq3A_187 = vector.broadcast %eq3A_186 : i32 to vector<128x1xi32>
    %eq3A_188 = arith.cmpi eq, %get3A_185, %eq3A_187 : vector<128x1xi32>
    %broadcast_in_dim3A_189 = vector.shape_cast %eq3A_188 : vector<128x1xi1> to vector<128x1xi1>
    %broadcast_in_dim3A_190 = vector.broadcast %broadcast_in_dim3A_189 : vector<128x1xi1> to vector<128x128xi1>
    %broadcast_in_dim3A_191 = vector.shape_cast %get3A_1 : vector<1x128xf32> to vector<1x128xf32>
    %broadcast_in_dim3A_192 = vector.broadcast %broadcast_in_dim3A_191 : vector<1x128xf32> to vector<128x128xf32>
    %broadcast_in_dim3A_193 = vector.shape_cast %get3A_4 : vector<1x128xf32> to vector<1x128xf32>
    %broadcast_in_dim3A_194 = vector.broadcast %broadcast_in_dim3A_193 : vector<1x128xf32> to vector<128x128xf32>
    %select_n3A_195 = arith.select %broadcast_in_dim3A_190, %broadcast_in_dim3A_192, %broadcast_in_dim3A_194 : vector<128x128xi1>, vector<128x128xf32>
    %swap3A_196 = arith.constant 1280 : index
    %swap3A_197 = arith.constant 0 : index
    %swap3A_198 = vector.load %arg3[%swap3A_196, %swap3A_197] : memref<16000x128xf32, #tpu.memory_space<vmem>>, vector<128x128xf32>
    tpu.vector_store %arg3[%swap3A_196, %swap3A_197], %select_n3A_195 {strides = array<i32>} : memref<16000x128xf32, #tpu.memory_space<vmem>>, vector<128x128xf32>,
    %get3A_199 = arith.constant 0 : index
    %get3A_200 = arith.constant 0 : index
    %get3A_201 = arith.constant 11 : index
    %get3A_202 = vector.load %arg1[%get3A_199, %get3A_200, %get3A_201] : memref<1x128x125xi32, #tpu.memory_space<vmem>>, vector<1x128x1xi32>
    %get3A_203 = vector.shape_cast %get3A_202 : vector<1x128x1xi32> to vector<128x1xi32>
    %eq3A_204 = arith.constant 0 : i32
    %eq3A_205 = vector.broadcast %eq3A_204 : i32 to vector<128x1xi32>
    %eq3A_206 = arith.cmpi eq, %get3A_203, %eq3A_205 : vector<128x1xi32>
    %broadcast_in_dim3A_207 = vector.shape_cast %eq3A_206 : vector<128x1xi1> to vector<128x1xi1>
    %broadcast_in_dim3A_208 = vector.broadcast %broadcast_in_dim3A_207 : vector<128x1xi1> to vector<128x128xi1>
    %broadcast_in_dim3A_209 = vector.shape_cast %get3A_1 : vector<1x128xf32> to vector<1x128xf32>
    %broadcast_in_dim3A_210 = vector.broadcast %broadcast_in_dim3A_209 : vector<1x128xf32> to vector<128x128xf32>
    %broadcast_in_dim3A_211 = vector.shape_cast %get3A_4 : vector<1x128xf32> to vector<1x128xf32>
    %broadcast_in_dim3A_212 = vector.broadcast %broadcast_in_dim3A_211 : vector<1x128xf32> to vector<128x128xf32>
    %select_n3A_213 = arith.select %broadcast_in_dim3A_208, %broadcast_in_dim3A_210, %broadcast_in_dim3A_212 : vector<128x128xi1>, vector<128x128xf32>
    %swap3A_214 = arith.constant 1408 : index
    %swap3A_215 = arith.constant 0 : index
    %swap3A_216 = vector.load %arg3[%swap3A_214, %swap3A_215] : memref<16000x128xf32, #tpu.memory_space<vmem>>, vector<128x128xf32>
    tpu.vector_store %arg3[%swap3A_214, %swap3A_215], %select_n3A_213 {strides = array<i32>} : memref<16000x128xf32, #tpu.memory_space<vmem>>, vector<128x128xf32>,
    %get3A_217 = arith.constant 0 : index
    %get3A_218 = arith.constant 0 : index
    %get3A_219 = arith.constant 12 : index
    %get3A_220 = vector.load %arg1[%get3A_217, %get3A_218, %get3A_219] : memref<1x128x125xi32, #tpu.memory_space<vmem>>, vector<1x128x1xi32>
    %get3A_221 = vector.shape_cast %get3A_220 : vector<1x128x1xi32> to vector<128x1xi32>
    %eq3A_222 = arith.constant 0 : i32
    %eq3A_223 = vector.broadcast %eq3A_222 : i32 to vector<128x1xi32>
    %eq3A_224 = arith.cmpi eq, %get3A_221, %eq3A_223 : vector<128x1xi32>
    %broadcast_in_dim3A_225 = vector.shape_cast %eq3A_224 : vector<128x1xi1> to vector<128x1xi1>
    %broadcast_in_dim3A_226 = vector.broadcast %broadcast_in_dim3A_225 : vector<128x1xi1> to vector<128x128xi1>
    %broadcast_in_dim3A_227 = vector.shape_cast %get3A_1 : vector<1x128xf32> to vector<1x128xf32>
    %broadcast_in_dim3A_228 = vector.broadcast %broadcast_in_dim3A_227 : vector<1x128xf32> to vector<128x128xf32>
    %broadcast_in_dim3A_229 = vector.shape_cast %get3A_4 : vector<1x128xf32> to vector<1x128xf32>
    %broadcast_in_dim3A_230 = vector.broadcast %broadcast_in_dim3A_229 : vector<1x128xf32> to vector<128x128xf32>
    %select_n3A_231 = arith.select %broadcast_in_dim3A_226, %broadcast_in_dim3A_228, %broadcast_in_dim3A_230 : vector<128x128xi1>, vector<128x128xf32>
    %swap3A_232 = arith.constant 1536 : index
    %swap3A_233 = arith.constant 0 : index
    %swap3A_234 = vector.load %arg3[%swap3A_232, %swap3A_233] : memref<16000x128xf32, #tpu.memory_space<vmem>>, vector<128x128xf32>
    tpu.vector_store %arg3[%swap3A_232, %swap3A_233], %select_n3A_231 {strides = array<i32>} : memref<16000x128xf32, #tpu.memory_space<vmem>>, vector<128x128xf32>,
    %get3A_235 = arith.constant 0 : index
    %get3A_236 = arith.constant 0 : index
    %get3A_237 = arith.constant 13 : index
    %get3A_238 = vector.load %arg1[%get3A_235, %get3A_236, %get3A_237] : memref<1x128x125xi32, #tpu.memory_space<vmem>>, vector<1x128x1xi32>
    %get3A_239 = vector.shape_cast %get3A_238 : vector<1x128x1xi32> to vector<128x1xi32>
    %eq3A_240 = arith.constant 0 : i32
    %eq3A_241 = vector.broadcast %eq3A_240 : i32 to vector<128x1xi32>
    %eq3A_242 = arith.cmpi eq, %get3A_239, %eq3A_241 : vector<128x1xi32>
    %broadcast_in_dim3A_243 = vector.shape_cast %eq3A_242 : vector<128x1xi1> to vector<128x1xi1>
    %broadcast_in_dim3A_244 = vector.broadcast %broadcast_in_dim3A_243 : vector<128x1xi1> to vector<128x128xi1>
    %broadcast_in_dim3A_245 = vector.shape_cast %get3A_1 : vector<1x128xf32> to vector<1x128xf32>
    %broadcast_in_dim3A_246 = vector.broadcast %broadcast_in_dim3A_245 : vector<1x128xf32> to vector<128x128xf32>
    %broadcast_in_dim3A_247 = vector.shape_cast %get3A_4 : vector<1x128xf32> to vector<1x128xf32>
    %broadcast_in_dim3A_248 = vector.broadcast %broadcast_in_dim3A_247 : vector<1x128xf32> to vector<128x128xf32>
    %select_n3A_249 = arith.select %broadcast_in_dim3A_244, %broadcast_in_dim3A_246, %broadcast_in_dim3A_248 : vector<128x128xi1>, vector<128x128xf32>
    %swap3A_250 = arith.constant 1664 : index
    %swap3A_251 = arith.constant 0 : index
    %swap3A_252 = vector.load %arg3[%swap3A_250, %swap3A_251] : memref<16000x128xf32, #tpu.memory_space<vmem>>, vector<128x128xf32>
    tpu.vector_store %arg3[%swap3A_250, %swap3A_251], %select_n3A_249 {strides = array<i32>} : memref<16000x128xf32, #tpu.memory_space<vmem>>, vector<128x128xf32>,
    %get3A_253 = arith.constant 0 : index
    %get3A_254 = arith.constant 0 : index
    %get3A_255 = arith.constant 14 : index
    %get3A_256 = vector.load %arg1[%get3A_253, %get3A_254, %get3A_255] : memref<1x128x125xi32, #tpu.memory_space<vmem>>, vector<1x128x1xi32>
    %get3A_257 = vector.shape_cast %get3A_256 : vector<1x128x1xi32> to vector<128x1xi32>
    %eq3A_258 = arith.constant 0 : i32
    %eq3A_259 = vector.broadcast %eq3A_258 : i32 to vector<128x1xi32>
    %eq3A_260 = arith.cmpi eq, %get3A_257, %eq3A_259 : vector<128x1xi32>
    %broadcast_in_dim3A_261 = vector.shape_cast %eq3A_260 : vector<128x1xi1> to vector<128x1xi1>
    %broadcast_in_dim3A_262 = vector.broadcast %broadcast_in_dim3A_261 : vector<128x1xi1> to vector<128x128xi1>
    %broadcast_in_dim3A_263 = vector.shape_cast %get3A_1 : vector<1x128xf32> to vector<1x128xf32>
    %broadcast_in_dim3A_264 = vector.broadcast %broadcast_in_dim3A_263 : vector<1x128xf32> to vector<128x128xf32>
    %broadcast_in_dim3A_265 = vector.shape_cast %get3A_4 : vector<1x128xf32> to vector<1x128xf32>
    %broadcast_in_dim3A_266 = vector.broadcast %broadcast_in_dim3A_265 : vector<1x128xf32> to vector<128x128xf32>
    %select_n3A_267 = arith.select %broadcast_in_dim3A_262, %broadcast_in_dim3A_264, %broadcast_in_dim3A_266 : vector<128x128xi1>, vector<128x128xf32>
    %swap3A_268 = arith.constant 1792 : index
    %swap3A_269 = arith.constant 0 : index
    %swap3A_270 = vector.load %arg3[%swap3A_268, %swap3A_269] : memref<16000x128xf32, #tpu.memory_space<vmem>>, vector<128x128xf32>
    tpu.vector_store %arg3[%swap3A_268, %swap3A_269], %select_n3A_267 {strides = array<i32>} : memref<16000x128xf32, #tpu.memory_space<vmem>>, vector<128x128xf32>,
    %get3A_271 = arith.constant 0 : index
    %get3A_272 = arith.constant 0 : index
    %get3A_273 = arith.constant 15 : index
    %get3A_274 = vector.load %arg1[%get3A_271, %get3A_272, %get3A_273] : memref<1x128x125xi32, #tpu.memory_space<vmem>>, vector<1x128x1xi32>
    %get3A_275 = vector.shape_cast %get3A_274 : vector<1x128x1xi32> to vector<128x1xi32>
    %eq3A_276 = arith.constant 0 : i32
    %eq3A_277 = vector.broadcast %eq3A_276 : i32 to vector<128x1xi32>
    %eq3A_278 = arith.cmpi eq, %get3A_275, %eq3A_277 : vector<128x1xi32>
    %broadcast_in_dim3A_279 = vector.shape_cast %eq3A_278 : vector<128x1xi1> to vector<128x1xi1>
    %broadcast_in_dim3A_280 = vector.broadcast %broadcast_in_dim3A_279 : vector<128x1xi1> to vector<128x128xi1>
    %broadcast_in_dim3A_281 = vector.shape_cast %get3A_1 : vector<1x128xf32> to vector<1x128xf32>
    %broadcast_in_dim3A_282 = vector.broadcast %broadcast_in_dim3A_281 : vector<1x128xf32> to vector<128x128xf32>
    %broadcast_in_dim3A_283 = vector.shape_cast %get3A_4 : vector<1x128xf32> to vector<1x128xf32>
    %broadcast_in_dim3A_284 = vector.broadcast %broadcast_in_dim3A_283 : vector<1x128xf32> to vector<128x128xf32>
    %select_n3A_285 = arith.select %broadcast_in_dim3A_280, %broadcast_in_dim3A_282, %broadcast_in_dim3A_284 : vector<128x128xi1>, vector<128x128xf32>
    %swap3A_286 = arith.constant 1920 : index
    %swap3A_287 = arith.constant 0 : index
    %swap3A_288 = vector.load %arg3[%swap3A_286, %swap3A_287] : memref<16000x128xf32, #tpu.memory_space<vmem>>, vector<128x128xf32>
    tpu.vector_store %arg3[%swap3A_286, %swap3A_287], %select_n3A_285 {strides = array<i32>} : memref<16000x128xf32, #tpu.memory_space<vmem>>, vector<128x128xf32>,
    %get3A_289 = arith.constant 0 : index
    %get3A_290 = arith.constant 0 : index
    %get3A_291 = arith.constant 16 : index
    %get3A_292 = vector.load %arg1[%get3A_289, %get3A_290, %get3A_291] : memref<1x128x125xi32, #tpu.memory_space<vmem>>, vector<1x128x1xi32>
    %get3A_293 = vector.shape_cast %get3A_292 : vector<1x128x1xi32> to vector<128x1xi32>
    %eq3A_294 = arith.constant 0 : i32
    %eq3A_295 = vector.broadcast %eq3A_294 : i32 to vector<128x1xi32>
    %eq3A_296 = arith.cmpi eq, %get3A_293, %eq3A_295 : vector<128x1xi32>
    %broadcast_in_dim3A_297 = vector.shape_cast %eq3A_296 : vector<128x1xi1> to vector<128x1xi1>
    %broadcast_in_dim3A_298 = vector.broadcast %broadcast_in_dim3A_297 : vector<128x1xi1> to vector<128x128xi1>
    %broadcast_in_dim3A_299 = vector.shape_cast %get3A_1 : vector<1x128xf32> to vector<1x128xf32>
    %broadcast_in_dim3A_300 = vector.broadcast %broadcast_in_dim3A_299 : vector<1x128xf32> to vector<128x128xf32>
    %broadcast_in_dim3A_301 = vector.shape_cast %get3A_4 : vector<1x128xf32> to vector<1x128xf32>
    %broadcast_in_dim3A_302 = vector.broadcast %broadcast_in_dim3A_301 : vector<1x128xf32> to vector<128x128xf32>
    %select_n3A_303 = arith.select %broadcast_in_dim3A_298, %broadcast_in_dim3A_300, %broadcast_in_dim3A_302 : vector<128x128xi1>, vector<128x128xf32>
    %swap3A_304 = arith.constant 2048 : index
    %swap3A_305 = arith.constant 0 : index
    %swap3A_306 = vector.load %arg3[%swap3A_304, %swap3A_305] : memref<16000x128xf32, #tpu.memory_space<vmem>>, vector<128x128xf32>
    tpu.vector_store %arg3[%swap3A_304, %swap3A_305], %select_n3A_303 {strides = array<i32>} : memref<16000x128xf32, #tpu.memory_space<vmem>>, vector<128x128xf32>,
    %get3A_307 = arith.constant 0 : index
    %get3A_308 = arith.constant 0 : index
    %get3A_309 = arith.constant 17 : index
    %get3A_310 = vector.load %arg1[%get3A_307, %get3A_308, %get3A_309] : memref<1x128x125xi32, #tpu.memory_space<vmem>>, vector<1x128x1xi32>
    %get3A_311 = vector.shape_cast %get3A_310 : vector<1x128x1xi32> to vector<128x1xi32>
    %eq3A_312 = arith.constant 0 : i32
    %eq3A_313 = vector.broadcast %eq3A_312 : i32 to vector<128x1xi32>
    %eq3A_314 = arith.cmpi eq, %get3A_311, %eq3A_313 : vector<128x1xi32>
    %broadcast_in_dim3A_315 = vector.shape_cast %eq3A_314 : vector<128x1xi1> to vector<128x1xi1>
    %broadcast_in_dim3A_316 = vector.broadcast %broadcast_in_dim3A_315 : vector<128x1xi1> to vector<128x128xi1>
    %broadcast_in_dim3A_317 = vector.shape_cast %get3A_1 : vector<1x128xf32> to vector<1x128xf32>
    %broadcast_in_dim3A_318 = vector.broadcast %broadcast_in_dim3A_317 : vector<1x128xf32> to vector<128x128xf32>
    %broadcast_in_dim3A_319 = vector.shape_cast %get3A_4 : vector<1x128xf32> to vector<1x128xf32>
    %broadcast_in_dim3A_320 = vector.broadcast %broadcast_in_dim3A_319 : vector<1x128xf32> to vector<128x128xf32>
    %select_n3A_321 = arith.select %broadcast_in_dim3A_316, %broadcast_in_dim3A_318, %broadcast_in_dim3A_320 : vector<128x128xi1>, vector<128x128xf32>
    %swap3A_322 = arith.constant 2176 : index
    %swap3A_323 = arith.constant 0 : index
    %swap3A_324 = vector.load %arg3[%swap3A_322, %swap3A_323] : memref<16000x128xf32, #tpu.memory_space<vmem>>, vector<128x128xf32>
    tpu.vector_store %arg3[%swap3A_322, %swap3A_323], %select_n3A_321 {strides = array<i32>} : memref<16000x128xf32, #tpu.memory_space<vmem>>, vector<128x128xf32>,
    %get3A_325 = arith.constant 0 : index
    %get3A_326 = arith.constant 0 : index
    %get3A_327 = arith.constant 18 : index
    %get3A_328 = vector.load %arg1[%get3A_325, %get3A_326, %get3A_327] : memref<1x128x125xi32, #tpu.memory_space<vmem>>, vector<1x128x1xi32>
    %get3A_329 = vector.shape_cast %get3A_328 : vector<1x128x1xi32> to vector<128x1xi32>
    %eq3A_330 = arith.constant 0 : i32
    %eq3A_331 = vector.broadcast %eq3A_330 : i32 to vector<128x1xi32>
    %eq3A_332 = arith.cmpi eq, %get3A_329, %eq3A_331 : vector<128x1xi32>
    %broadcast_in_dim3A_333 = vector.shape_cast %eq3A_332 : vector<128x1xi1> to vector<128x1xi1>
    %broadcast_in_dim3A_334 = vector.broadcast %broadcast_in_dim3A_333 : vector<128x1xi1> to vector<128x128xi1>
    %broadcast_in_dim3A_335 = vector.shape_cast %get3A_1 : vector<1x128xf32> to vector<1x128xf32>
    %broadcast_in_dim3A_336 = vector.broadcast %broadcast_in_dim3A_335 : vector<1x128xf32> to vector<128x128xf32>
    %broadcast_in_dim3A_337 = vector.shape_cast %get3A_4 : vector<1x128xf32> to vector<1x128xf32>
    %broadcast_in_dim3A_338 = vector.broadcast %broadcast_in_dim3A_337 : vector<1x128xf32> to vector<128x128xf32>
    %select_n3A_339 = arith.select %broadcast_in_dim3A_334, %broadcast_in_dim3A_336, %broadcast_in_dim3A_338 : vector<128x128xi1>, vector<128x128xf32>
    %swap3A_340 = arith.constant 2304 : index
    %swap3A_341 = arith.constant 0 : index
    %swap3A_342 = vector.load %arg3[%swap3A_340, %swap3A_341] : memref<16000x128xf32, #tpu.memory_space<vmem>>, vector<128x128xf32>
    tpu.vector_store %arg3[%swap3A_340, %swap3A_341], %select_n3A_339 {strides = array<i32>} : memref<16000x128xf32, #tpu.memory_space<vmem>>, vector<128x128xf32>,
    %get3A_343 = arith.constant 0 : index
    %get3A_344 = arith.constant 0 : index
    %get3A_345 = arith.constant 19 : index
    %get3A_346 = vector.load %arg1[%get3A_343, %get3A_344, %get3A_345] : memref<1x128x125xi32, #tpu.memory_space<vmem>>, vector<1x128x1xi32>
    %get3A_347 = vector.shape_cast %get3A_346 : vector<1x128x1xi32> to vector<128x1xi32>
    %eq3A_348 = arith.constant 0 : i32
    %eq3A_349 = vector.broadcast %eq3A_348 : i32 to vector<128x1xi32>
    %eq3A_350 = arith.cmpi eq, %get3A_347, %eq3A_349 : vector<128x1xi32>
    %broadcast_in_dim3A_351 = vector.shape_cast %eq3A_350 : vector<128x1xi1> to vector<128x1xi1>
    %broadcast_in_dim3A_352 = vector.broadcast %broadcast_in_dim3A_351 : vector<128x1xi1> to vector<128x128xi1>
    %broadcast_in_dim3A_353 = vector.shape_cast %get3A_1 : vector<1x128xf32> to vector<1x128xf32>
    %broadcast_in_dim3A_354 = vector.broadcast %broadcast_in_dim3A_353 : vector<1x128xf32> to vector<128x128xf32>
    %broadcast_in_dim3A_355 = vector.shape_cast %get3A_4 : vector<1x128xf32> to vector<1x128xf32>
    %broadcast_in_dim3A_356 = vector.broadcast %broadcast_in_dim3A_355 : vector<1x128xf32> to vector<128x128xf32>
    %select_n3A_357 = arith.select %broadcast_in_dim3A_352, %broadcast_in_dim3A_354, %broadcast_in_dim3A_356 : vector<128x128xi1>, vector<128x128xf32>
    %swap3A_358 = arith.constant 2432 : index
    %swap3A_359 = arith.constant 0 : index
    %swap3A_360 = vector.load %arg3[%swap3A_358, %swap3A_359] : memref<16000x128xf32, #tpu.memory_space<vmem>>, vector<128x128xf32>
    tpu.vector_store %arg3[%swap3A_358, %swap3A_359], %select_n3A_357 {strides = array<i32>} : memref<16000x128xf32, #tpu.memory_space<vmem>>, vector<128x128xf32>,
    %get3A_361 = arith.constant 0 : index
    %get3A_362 = arith.constant 0 : index
    %get3A_363 = arith.constant 20 : index
    %get3A_364 = vector.load %arg1[%get3A_361, %get3A_362, %get3A_363] : memref<1x128x125xi32, #tpu.memory_space<vmem>>, vector<1x128x1xi32>
    %get3A_365 = vector.shape_cast %get3A_364 : vector<1x128x1xi32> to vector<128x1xi32>
    %eq3A_366 = arith.constant 0 : i32
    %eq3A_367 = vector.broadcast %eq3A_366 : i32 to vector<128x1xi32>
    %eq3A_368 = arith.cmpi eq, %get3A_365, %eq3A_367 : vector<128x1xi32>
    %broadcast_in_dim3A_369 = vector.shape_cast %eq3A_368 : vector<128x1xi1> to vector<128x1xi1>
    %broadcast_in_dim3A_370 = vector.broadcast %broadcast_in_dim3A_369 : vector<128x1xi1> to vector<128x128xi1>
    %broadcast_in_dim3A_371 = vector.shape_cast %get3A_1 : vector<1x128xf32> to vector<1x128xf32>
    %broadcast_in_dim3A_372 = vector.broadcast %broadcast_in_dim3A_371 : vector<1x128xf32> to vector<128x128xf32>
    %broadcast_in_dim3A_373 = vector.shape_cast %get3A_4 : vector<1x128xf32> to vector<1x128xf32>
    %broadcast_in_dim3A_374 = vector.broadcast %broadcast_in_dim3A_373 : vector<1x128xf32> to vector<128x128xf32>
    %select_n3A_375 = arith.select %broadcast_in_dim3A_370, %broadcast_in_dim3A_372, %broadcast_in_dim3A_374 : vector<128x128xi1>, vector<128x128xf32>
    %swap3A_376 = arith.constant 2560 : index
    %swap3A_377 = arith.constant 0 : index
    %swap3A_378 = vector.load %arg3[%swap3A_376, %swap3A_377] : memref<16000x128xf32, #tpu.memory_space<vmem>>, vector<128x128xf32>
    tpu.vector_store %arg3[%swap3A_376, %swap3A_377], %select_n3A_375 {strides = array<i32>} : memref<16000x128xf32, #tpu.memory_space<vmem>>, vector<128x128xf32>,
    %get3A_379 = arith.constant 0 : index
    %get3A_380 = arith.constant 0 : index
    %get3A_381 = arith.constant 21 : index
    %get3A_382 = vector.load %arg1[%get3A_379, %get3A_380, %get3A_381] : memref<1x128x125xi32, #tpu.memory_space<vmem>>, vector<1x128x1xi32>
    %get3A_383 = vector.shape_cast %get3A_382 : vector<1x128x1xi32> to vector<128x1xi32>
    %eq3A_384 = arith.constant 0 : i32
    %eq3A_385 = vector.broadcast %eq3A_384 : i32 to vector<128x1xi32>
    %eq3A_386 = arith.cmpi eq, %get3A_383, %eq3A_385 : vector<128x1xi32>
    %broadcast_in_dim3A_387 = vector.shape_cast %eq3A_386 : vector<128x1xi1> to vector<128x1xi1>
    %broadcast_in_dim3A_388 = vector.broadcast %broadcast_in_dim3A_387 : vector<128x1xi1> to vector<128x128xi1>
    %broadcast_in_dim3A_389 = vector.shape_cast %get3A_1 : vector<1x128xf32> to vector<1x128xf32>
    %broadcast_in_dim3A_390 = vector.broadcast %broadcast_in_dim3A_389 : vector<1x128xf32> to vector<128x128xf32>
    %broadcast_in_dim3A_391 = vector.shape_cast %get3A_4 : vector<1x128xf32> to vector<1x128xf32>
    %broadcast_in_dim3A_392 = vector.broadcast %broadcast_in_dim3A_391 : vector<1x128xf32> to vector<128x128xf32>
    %select_n3A_393 = arith.select %broadcast_in_dim3A_388, %broadcast_in_dim3A_390, %broadcast_in_dim3A_392 : vector<128x128xi1>, vector<128x128xf32>
    %swap3A_394 = arith.constant 2688 : index
    %swap3A_395 = arith.constant 0 : index
    %swap3A_396 = vector.load %arg3[%swap3A_394, %swap3A_395] : memref<16000x128xf32, #tpu.memory_space<vmem>>, vector<128x128xf32>
    tpu.vector_store %arg3[%swap3A_394, %swap3A_395], %select_n3A_393 {strides = array<i32>} : memref<16000x128xf32, #tpu.memory_space<vmem>>, vector<128x128xf32>,
    %get3A_397 = arith.constant 0 : index
    %get3A_398 = arith.constant 0 : index
    %get3A_399 = arith.constant 22 : index
    %get3A_400 = vector.load %arg1[%get3A_397, %get3A_398, %get3A_399] : memref<1x128x125xi32, #tpu.memory_space<vmem>>, vector<1x128x1xi32>
    %get3A_401 = vector.shape_cast %get3A_400 : vector<1x128x1xi32> to vector<128x1xi32>
    %eq3A_402 = arith.constant 0 : i32
    %eq3A_403 = vector.broadcast %eq3A_402 : i32 to vector<128x1xi32>
    %eq3A_404 = arith.cmpi eq, %get3A_401, %eq3A_403 : vector<128x1xi32>
    %broadcast_in_dim3A_405 = vector.shape_cast %eq3A_404 : vector<128x1xi1> to vector<128x1xi1>
    %broadcast_in_dim3A_406 = vector.broadcast %broadcast_in_dim3A_405 : vector<128x1xi1> to vector<128x128xi1>
    %broadcast_in_dim3A_407 = vector.shape_cast %get3A_1 : vector<1x128xf32> to vector<1x128xf32>
    %broadcast_in_dim3A_408 = vector.broadcast %broadcast_in_dim3A_407 : vector<1x128xf32> to vector<128x128xf32>
    %broadcast_in_dim3A_409 = vector.shape_cast %get3A_4 : vector<1x128xf32> to vector<1x128xf32>
    %broadcast_in_dim3A_410 = vector.broadcast %broadcast_in_dim3A_409 : vector<1x128xf32> to vector<128x128xf32>
    %select_n3A_411 = arith.select %broadcast_in_dim3A_406, %broadcast_in_dim3A_408, %broadcast_in_dim3A_410 : vector<128x128xi1>, vector<128x128xf32>
    %swap3A_412 = arith.constant 2816 : index
    %swap3A_413 = arith.constant 0 : index
    %swap3A_414 = vector.load %arg3[%swap3A_412, %swap3A_413] : memref<16000x128xf32, #tpu.memory_space<vmem>>, vector<128x128xf32>
    tpu.vector_store %arg3[%swap3A_412, %swap3A_413], %select_n3A_411 {strides = array<i32>} : memref<16000x128xf32, #tpu.memory_space<vmem>>, vector<128x128xf32>,
    %get3A_415 = arith.constant 0 : index
    %get3A_416 = arith.constant 0 : index
    %get3A_417 = arith.constant 23 : index
    %get3A_418 = vector.load %arg1[%get3A_415, %get3A_416, %get3A_417] : memref<1x128x125xi32, #tpu.memory_space<vmem>>, vector<1x128x1xi32>
    %get3A_419 = vector.shape_cast %get3A_418 : vector<1x128x1xi32> to vector<128x1xi32>
    %eq3A_420 = arith.constant 0 : i32
    %eq3A_421 = vector.broadcast %eq3A_420 : i32 to vector<128x1xi32>
    %eq3A_422 = arith.cmpi eq, %get3A_419, %eq3A_421 : vector<128x1xi32>
    %broadcast_in_dim3A_423 = vector.shape_cast %eq3A_422 : vector<128x1xi1> to vector<128x1xi1>
    %broadcast_in_dim3A_424 = vector.broadcast %broadcast_in_dim3A_423 : vector<128x1xi1> to vector<128x128xi1>
    %broadcast_in_dim3A_425 = vector.shape_cast %get3A_1 : vector<1x128xf32> to vector<1x128xf32>
    %broadcast_in_dim3A_426 = vector.broadcast %broadcast_in_dim3A_425 : vector<1x128xf32> to vector<128x128xf32>
    %broadcast_in_dim3A_427 = vector.shape_cast %get3A_4 : vector<1x128xf32> to vector<1x128xf32>
    %broadcast_in_dim3A_428 = vector.broadcast %broadcast_in_dim3A_427 : vector<1x128xf32> to vector<128x128xf32>
    %select_n3A_429 = arith.select %broadcast_in_dim3A_424, %broadcast_in_dim3A_426, %broadcast_in_dim3A_428 : vector<128x128xi1>, vector<128x128xf32>
    %swap3A_430 = arith.constant 2944 : index
    %swap3A_431 = arith.constant 0 : index
    %swap3A_432 = vector.load %arg3[%swap3A_430, %swap3A_431] : memref<16000x128xf32, #tpu.memory_space<vmem>>, vector<128x128xf32>
    tpu.vector_store %arg3[%swap3A_430, %swap3A_431], %select_n3A_429 {strides = array<i32>} : memref<16000x128xf32, #tpu.memory_space<vmem>>, vector<128x128xf32>,
    %get3A_433 = arith.constant 0 : index
    %get3A_434 = arith.constant 0 : index
    %get3A_435 = arith.constant 24 : index
    %get3A_436 = vector.load %arg1[%get3A_433, %get3A_434, %get3A_435] : memref<1x128x125xi32, #tpu.memory_space<vmem>>, vector<1x128x1xi32>
    %get3A_437 = vector.shape_cast %get3A_436 : vector<1x128x1xi32> to vector<128x1xi32>
    %eq3A_438 = arith.constant 0 : i32
    %eq3A_439 = vector.broadcast %eq3A_438 : i32 to vector<128x1xi32>
    %eq3A_440 = arith.cmpi eq, %get3A_437, %eq3A_439 : vector<128x1xi32>
    %broadcast_in_dim3A_441 = vector.shape_cast %eq3A_440 : vector<128x1xi1> to vector<128x1xi1>
    %broadcast_in_dim3A_442 = vector.broadcast %broadcast_in_dim3A_441 : vector<128x1xi1> to vector<128x128xi1>
    %broadcast_in_dim3A_443 = vector.shape_cast %get3A_1 : vector<1x128xf32> to vector<1x128xf32>
    %broadcast_in_dim3A_444 = vector.broadcast %broadcast_in_dim3A_443 : vector<1x128xf32> to vector<128x128xf32>
    %broadcast_in_dim3A_445 = vector.shape_cast %get3A_4 : vector<1x128xf32> to vector<1x128xf32>
    %broadcast_in_dim3A_446 = vector.broadcast %broadcast_in_dim3A_445 : vector<1x128xf32> to vector<128x128xf32>
    %select_n3A_447 = arith.select %broadcast_in_dim3A_442, %broadcast_in_dim3A_444, %broadcast_in_dim3A_446 : vector<128x128xi1>, vector<128x128xf32>
    %swap3A_448 = arith.constant 3072 : index
    %swap3A_449 = arith.constant 0 : index
    %swap3A_450 = vector.load %arg3[%swap3A_448, %swap3A_449] : memref<16000x128xf32, #tpu.memory_space<vmem>>, vector<128x128xf32>
    tpu.vector_store %arg3[%swap3A_448, %swap3A_449], %select_n3A_447 {strides = array<i32>} : memref<16000x128xf32, #tpu.memory_space<vmem>>, vector<128x128xf32>,
    %get3A_451 = arith.constant 0 : index
    %get3A_452 = arith.constant 0 : index
    %get3A_453 = arith.constant 25 : index
    %get3A_454 = vector.load %arg1[%get3A_451, %get3A_452, %get3A_453] : memref<1x128x125xi32, #tpu.memory_space<vmem>>, vector<1x128x1xi32>
    %get3A_455 = vector.shape_cast %get3A_454 : vector<1x128x1xi32> to vector<128x1xi32>
    %eq3A_456 = arith.constant 0 : i32
    %eq3A_457 = vector.broadcast %eq3A_456 : i32 to vector<128x1xi32>
    %eq3A_458 = arith.cmpi eq, %get3A_455, %eq3A_457 : vector<128x1xi32>
    %broadcast_in_dim3A_459 = vector.shape_cast %eq3A_458 : vector<128x1xi1> to vector<128x1xi1>
    %broadcast_in_dim3A_460 = vector.broadcast %broadcast_in_dim3A_459 : vector<128x1xi1> to vector<128x128xi1>
    %broadcast_in_dim3A_461 = vector.shape_cast %get3A_1 : vector<1x128xf32> to vector<1x128xf32>
    %broadcast_in_dim3A_462 = vector.broadcast %broadcast_in_dim3A_461 : vector<1x128xf32> to vector<128x128xf32>
    %broadcast_in_dim3A_463 = vector.shape_cast %get3A_4 : vector<1x128xf32> to vector<1x128xf32>
    %broadcast_in_dim3A_464 = vector.broadcast %broadcast_in_dim3A_463 : vector<1x128xf32> to vector<128x128xf32>
    %select_n3A_465 = arith.select %broadcast_in_dim3A_460, %broadcast_in_dim3A_462, %broadcast_in_dim3A_464 : vector<128x128xi1>, vector<128x128xf32>
    %swap3A_466 = arith.constant 3200 : index
    %swap3A_467 = arith.constant 0 : index
    %swap3A_468 = vector.load %arg3[%swap3A_466, %swap3A_467] : memref<16000x128xf32, #tpu.memory_space<vmem>>, vector<128x128xf32>
    tpu.vector_store %arg3[%swap3A_466, %swap3A_467], %select_n3A_465 {strides = array<i32>} : memref<16000x128xf32, #tpu.memory_space<vmem>>, vector<128x128xf32>,
    %get3A_469 = arith.constant 0 : index
    %get3A_470 = arith.constant 0 : index
    %get3A_471 = arith.constant 26 : index
    %get3A_472 = vector.load %arg1[%get3A_469, %get3A_470, %get3A_471] : memref<1x128x125xi32, #tpu.memory_space<vmem>>, vector<1x128x1xi32>
    %get3A_473 = vector.shape_cast %get3A_472 : vector<1x128x1xi32> to vector<128x1xi32>
    %eq3A_474 = arith.constant 0 : i32
    %eq3A_475 = vector.broadcast %eq3A_474 : i32 to vector<128x1xi32>
    %eq3A_476 = arith.cmpi eq, %get3A_473, %eq3A_475 : vector<128x1xi32>
    %broadcast_in_dim3A_477 = vector.shape_cast %eq3A_476 : vector<128x1xi1> to vector<128x1xi1>
    %broadcast_in_dim3A_478 = vector.broadcast %broadcast_in_dim3A_477 : vector<128x1xi1> to vector<128x128xi1>
    %broadcast_in_dim3A_479 = vector.shape_cast %get3A_1 : vector<1x128xf32> to vector<1x128xf32>
    %broadcast_in_dim3A_480 = vector.broadcast %broadcast_in_dim3A_479 : vector<1x128xf32> to vector<128x128xf32>
    %broadcast_in_dim3A_481 = vector.shape_cast %get3A_4 : vector<1x128xf32> to vector<1x128xf32>
    %broadcast_in_dim3A_482 = vector.broadcast %broadcast_in_dim3A_481 : vector<1x128xf32> to vector<128x128xf32>
    %select_n3A_483 = arith.select %broadcast_in_dim3A_478, %broadcast_in_dim3A_480, %broadcast_in_dim3A_482 : vector<128x128xi1>, vector<128x128xf32>
    %swap3A_484 = arith.constant 3328 : index
    %swap3A_485 = arith.constant 0 : index
    %swap3A_486 = vector.load %arg3[%swap3A_484, %swap3A_485] : memref<16000x128xf32, #tpu.memory_space<vmem>>, vector<128x128xf32>
    tpu.vector_store %arg3[%swap3A_484, %swap3A_485], %select_n3A_483 {strides = array<i32>} : memref<16000x128xf32, #tpu.memory_space<vmem>>, vector<128x128xf32>,
    %get3A_487 = arith.constant 0 : index
    %get3A_488 = arith.constant 0 : index
    %get3A_489 = arith.constant 27 : index
    %get3A_490 = vector.load %arg1[%get3A_487, %get3A_488, %get3A_489] : memref<1x128x125xi32, #tpu.memory_space<vmem>>, vector<1x128x1xi32>
    %get3A_491 = vector.shape_cast %get3A_490 : vector<1x128x1xi32> to vector<128x1xi32>
    %eq3A_492 = arith.constant 0 : i32
    %eq3A_493 = vector.broadcast %eq3A_492 : i32 to vector<128x1xi32>
    %eq3A_494 = arith.cmpi eq, %get3A_491, %eq3A_493 : vector<128x1xi32>
    %broadcast_in_dim3A_495 = vector.shape_cast %eq3A_494 : vector<128x1xi1> to vector<128x1xi1>
    %broadcast_in_dim3A_496 = vector.broadcast %broadcast_in_dim3A_495 : vector<128x1xi1> to vector<128x128xi1>
    %broadcast_in_dim3A_497 = vector.shape_cast %get3A_1 : vector<1x128xf32> to vector<1x128xf32>
    %broadcast_in_dim3A_498 = vector.broadcast %broadcast_in_dim3A_497 : vector<1x128xf32> to vector<128x128xf32>
    %broadcast_in_dim3A_499 = vector.shape_cast %get3A_4 : vector<1x128xf32> to vector<1x128xf32>
    %broadcast_in_dim3A_500 = vector.broadcast %broadcast_in_dim3A_499 : vector<1x128xf32> to vector<128x128xf32>
    %select_n3A_501 = arith.select %broadcast_in_dim3A_496, %broadcast_in_dim3A_498, %broadcast_in_dim3A_500 : vector<128x128xi1>, vector<128x128xf32>
    %swap3A_502 = arith.constant 3456 : index
    %swap3A_503 = arith.constant 0 : index
    %swap3A_504 = vector.load %arg3[%swap3A_502, %swap3A_503] : memref<16000x128xf32, #tpu.memory_space<vmem>>, vector<128x128xf32>
    tpu.vector_store %arg3[%swap3A_502, %swap3A_503], %select_n3A_501 {strides = array<i32>} : memref<16000x128xf32, #tpu.memory_space<vmem>>, vector<128x128xf32>,
    %get3A_505 = arith.constant 0 : index
    %get3A_506 = arith.constant 0 : index
    %get3A_507 = arith.constant 28 : index
    %get3A_508 = vector.load %arg1[%get3A_505, %get3A_506, %get3A_507] : memref<1x128x125xi32, #tpu.memory_space<vmem>>, vector<1x128x1xi32>
    %get3A_509 = vector.shape_cast %get3A_508 : vector<1x128x1xi32> to vector<128x1xi32>
    %eq3A_510 = arith.constant 0 : i32
    %eq3A_511 = vector.broadcast %eq3A_510 : i32 to vector<128x1xi32>
    %eq3A_512 = arith.cmpi eq, %get3A_509, %eq3A_511 : vector<128x1xi32>
    %broadcast_in_dim3A_513 = vector.shape_cast %eq3A_512 : vector<128x1xi1> to vector<128x1xi1>
    %broadcast_in_dim3A_514 = vector.broadcast %broadcast_in_dim3A_513 : vector<128x1xi1> to vector<128x128xi1>
    %broadcast_in_dim3A_515 = vector.shape_cast %get3A_1 : vector<1x128xf32> to vector<1x128xf32>
    %broadcast_in_dim3A_516 = vector.broadcast %broadcast_in_dim3A_515 : vector<1x128xf32> to vector<128x128xf32>
    %broadcast_in_dim3A_517 = vector.shape_cast %get3A_4 : vector<1x128xf32> to vector<1x128xf32>
    %broadcast_in_dim3A_518 = vector.broadcast %broadcast_in_dim3A_517 : vector<1x128xf32> to vector<128x128xf32>
    %select_n3A_519 = arith.select %broadcast_in_dim3A_514, %broadcast_in_dim3A_516, %broadcast_in_dim3A_518 : vector<128x128xi1>, vector<128x128xf32>
    %swap3A_520 = arith.constant 3584 : index
    %swap3A_521 = arith.constant 0 : index
    %swap3A_522 = vector.load %arg3[%swap3A_520, %swap3A_521] : memref<16000x128xf32, #tpu.memory_space<vmem>>, vector<128x128xf32>
    tpu.vector_store %arg3[%swap3A_520, %swap3A_521], %select_n3A_519 {strides = array<i32>} : memref<16000x128xf32, #tpu.memory_space<vmem>>, vector<128x128xf32>,
    %get3A_523 = arith.constant 0 : index
    %get3A_524 = arith.constant 0 : index
    %get3A_525 = arith.constant 29 : index
    %get3A_526 = vector.load %arg1[%get3A_523, %get3A_524, %get3A_525] : memref<1x128x125xi32, #tpu.memory_space<vmem>>, vector<1x128x1xi32>
    %get3A_527 = vector.shape_cast %get3A_526 : vector<1x128x1xi32> to vector<128x1xi32>
    %eq3A_528 = arith.constant 0 : i32
    %eq3A_529 = vector.broadcast %eq3A_528 : i32 to vector<128x1xi32>
    %eq3A_530 = arith.cmpi eq, %get3A_527, %eq3A_529 : vector<128x1xi32>
    %broadcast_in_dim3A_531 = vector.shape_cast %eq3A_530 : vector<128x1xi1> to vector<128x1xi1>
    %broadcast_in_dim3A_532 = vector.broadcast %broadcast_in_dim3A_531 : vector<128x1xi1> to vector<128x128xi1>
    %broadcast_in_dim3A_533 = vector.shape_cast %get3A_1 : vector<1x128xf32> to vector<1x128xf32>
    %broadcast_in_dim3A_534 = vector.broadcast %broadcast_in_dim3A_533 : vector<1x128xf32> to vector<128x128xf32>
    %broadcast_in_dim3A_535 = vector.shape_cast %get3A_4 : vector<1x128xf32> to vector<1x128xf32>
    %broadcast_in_dim3A_536 = vector.broadcast %broadcast_in_dim3A_535 : vector<1x128xf32> to vector<128x128xf32>
    %select_n3A_537 = arith.select %broadcast_in_dim3A_532, %broadcast_in_dim3A_534, %broadcast_in_dim3A_536 : vector<128x128xi1>, vector<128x128xf32>
    %swap3A_538 = arith.constant 3712 : index
    %swap3A_539 = arith.constant 0 : index
    %swap3A_540 = vector.load %arg3[%swap3A_538, %swap3A_539] : memref<16000x128xf32, #tpu.memory_space<vmem>>, vector<128x128xf32>
    tpu.vector_store %arg3[%swap3A_538, %swap3A_539], %select_n3A_537 {strides = array<i32>} : memref<16000x128xf32, #tpu.memory_space<vmem>>, vector<128x128xf32>,
    %get3A_541 = arith.constant 0 : index
    %get3A_542 = arith.constant 0 : index
    %get3A_543 = arith.constant 30 : index
    %get3A_544 = vector.load %arg1[%get3A_541, %get3A_542, %get3A_543] : memref<1x128x125xi32, #tpu.memory_space<vmem>>, vector<1x128x1xi32>
    %get3A_545 = vector.shape_cast %get3A_544 : vector<1x128x1xi32> to vector<128x1xi32>
    %eq3A_546 = arith.constant 0 : i32
    %eq3A_547 = vector.broadcast %eq3A_546 : i32 to vector<128x1xi32>
    %eq3A_548 = arith.cmpi eq, %get3A_545, %eq3A_547 : vector<128x1xi32>
    %broadcast_in_dim3A_549 = vector.shape_cast %eq3A_548 : vector<128x1xi1> to vector<128x1xi1>
    %broadcast_in_dim3A_550 = vector.broadcast %broadcast_in_dim3A_549 : vector<128x1xi1> to vector<128x128xi1>
    %broadcast_in_dim3A_551 = vector.shape_cast %get3A_1 : vector<1x128xf32> to vector<1x128xf32>
    %broadcast_in_dim3A_552 = vector.broadcast %broadcast_in_dim3A_551 : vector<1x128xf32> to vector<128x128xf32>
    %broadcast_in_dim3A_553 = vector.shape_cast %get3A_4 : vector<1x128xf32> to vector<1x128xf32>
    %broadcast_in_dim3A_554 = vector.broadcast %broadcast_in_dim3A_553 : vector<1x128xf32> to vector<128x128xf32>
    %select_n3A_555 = arith.select %broadcast_in_dim3A_550, %broadcast_in_dim3A_552, %broadcast_in_dim3A_554 : vector<128x128xi1>, vector<128x128xf32>
    %swap3A_556 = arith.constant 3840 : index
    %swap3A_557 = arith.constant 0 : index
    %swap3A_558 = vector.load %arg3[%swap3A_556, %swap3A_557] : memref<16000x128xf32, #tpu.memory_space<vmem>>, vector<128x128xf32>
    tpu.vector_store %arg3[%swap3A_556, %swap3A_557], %select_n3A_555 {strides = array<i32>} : memref<16000x128xf32, #tpu.memory_space<vmem>>, vector<128x128xf32>,
    %get3A_559 = arith.constant 0 : index
    %get3A_560 = arith.constant 0 : index
    %get3A_561 = arith.constant 31 : index
    %get3A_562 = vector.load %arg1[%get3A_559, %get3A_560, %get3A_561] : memref<1x128x125xi32, #tpu.memory_space<vmem>>, vector<1x128x1xi32>
    %get3A_563 = vector.shape_cast %get3A_562 : vector<1x128x1xi32> to vector<128x1xi32>
    %eq3A_564 = arith.constant 0 : i32
    %eq3A_565 = vector.broadcast %eq3A_564 : i32 to vector<128x1xi32>
    %eq3A_566 = arith.cmpi eq, %get3A_563, %eq3A_565 : vector<128x1xi32>
    %broadcast_in_dim3A_567 = vector.shape_cast %eq3A_566 : vector<128x1xi1> to vector<128x1xi1>
    %broadcast_in_dim3A_568 = vector.broadcast %broadcast_in_dim3A_567 : vector<128x1xi1> to vector<128x128xi1>
    %broadcast_in_dim3A_569 = vector.shape_cast %get3A_1 : vector<1x128xf32> to vector<1x128xf32>
    %broadcast_in_dim3A_570 = vector.broadcast %broadcast_in_dim3A_569 : vector<1x128xf32> to vector<128x128xf32>
    %broadcast_in_dim3A_571 = vector.shape_cast %get3A_4 : vector<1x128xf32> to vector<1x128xf32>
    %broadcast_in_dim3A_572 = vector.broadcast %broadcast_in_dim3A_571 : vector<1x128xf32> to vector<128x128xf32>
    %select_n3A_573 = arith.select %broadcast_in_dim3A_568, %broadcast_in_dim3A_570, %broadcast_in_dim3A_572 : vector<128x128xi1>, vector<128x128xf32>
    %swap3A_574 = arith.constant 3968 : index
    %swap3A_575 = arith.constant 0 : index
    %swap3A_576 = vector.load %arg3[%swap3A_574, %swap3A_575] : memref<16000x128xf32, #tpu.memory_space<vmem>>, vector<128x128xf32>
    tpu.vector_store %arg3[%swap3A_574, %swap3A_575], %select_n3A_573 {strides = array<i32>} : memref<16000x128xf32, #tpu.memory_space<vmem>>, vector<128x128xf32>,
    %get3A_577 = arith.constant 0 : index
    %get3A_578 = arith.constant 0 : index
    %get3A_579 = arith.constant 32 : index
    %get3A_580 = vector.load %arg1[%get3A_577, %get3A_578, %get3A_579] : memref<1x128x125xi32, #tpu.memory_space<vmem>>, vector<1x128x1xi32>
    %get3A_581 = vector.shape_cast %get3A_580 : vector<1x128x1xi32> to vector<128x1xi32>
    %eq3A_582 = arith.constant 0 : i32
    %eq3A_583 = vector.broadcast %eq3A_582 : i32 to vector<128x1xi32>
    %eq3A_584 = arith.cmpi eq, %get3A_581, %eq3A_583 : vector<128x1xi32>
    %broadcast_in_dim3A_585 = vector.shape_cast %eq3A_584 : vector<128x1xi1> to vector<128x1xi1>
    %broadcast_in_dim3A_586 = vector.broadcast %broadcast_in_dim3A_585 : vector<128x1xi1> to vector<128x128xi1>
    %broadcast_in_dim3A_587 = vector.shape_cast %get3A_1 : vector<1x128xf32> to vector<1x128xf32>
    %broadcast_in_dim3A_588 = vector.broadcast %broadcast_in_dim3A_587 : vector<1x128xf32> to vector<128x128xf32>
    %broadcast_in_dim3A_589 = vector.shape_cast %get3A_4 : vector<1x128xf32> to vector<1x128xf32>
    %broadcast_in_dim3A_590 = vector.broadcast %broadcast_in_dim3A_589 : vector<1x128xf32> to vector<128x128xf32>
    %select_n3A_591 = arith.select %broadcast_in_dim3A_586, %broadcast_in_dim3A_588, %broadcast_in_dim3A_590 : vector<128x128xi1>, vector<128x128xf32>
    %swap3A_592 = arith.constant 4096 : index
    %swap3A_593 = arith.constant 0 : index
    %swap3A_594 = vector.load %arg3[%swap3A_592, %swap3A_593] : memref<16000x128xf32, #tpu.memory_space<vmem>>, vector<128x128xf32>
    tpu.vector_store %arg3[%swap3A_592, %swap3A_593], %select_n3A_591 {strides = array<i32>} : memref<16000x128xf32, #tpu.memory_space<vmem>>, vector<128x128xf32>,
    %get3A_595 = arith.constant 0 : index
    %get3A_596 = arith.constant 0 : index
    %get3A_597 = arith.constant 33 : index
    %get3A_598 = vector.load %arg1[%get3A_595, %get3A_596, %get3A_597] : memref<1x128x125xi32, #tpu.memory_space<vmem>>, vector<1x128x1xi32>
    %get3A_599 = vector.shape_cast %get3A_598 : vector<1x128x1xi32> to vector<128x1xi32>
    %eq3A_600 = arith.constant 0 : i32
    %eq3A_601 = vector.broadcast %eq3A_600 : i32 to vector<128x1xi32>
    %eq3A_602 = arith.cmpi eq, %get3A_599, %eq3A_601 : vector<128x1xi32>
    %broadcast_in_dim3A_603 = vector.shape_cast %eq3A_602 : vector<128x1xi1> to vector<128x1xi1>
    %broadcast_in_dim3A_604 = vector.broadcast %broadcast_in_dim3A_603 : vector<128x1xi1> to vector<128x128xi1>
    %broadcast_in_dim3A_605 = vector.shape_cast %get3A_1 : vector<1x128xf32> to vector<1x128xf32>
    %broadcast_in_dim3A_606 = vector.broadcast %broadcast_in_dim3A_605 : vector<1x128xf32> to vector<128x128xf32>
    %broadcast_in_dim3A_607 = vector.shape_cast %get3A_4 : vector<1x128xf32> to vector<1x128xf32>
    %broadcast_in_dim3A_608 = vector.broadcast %broadcast_in_dim3A_607 : vector<1x128xf32> to vector<128x128xf32>
    %select_n3A_609 = arith.select %broadcast_in_dim3A_604, %broadcast_in_dim3A_606, %broadcast_in_dim3A_608 : vector<128x128xi1>, vector<128x128xf32>
    %swap3A_610 = arith.constant 4224 : index
    %swap3A_611 = arith.constant 0 : index
    %swap3A_612 = vector.load %arg3[%swap3A_610, %swap3A_611] : memref<16000x128xf32, #tpu.memory_space<vmem>>, vector<128x128xf32>
    tpu.vector_store %arg3[%swap3A_610, %swap3A_611], %select_n3A_609 {strides = array<i32>} : memref<16000x128xf32, #tpu.memory_space<vmem>>, vector<128x128xf32>,
    %get3A_613 = arith.constant 0 : index
    %get3A_614 = arith.constant 0 : index
    %get3A_615 = arith.constant 34 : index
    %get3A_616 = vector.load %arg1[%get3A_613, %get3A_614, %get3A_615] : memref<1x128x125xi32, #tpu.memory_space<vmem>>, vector<1x128x1xi32>
    %get3A_617 = vector.shape_cast %get3A_616 : vector<1x128x1xi32> to vector<128x1xi32>
    %eq3A_618 = arith.constant 0 : i32
    %eq3A_619 = vector.broadcast %eq3A_618 : i32 to vector<128x1xi32>
    %eq3A_620 = arith.cmpi eq, %get3A_617, %eq3A_619 : vector<128x1xi32>
    %broadcast_in_dim3A_621 = vector.shape_cast %eq3A_620 : vector<128x1xi1> to vector<128x1xi1>
    %broadcast_in_dim3A_622 = vector.broadcast %broadcast_in_dim3A_621 : vector<128x1xi1> to vector<128x128xi1>
    %broadcast_in_dim3A_623 = vector.shape_cast %get3A_1 : vector<1x128xf32> to vector<1x128xf32>
    %broadcast_in_dim3A_624 = vector.broadcast %broadcast_in_dim3A_623 : vector<1x128xf32> to vector<128x128xf32>
    %broadcast_in_dim3A_625 = vector.shape_cast %get3A_4 : vector<1x128xf32> to vector<1x128xf32>
    %broadcast_in_dim3A_626 = vector.broadcast %broadcast_in_dim3A_625 : vector<1x128xf32> to vector<128x128xf32>
    %select_n3A_627 = arith.select %broadcast_in_dim3A_622, %broadcast_in_dim3A_624, %broadcast_in_dim3A_626 : vector<128x128xi1>, vector<128x128xf32>
    %swap3A_628 = arith.constant 4352 : index
    %swap3A_629 = arith.constant 0 : index
    %swap3A_630 = vector.load %arg3[%swap3A_628, %swap3A_629] : memref<16000x128xf32, #tpu.memory_space<vmem>>, vector<128x128xf32>
    tpu.vector_store %arg3[%swap3A_628, %swap3A_629], %select_n3A_627 {strides = array<i32>} : memref<16000x128xf32, #tpu.memory_space<vmem>>, vector<128x128xf32>,
    %get3A_631 = arith.constant 0 : index
    %get3A_632 = arith.constant 0 : index
    %get3A_633 = arith.constant 35 : index
    %get3A_634 = vector.load %arg1[%get3A_631, %get3A_632, %get3A_633] : memref<1x128x125xi32, #tpu.memory_space<vmem>>, vector<1x128x1xi32>
    %get3A_635 = vector.shape_cast %get3A_634 : vector<1x128x1xi32> to vector<128x1xi32>
    %eq3A_636 = arith.constant 0 : i32
    %eq3A_637 = vector.broadcast %eq3A_636 : i32 to vector<128x1xi32>
    %eq3A_638 = arith.cmpi eq, %get3A_635, %eq3A_637 : vector<128x1xi32>
    %broadcast_in_dim3A_639 = vector.shape_cast %eq3A_638 : vector<128x1xi1> to vector<128x1xi1>
    %broadcast_in_dim3A_640 = vector.broadcast %broadcast_in_dim3A_639 : vector<128x1xi1> to vector<128x128xi1>
    %broadcast_in_dim3A_641 = vector.shape_cast %get3A_1 : vector<1x128xf32> to vector<1x128xf32>
    %broadcast_in_dim3A_642 = vector.broadcast %broadcast_in_dim3A_641 : vector<1x128xf32> to vector<128x128xf32>
    %broadcast_in_dim3A_643 = vector.shape_cast %get3A_4 : vector<1x128xf32> to vector<1x128xf32>
    %broadcast_in_dim3A_644 = vector.broadcast %broadcast_in_dim3A_643 : vector<1x128xf32> to vector<128x128xf32>
    %select_n3A_645 = arith.select %broadcast_in_dim3A_640, %broadcast_in_dim3A_642, %broadcast_in_dim3A_644 : vector<128x128xi1>, vector<128x128xf32>
    %swap3A_646 = arith.constant 4480 : index
    %swap3A_647 = arith.constant 0 : index
    %swap3A_648 = vector.load %arg3[%swap3A_646, %swap3A_647] : memref<16000x128xf32, #tpu.memory_space<vmem>>, vector<128x128xf32>
    tpu.vector_store %arg3[%swap3A_646, %swap3A_647], %select_n3A_645 {strides = array<i32>} : memref<16000x128xf32, #tpu.memory_space<vmem>>, vector<128x128xf32>,
    %get3A_649 = arith.constant 0 : index
    %get3A_650 = arith.constant 0 : index
    %get3A_651 = arith.constant 36 : index
    %get3A_652 = vector.load %arg1[%get3A_649, %get3A_650, %get3A_651] : memref<1x128x125xi32, #tpu.memory_space<vmem>>, vector<1x128x1xi32>
    %get3A_653 = vector.shape_cast %get3A_652 : vector<1x128x1xi32> to vector<128x1xi32>
    %eq3A_654 = arith.constant 0 : i32
    %eq3A_655 = vector.broadcast %eq3A_654 : i32 to vector<128x1xi32>
    %eq3A_656 = arith.cmpi eq, %get3A_653, %eq3A_655 : vector<128x1xi32>
    %broadcast_in_dim3A_657 = vector.shape_cast %eq3A_656 : vector<128x1xi1> to vector<128x1xi1>
    %broadcast_in_dim3A_658 = vector.broadcast %broadcast_in_dim3A_657 : vector<128x1xi1> to vector<128x128xi1>
    %broadcast_in_dim3A_659 = vector.shape_cast %get3A_1 : vector<1x128xf32> to vector<1x128xf32>
    %broadcast_in_dim3A_660 = vector.broadcast %broadcast_in_dim3A_659 : vector<1x128xf32> to vector<128x128xf32>
    %broadcast_in_dim3A_661 = vector.shape_cast %get3A_4 : vector<1x128xf32> to vector<1x128xf32>
    %broadcast_in_dim3A_662 = vector.broadcast %broadcast_in_dim3A_661 : vector<1x128xf32> to vector<128x128xf32>
    %select_n3A_663 = arith.select %broadcast_in_dim3A_658, %broadcast_in_dim3A_660, %broadcast_in_dim3A_662 : vector<128x128xi1>, vector<128x128xf32>
    %swap3A_664 = arith.constant 4608 : index
    %swap3A_665 = arith.constant 0 : index
    %swap3A_666 = vector.load %arg3[%swap3A_664, %swap3A_665] : memref<16000x128xf32, #tpu.memory_space<vmem>>, vector<128x128xf32>
    tpu.vector_store %arg3[%swap3A_664, %swap3A_665], %select_n3A_663 {strides = array<i32>} : memref<16000x128xf32, #tpu.memory_space<vmem>>, vector<128x128xf32>,
    %get3A_667 = arith.constant 0 : index
    %get3A_668 = arith.constant 0 : index
    %get3A_669 = arith.constant 37 : index
    %get3A_670 = vector.load %arg1[%get3A_667, %get3A_668, %get3A_669] : memref<1x128x125xi32, #tpu.memory_space<vmem>>, vector<1x128x1xi32>
    %get3A_671 = vector.shape_cast %get3A_670 : vector<1x128x1xi32> to vector<128x1xi32>
    %eq3A_672 = arith.constant 0 : i32
    %eq3A_673 = vector.broadcast %eq3A_672 : i32 to vector<128x1xi32>
    %eq3A_674 = arith.cmpi eq, %get3A_671, %eq3A_673 : vector<128x1xi32>
    %broadcast_in_dim3A_675 = vector.shape_cast %eq3A_674 : vector<128x1xi1> to vector<128x1xi1>
    %broadcast_in_dim3A_676 = vector.broadcast %broadcast_in_dim3A_675 : vector<128x1xi1> to vector<128x128xi1>
    %broadcast_in_dim3A_677 = vector.shape_cast %get3A_1 : vector<1x128xf32> to vector<1x128xf32>
    %broadcast_in_dim3A_678 = vector.broadcast %broadcast_in_dim3A_677 : vector<1x128xf32> to vector<128x128xf32>
    %broadcast_in_dim3A_679 = vector.shape_cast %get3A_4 : vector<1x128xf32> to vector<1x128xf32>
    %broadcast_in_dim3A_680 = vector.broadcast %broadcast_in_dim3A_679 : vector<1x128xf32> to vector<128x128xf32>
    %select_n3A_681 = arith.select %broadcast_in_dim3A_676, %broadcast_in_dim3A_678, %broadcast_in_dim3A_680 : vector<128x128xi1>, vector<128x128xf32>
    %swap3A_682 = arith.constant 4736 : index
    %swap3A_683 = arith.constant 0 : index
    %swap3A_684 = vector.load %arg3[%swap3A_682, %swap3A_683] : memref<16000x128xf32, #tpu.memory_space<vmem>>, vector<128x128xf32>
    tpu.vector_store %arg3[%swap3A_682, %swap3A_683], %select_n3A_681 {strides = array<i32>} : memref<16000x128xf32, #tpu.memory_space<vmem>>, vector<128x128xf32>,
    %get3A_685 = arith.constant 0 : index
    %get3A_686 = arith.constant 0 : index
    %get3A_687 = arith.constant 38 : index
    %get3A_688 = vector.load %arg1[%get3A_685, %get3A_686, %get3A_687] : memref<1x128x125xi32, #tpu.memory_space<vmem>>, vector<1x128x1xi32>
    %get3A_689 = vector.shape_cast %get3A_688 : vector<1x128x1xi32> to vector<128x1xi32>
    %eq3A_690 = arith.constant 0 : i32
    %eq3A_691 = vector.broadcast %eq3A_690 : i32 to vector<128x1xi32>
    %eq3A_692 = arith.cmpi eq, %get3A_689, %eq3A_691 : vector<128x1xi32>
    %broadcast_in_dim3A_693 = vector.shape_cast %eq3A_692 : vector<128x1xi1> to vector<128x1xi1>
    %broadcast_in_dim3A_694 = vector.broadcast %broadcast_in_dim3A_693 : vector<128x1xi1> to vector<128x128xi1>
    %broadcast_in_dim3A_695 = vector.shape_cast %get3A_1 : vector<1x128xf32> to vector<1x128xf32>
    %broadcast_in_dim3A_696 = vector.broadcast %broadcast_in_dim3A_695 : vector<1x128xf32> to vector<128x128xf32>
    %broadcast_in_dim3A_697 = vector.shape_cast %get3A_4 : vector<1x128xf32> to vector<1x128xf32>
    %broadcast_in_dim3A_698 = vector.broadcast %broadcast_in_dim3A_697 : vector<1x128xf32> to vector<128x128xf32>
    %select_n3A_699 = arith.select %broadcast_in_dim3A_694, %broadcast_in_dim3A_696, %broadcast_in_dim3A_698 : vector<128x128xi1>, vector<128x128xf32>
    %swap3A_700 = arith.constant 4864 : index
    %swap3A_701 = arith.constant 0 : index
    %swap3A_702 = vector.load %arg3[%swap3A_700, %swap3A_701] : memref<16000x128xf32, #tpu.memory_space<vmem>>, vector<128x128xf32>
    tpu.vector_store %arg3[%swap3A_700, %swap3A_701], %select_n3A_699 {strides = array<i32>} : memref<16000x128xf32, #tpu.memory_space<vmem>>, vector<128x128xf32>,
    %get3A_703 = arith.constant 0 : index
    %get3A_704 = arith.constant 0 : index
    %get3A_705 = arith.constant 39 : index
    %get3A_706 = vector.load %arg1[%get3A_703, %get3A_704, %get3A_705] : memref<1x128x125xi32, #tpu.memory_space<vmem>>, vector<1x128x1xi32>
    %get3A_707 = vector.shape_cast %get3A_706 : vector<1x128x1xi32> to vector<128x1xi32>
    %eq3A_708 = arith.constant 0 : i32
    %eq3A_709 = vector.broadcast %eq3A_708 : i32 to vector<128x1xi32>
    %eq3A_710 = arith.cmpi eq, %get3A_707, %eq3A_709 : vector<128x1xi32>
    %broadcast_in_dim3A_711 = vector.shape_cast %eq3A_710 : vector<128x1xi1> to vector<128x1xi1>
    %broadcast_in_dim3A_712 = vector.broadcast %broadcast_in_dim3A_711 : vector<128x1xi1> to vector<128x128xi1>
    %broadcast_in_dim3A_713 = vector.shape_cast %get3A_1 : vector<1x128xf32> to vector<1x128xf32>
    %broadcast_in_dim3A_714 = vector.broadcast %broadcast_in_dim3A_713 : vector<1x128xf32> to vector<128x128xf32>
    %broadcast_in_dim3A_715 = vector.shape_cast %get3A_4 : vector<1x128xf32> to vector<1x128xf32>
    %broadcast_in_dim3A_716 = vector.broadcast %broadcast_in_dim3A_715 : vector<1x128xf32> to vector<128x128xf32>
    %select_n3A_717 = arith.select %broadcast_in_dim3A_712, %broadcast_in_dim3A_714, %broadcast_in_dim3A_716 : vector<128x128xi1>, vector<128x128xf32>
    %swap3A_718 = arith.constant 4992 : index
    %swap3A_719 = arith.constant 0 : index
    %swap3A_720 = vector.load %arg3[%swap3A_718, %swap3A_719] : memref<16000x128xf32, #tpu.memory_space<vmem>>, vector<128x128xf32>
    tpu.vector_store %arg3[%swap3A_718, %swap3A_719], %select_n3A_717 {strides = array<i32>} : memref<16000x128xf32, #tpu.memory_space<vmem>>, vector<128x128xf32>,
    %get3A_721 = arith.constant 0 : index
    %get3A_722 = arith.constant 0 : index
    %get3A_723 = arith.constant 40 : index
    %get3A_724 = vector.load %arg1[%get3A_721, %get3A_722, %get3A_723] : memref<1x128x125xi32, #tpu.memory_space<vmem>>, vector<1x128x1xi32>
    %get3A_725 = vector.shape_cast %get3A_724 : vector<1x128x1xi32> to vector<128x1xi32>
    %eq3A_726 = arith.constant 0 : i32
    %eq3A_727 = vector.broadcast %eq3A_726 : i32 to vector<128x1xi32>
    %eq3A_728 = arith.cmpi eq, %get3A_725, %eq3A_727 : vector<128x1xi32>
    %broadcast_in_dim3A_729 = vector.shape_cast %eq3A_728 : vector<128x1xi1> to vector<128x1xi1>
    %broadcast_in_dim3A_730 = vector.broadcast %broadcast_in_dim3A_729 : vector<128x1xi1> to vector<128x128xi1>
    %broadcast_in_dim3A_731 = vector.shape_cast %get3A_1 : vector<1x128xf32> to vector<1x128xf32>
    %broadcast_in_dim3A_732 = vector.broadcast %broadcast_in_dim3A_731 : vector<1x128xf32> to vector<128x128xf32>
    %broadcast_in_dim3A_733 = vector.shape_cast %get3A_4 : vector<1x128xf32> to vector<1x128xf32>
    %broadcast_in_dim3A_734 = vector.broadcast %broadcast_in_dim3A_733 : vector<1x128xf32> to vector<128x128xf32>
    %select_n3A_735 = arith.select %broadcast_in_dim3A_730, %broadcast_in_dim3A_732, %broadcast_in_dim3A_734 : vector<128x128xi1>, vector<128x128xf32>
    %swap3A_736 = arith.constant 5120 : index
    %swap3A_737 = arith.constant 0 : index
    %swap3A_738 = vector.load %arg3[%swap3A_736, %swap3A_737] : memref<16000x128xf32, #tpu.memory_space<vmem>>, vector<128x128xf32>
    tpu.vector_store %arg3[%swap3A_736, %swap3A_737], %select_n3A_735 {strides = array<i32>} : memref<16000x128xf32, #tpu.memory_space<vmem>>, vector<128x128xf32>,
    %get3A_739 = arith.constant 0 : index
    %get3A_740 = arith.constant 0 : index
    %get3A_741 = arith.constant 41 : index
    %get3A_742 = vector.load %arg1[%get3A_739, %get3A_740, %get3A_741] : memref<1x128x125xi32, #tpu.memory_space<vmem>>, vector<1x128x1xi32>
    %get3A_743 = vector.shape_cast %get3A_742 : vector<1x128x1xi32> to vector<128x1xi32>
    %eq3A_744 = arith.constant 0 : i32
    %eq3A_745 = vector.broadcast %eq3A_744 : i32 to vector<128x1xi32>
    %eq3A_746 = arith.cmpi eq, %get3A_743, %eq3A_745 : vector<128x1xi32>
    %broadcast_in_dim3A_747 = vector.shape_cast %eq3A_746 : vector<128x1xi1> to vector<128x1xi1>
    %broadcast_in_dim3A_748 = vector.broadcast %broadcast_in_dim3A_747 : vector<128x1xi1> to vector<128x128xi1>
    %broadcast_in_dim3A_749 = vector.shape_cast %get3A_1 : vector<1x128xf32> to vector<1x128xf32>
    %broadcast_in_dim3A_750 = vector.broadcast %broadcast_in_dim3A_749 : vector<1x128xf32> to vector<128x128xf32>
    %broadcast_in_dim3A_751 = vector.shape_cast %get3A_4 : vector<1x128xf32> to vector<1x128xf32>
    %broadcast_in_dim3A_752 = vector.broadcast %broadcast_in_dim3A_751 : vector<1x128xf32> to vector<128x128xf32>
    %select_n3A_753 = arith.select %broadcast_in_dim3A_748, %broadcast_in_dim3A_750, %broadcast_in_dim3A_752 : vector<128x128xi1>, vector<128x128xf32>
    %swap3A_754 = arith.constant 5248 : index
    %swap3A_755 = arith.constant 0 : index
    %swap3A_756 = vector.load %arg3[%swap3A_754, %swap3A_755] : memref<16000x128xf32, #tpu.memory_space<vmem>>, vector<128x128xf32>
    tpu.vector_store %arg3[%swap3A_754, %swap3A_755], %select_n3A_753 {strides = array<i32>} : memref<16000x128xf32, #tpu.memory_space<vmem>>, vector<128x128xf32>,
    %get3A_757 = arith.constant 0 : index
    %get3A_758 = arith.constant 0 : index
    %get3A_759 = arith.constant 42 : index
    %get3A_760 = vector.load %arg1[%get3A_757, %get3A_758, %get3A_759] : memref<1x128x125xi32, #tpu.memory_space<vmem>>, vector<1x128x1xi32>
    %get3A_761 = vector.shape_cast %get3A_760 : vector<1x128x1xi32> to vector<128x1xi32>
    %eq3A_762 = arith.constant 0 : i32
    %eq3A_763 = vector.broadcast %eq3A_762 : i32 to vector<128x1xi32>
    %eq3A_764 = arith.cmpi eq, %get3A_761, %eq3A_763 : vector<128x1xi32>
    %broadcast_in_dim3A_765 = vector.shape_cast %eq3A_764 : vector<128x1xi1> to vector<128x1xi1>
    %broadcast_in_dim3A_766 = vector.broadcast %broadcast_in_dim3A_765 : vector<128x1xi1> to vector<128x128xi1>
    %broadcast_in_dim3A_767 = vector.shape_cast %get3A_1 : vector<1x128xf32> to vector<1x128xf32>
    %broadcast_in_dim3A_768 = vector.broadcast %broadcast_in_dim3A_767 : vector<1x128xf32> to vector<128x128xf32>
    %broadcast_in_dim3A_769 = vector.shape_cast %get3A_4 : vector<1x128xf32> to vector<1x128xf32>
    %broadcast_in_dim3A_770 = vector.broadcast %broadcast_in_dim3A_769 : vector<1x128xf32> to vector<128x128xf32>
    %select_n3A_771 = arith.select %broadcast_in_dim3A_766, %broadcast_in_dim3A_768, %broadcast_in_dim3A_770 : vector<128x128xi1>, vector<128x128xf32>
    %swap3A_772 = arith.constant 5376 : index
    %swap3A_773 = arith.constant 0 : index
    %swap3A_774 = vector.load %arg3[%swap3A_772, %swap3A_773] : memref<16000x128xf32, #tpu.memory_space<vmem>>, vector<128x128xf32>
    tpu.vector_store %arg3[%swap3A_772, %swap3A_773], %select_n3A_771 {strides = array<i32>} : memref<16000x128xf32, #tpu.memory_space<vmem>>, vector<128x128xf32>,
    %get3A_775 = arith.constant 0 : index
    %get3A_776 = arith.constant 0 : index
    %get3A_777 = arith.constant 43 : index
    %get3A_778 = vector.load %arg1[%get3A_775, %get3A_776, %get3A_777] : memref<1x128x125xi32, #tpu.memory_space<vmem>>, vector<1x128x1xi32>
    %get3A_779 = vector.shape_cast %get3A_778 : vector<1x128x1xi32> to vector<128x1xi32>
    %eq3A_780 = arith.constant 0 : i32
    %eq3A_781 = vector.broadcast %eq3A_780 : i32 to vector<128x1xi32>
    %eq3A_782 = arith.cmpi eq, %get3A_779, %eq3A_781 : vector<128x1xi32>
    %broadcast_in_dim3A_783 = vector.shape_cast %eq3A_782 : vector<128x1xi1> to vector<128x1xi1>
    %broadcast_in_dim3A_784 = vector.broadcast %broadcast_in_dim3A_783 : vector<128x1xi1> to vector<128x128xi1>
    %broadcast_in_dim3A_785 = vector.shape_cast %get3A_1 : vector<1x128xf32> to vector<1x128xf32>
    %broadcast_in_dim3A_786 = vector.broadcast %broadcast_in_dim3A_785 : vector<1x128xf32> to vector<128x128xf32>
    %broadcast_in_dim3A_787 = vector.shape_cast %get3A_4 : vector<1x128xf32> to vector<1x128xf32>
    %broadcast_in_dim3A_788 = vector.broadcast %broadcast_in_dim3A_787 : vector<1x128xf32> to vector<128x128xf32>
    %select_n3A_789 = arith.select %broadcast_in_dim3A_784, %broadcast_in_dim3A_786, %broadcast_in_dim3A_788 : vector<128x128xi1>, vector<128x128xf32>
    %swap3A_790 = arith.constant 5504 : index
    %swap3A_791 = arith.constant 0 : index
    %swap3A_792 = vector.load %arg3[%swap3A_790, %swap3A_791] : memref<16000x128xf32, #tpu.memory_space<vmem>>, vector<128x128xf32>
    tpu.vector_store %arg3[%swap3A_790, %swap3A_791], %select_n3A_789 {strides = array<i32>} : memref<16000x128xf32, #tpu.memory_space<vmem>>, vector<128x128xf32>,
    %get3A_793 = arith.constant 0 : index
    %get3A_794 = arith.constant 0 : index
    %get3A_795 = arith.constant 44 : index
    %get3A_796 = vector.load %arg1[%get3A_793, %get3A_794, %get3A_795] : memref<1x128x125xi32, #tpu.memory_space<vmem>>, vector<1x128x1xi32>
    %get3A_797 = vector.shape_cast %get3A_796 : vector<1x128x1xi32> to vector<128x1xi32>
    %eq3A_798 = arith.constant 0 : i32
    %eq3A_799 = vector.broadcast %eq3A_798 : i32 to vector<128x1xi32>
    %eq3A_800 = arith.cmpi eq, %get3A_797, %eq3A_799 : vector<128x1xi32>
    %broadcast_in_dim3A_801 = vector.shape_cast %eq3A_800 : vector<128x1xi1> to vector<128x1xi1>
    %broadcast_in_dim3A_802 = vector.broadcast %broadcast_in_dim3A_801 : vector<128x1xi1> to vector<128x128xi1>
    %broadcast_in_dim3A_803 = vector.shape_cast %get3A_1 : vector<1x128xf32> to vector<1x128xf32>
    %broadcast_in_dim3A_804 = vector.broadcast %broadcast_in_dim3A_803 : vector<1x128xf32> to vector<128x128xf32>
    %broadcast_in_dim3A_805 = vector.shape_cast %get3A_4 : vector<1x128xf32> to vector<1x128xf32>
    %broadcast_in_dim3A_806 = vector.broadcast %broadcast_in_dim3A_805 : vector<1x128xf32> to vector<128x128xf32>
    %select_n3A_807 = arith.select %broadcast_in_dim3A_802, %broadcast_in_dim3A_804, %broadcast_in_dim3A_806 : vector<128x128xi1>, vector<128x128xf32>
    %swap3A_808 = arith.constant 5632 : index
    %swap3A_809 = arith.constant 0 : index
    %swap3A_810 = vector.load %arg3[%swap3A_808, %swap3A_809] : memref<16000x128xf32, #tpu.memory_space<vmem>>, vector<128x128xf32>
    tpu.vector_store %arg3[%swap3A_808, %swap3A_809], %select_n3A_807 {strides = array<i32>} : memref<16000x128xf32, #tpu.memory_space<vmem>>, vector<128x128xf32>,
    %get3A_811 = arith.constant 0 : index
    %get3A_812 = arith.constant 0 : index
    %get3A_813 = arith.constant 45 : index
    %get3A_814 = vector.load %arg1[%get3A_811, %get3A_812, %get3A_813] : memref<1x128x125xi32, #tpu.memory_space<vmem>>, vector<1x128x1xi32>
    %get3A_815 = vector.shape_cast %get3A_814 : vector<1x128x1xi32> to vector<128x1xi32>
    %eq3A_816 = arith.constant 0 : i32
    %eq3A_817 = vector.broadcast %eq3A_816 : i32 to vector<128x1xi32>
    %eq3A_818 = arith.cmpi eq, %get3A_815, %eq3A_817 : vector<128x1xi32>
    %broadcast_in_dim3A_819 = vector.shape_cast %eq3A_818 : vector<128x1xi1> to vector<128x1xi1>
    %broadcast_in_dim3A_820 = vector.broadcast %broadcast_in_dim3A_819 : vector<128x1xi1> to vector<128x128xi1>
    %broadcast_in_dim3A_821 = vector.shape_cast %get3A_1 : vector<1x128xf32> to vector<1x128xf32>
    %broadcast_in_dim3A_822 = vector.broadcast %broadcast_in_dim3A_821 : vector<1x128xf32> to vector<128x128xf32>
    %broadcast_in_dim3A_823 = vector.shape_cast %get3A_4 : vector<1x128xf32> to vector<1x128xf32>
    %broadcast_in_dim3A_824 = vector.broadcast %broadcast_in_dim3A_823 : vector<1x128xf32> to vector<128x128xf32>
    %select_n3A_825 = arith.select %broadcast_in_dim3A_820, %broadcast_in_dim3A_822, %broadcast_in_dim3A_824 : vector<128x128xi1>, vector<128x128xf32>
    %swap3A_826 = arith.constant 5760 : index
    %swap3A_827 = arith.constant 0 : index
    %swap3A_828 = vector.load %arg3[%swap3A_826, %swap3A_827] : memref<16000x128xf32, #tpu.memory_space<vmem>>, vector<128x128xf32>
    tpu.vector_store %arg3[%swap3A_826, %swap3A_827], %select_n3A_825 {strides = array<i32>} : memref<16000x128xf32, #tpu.memory_space<vmem>>, vector<128x128xf32>,
    %get3A_829 = arith.constant 0 : index
    %get3A_830 = arith.constant 0 : index
    %get3A_831 = arith.constant 46 : index
    %get3A_832 = vector.load %arg1[%get3A_829, %get3A_830, %get3A_831] : memref<1x128x125xi32, #tpu.memory_space<vmem>>, vector<1x128x1xi32>
    %get3A_833 = vector.shape_cast %get3A_832 : vector<1x128x1xi32> to vector<128x1xi32>
    %eq3A_834 = arith.constant 0 : i32
    %eq3A_835 = vector.broadcast %eq3A_834 : i32 to vector<128x1xi32>
    %eq3A_836 = arith.cmpi eq, %get3A_833, %eq3A_835 : vector<128x1xi32>
    %broadcast_in_dim3A_837 = vector.shape_cast %eq3A_836 : vector<128x1xi1> to vector<128x1xi1>
    %broadcast_in_dim3A_838 = vector.broadcast %broadcast_in_dim3A_837 : vector<128x1xi1> to vector<128x128xi1>
    %broadcast_in_dim3A_839 = vector.shape_cast %get3A_1 : vector<1x128xf32> to vector<1x128xf32>
    %broadcast_in_dim3A_840 = vector.broadcast %broadcast_in_dim3A_839 : vector<1x128xf32> to vector<128x128xf32>
    %broadcast_in_dim3A_841 = vector.shape_cast %get3A_4 : vector<1x128xf32> to vector<1x128xf32>
    %broadcast_in_dim3A_842 = vector.broadcast %broadcast_in_dim3A_841 : vector<1x128xf32> to vector<128x128xf32>
    %select_n3A_843 = arith.select %broadcast_in_dim3A_838, %broadcast_in_dim3A_840, %broadcast_in_dim3A_842 : vector<128x128xi1>, vector<128x128xf32>
    %swap3A_844 = arith.constant 5888 : index
    %swap3A_845 = arith.constant 0 : index
    %swap3A_846 = vector.load %arg3[%swap3A_844, %swap3A_845] : memref<16000x128xf32, #tpu.memory_space<vmem>>, vector<128x128xf32>
    tpu.vector_store %arg3[%swap3A_844, %swap3A_845], %select_n3A_843 {strides = array<i32>} : memref<16000x128xf32, #tpu.memory_space<vmem>>, vector<128x128xf32>,
    %get3A_847 = arith.constant 0 : index
    %get3A_848 = arith.constant 0 : index
    %get3A_849 = arith.constant 47 : index
    %get3A_850 = vector.load %arg1[%get3A_847, %get3A_848, %get3A_849] : memref<1x128x125xi32, #tpu.memory_space<vmem>>, vector<1x128x1xi32>
    %get3A_851 = vector.shape_cast %get3A_850 : vector<1x128x1xi32> to vector<128x1xi32>
    %eq3A_852 = arith.constant 0 : i32
    %eq3A_853 = vector.broadcast %eq3A_852 : i32 to vector<128x1xi32>
    %eq3A_854 = arith.cmpi eq, %get3A_851, %eq3A_853 : vector<128x1xi32>
    %broadcast_in_dim3A_855 = vector.shape_cast %eq3A_854 : vector<128x1xi1> to vector<128x1xi1>
    %broadcast_in_dim3A_856 = vector.broadcast %broadcast_in_dim3A_855 : vector<128x1xi1> to vector<128x128xi1>
    %broadcast_in_dim3A_857 = vector.shape_cast %get3A_1 : vector<1x128xf32> to vector<1x128xf32>
    %broadcast_in_dim3A_858 = vector.broadcast %broadcast_in_dim3A_857 : vector<1x128xf32> to vector<128x128xf32>
    %broadcast_in_dim3A_859 = vector.shape_cast %get3A_4 : vector<1x128xf32> to vector<1x128xf32>
    %broadcast_in_dim3A_860 = vector.broadcast %broadcast_in_dim3A_859 : vector<1x128xf32> to vector<128x128xf32>
    %select_n3A_861 = arith.select %broadcast_in_dim3A_856, %broadcast_in_dim3A_858, %broadcast_in_dim3A_860 : vector<128x128xi1>, vector<128x128xf32>
    %swap3A_862 = arith.constant 6016 : index
    %swap3A_863 = arith.constant 0 : index
    %swap3A_864 = vector.load %arg3[%swap3A_862, %swap3A_863] : memref<16000x128xf32, #tpu.memory_space<vmem>>, vector<128x128xf32>
    tpu.vector_store %arg3[%swap3A_862, %swap3A_863], %select_n3A_861 {strides = array<i32>} : memref<16000x128xf32, #tpu.memory_space<vmem>>, vector<128x128xf32>,
    %get3A_865 = arith.constant 0 : index
    %get3A_866 = arith.constant 0 : index
    %get3A_867 = arith.constant 48 : index
    %get3A_868 = vector.load %arg1[%get3A_865, %get3A_866, %get3A_867] : memref<1x128x125xi32, #tpu.memory_space<vmem>>, vector<1x128x1xi32>
    %get3A_869 = vector.shape_cast %get3A_868 : vector<1x128x1xi32> to vector<128x1xi32>
    %eq3A_870 = arith.constant 0 : i32
    %eq3A_871 = vector.broadcast %eq3A_870 : i32 to vector<128x1xi32>
    %eq3A_872 = arith.cmpi eq, %get3A_869, %eq3A_871 : vector<128x1xi32>
    %broadcast_in_dim3A_873 = vector.shape_cast %eq3A_872 : vector<128x1xi1> to vector<128x1xi1>
    %broadcast_in_dim3A_874 = vector.broadcast %broadcast_in_dim3A_873 : vector<128x1xi1> to vector<128x128xi1>
    %broadcast_in_dim3A_875 = vector.shape_cast %get3A_1 : vector<1x128xf32> to vector<1x128xf32>
    %broadcast_in_dim3A_876 = vector.broadcast %broadcast_in_dim3A_875 : vector<1x128xf32> to vector<128x128xf32>
    %broadcast_in_dim3A_877 = vector.shape_cast %get3A_4 : vector<1x128xf32> to vector<1x128xf32>
    %broadcast_in_dim3A_878 = vector.broadcast %broadcast_in_dim3A_877 : vector<1x128xf32> to vector<128x128xf32>
    %select_n3A_879 = arith.select %broadcast_in_dim3A_874, %broadcast_in_dim3A_876, %broadcast_in_dim3A_878 : vector<128x128xi1>, vector<128x128xf32>
    %swap3A_880 = arith.constant 6144 : index
    %swap3A_881 = arith.constant 0 : index
    %swap3A_882 = vector.load %arg3[%swap3A_880, %swap3A_881] : memref<16000x128xf32, #tpu.memory_space<vmem>>, vector<128x128xf32>
    tpu.vector_store %arg3[%swap3A_880, %swap3A_881], %select_n3A_879 {strides = array<i32>} : memref<16000x128xf32, #tpu.memory_space<vmem>>, vector<128x128xf32>,
    %get3A_883 = arith.constant 0 : index
    %get3A_884 = arith.constant 0 : index
    %get3A_885 = arith.constant 49 : index
    %get3A_886 = vector.load %arg1[%get3A_883, %get3A_884, %get3A_885] : memref<1x128x125xi32, #tpu.memory_space<vmem>>, vector<1x128x1xi32>
    %get3A_887 = vector.shape_cast %get3A_886 : vector<1x128x1xi32> to vector<128x1xi32>
    %eq3A_888 = arith.constant 0 : i32
    %eq3A_889 = vector.broadcast %eq3A_888 : i32 to vector<128x1xi32>
    %eq3A_890 = arith.cmpi eq, %get3A_887, %eq3A_889 : vector<128x1xi32>
    %broadcast_in_dim3A_891 = vector.shape_cast %eq3A_890 : vector<128x1xi1> to vector<128x1xi1>
    %broadcast_in_dim3A_892 = vector.broadcast %broadcast_in_dim3A_891 : vector<128x1xi1> to vector<128x128xi1>
    %broadcast_in_dim3A_893 = vector.shape_cast %get3A_1 : vector<1x128xf32> to vector<1x128xf32>
    %broadcast_in_dim3A_894 = vector.broadcast %broadcast_in_dim3A_893 : vector<1x128xf32> to vector<128x128xf32>
    %broadcast_in_dim3A_895 = vector.shape_cast %get3A_4 : vector<1x128xf32> to vector<1x128xf32>
    %broadcast_in_dim3A_896 = vector.broadcast %broadcast_in_dim3A_895 : vector<1x128xf32> to vector<128x128xf32>
    %select_n3A_897 = arith.select %broadcast_in_dim3A_892, %broadcast_in_dim3A_894, %broadcast_in_dim3A_896 : vector<128x128xi1>, vector<128x128xf32>
    %swap3A_898 = arith.constant 6272 : index
    %swap3A_899 = arith.constant 0 : index
    %swap3A_900 = vector.load %arg3[%swap3A_898, %swap3A_899] : memref<16000x128xf32, #tpu.memory_space<vmem>>, vector<128x128xf32>
    tpu.vector_store %arg3[%swap3A_898, %swap3A_899], %select_n3A_897 {strides = array<i32>} : memref<16000x128xf32, #tpu.memory_space<vmem>>, vector<128x128xf32>,
    %get3A_901 = arith.constant 0 : index
    %get3A_902 = arith.constant 0 : index
    %get3A_903 = arith.constant 50 : index
    %get3A_904 = vector.load %arg1[%get3A_901, %get3A_902, %get3A_903] : memref<1x128x125xi32, #tpu.memory_space<vmem>>, vector<1x128x1xi32>
    %get3A_905 = vector.shape_cast %get3A_904 : vector<1x128x1xi32> to vector<128x1xi32>
    %eq3A_906 = arith.constant 0 : i32
    %eq3A_907 = vector.broadcast %eq3A_906 : i32 to vector<128x1xi32>
    %eq3A_908 = arith.cmpi eq, %get3A_905, %eq3A_907 : vector<128x1xi32>
    %broadcast_in_dim3A_909 = vector.shape_cast %eq3A_908 : vector<128x1xi1> to vector<128x1xi1>
    %broadcast_in_dim3A_910 = vector.broadcast %broadcast_in_dim3A_909 : vector<128x1xi1> to vector<128x128xi1>
    %broadcast_in_dim3A_911 = vector.shape_cast %get3A_1 : vector<1x128xf32> to vector<1x128xf32>
    %broadcast_in_dim3A_912 = vector.broadcast %broadcast_in_dim3A_911 : vector<1x128xf32> to vector<128x128xf32>
    %broadcast_in_dim3A_913 = vector.shape_cast %get3A_4 : vector<1x128xf32> to vector<1x128xf32>
    %broadcast_in_dim3A_914 = vector.broadcast %broadcast_in_dim3A_913 : vector<1x128xf32> to vector<128x128xf32>
    %select_n3A_915 = arith.select %broadcast_in_dim3A_910, %broadcast_in_dim3A_912, %broadcast_in_dim3A_914 : vector<128x128xi1>, vector<128x128xf32>
    %swap3A_916 = arith.constant 6400 : index
    %swap3A_917 = arith.constant 0 : index
    %swap3A_918 = vector.load %arg3[%swap3A_916, %swap3A_917] : memref<16000x128xf32, #tpu.memory_space<vmem>>, vector<128x128xf32>
    tpu.vector_store %arg3[%swap3A_916, %swap3A_917], %select_n3A_915 {strides = array<i32>} : memref<16000x128xf32, #tpu.memory_space<vmem>>, vector<128x128xf32>,
    %get3A_919 = arith.constant 0 : index
    %get3A_920 = arith.constant 0 : index
    %get3A_921 = arith.constant 51 : index
    %get3A_922 = vector.load %arg1[%get3A_919, %get3A_920, %get3A_921] : memref<1x128x125xi32, #tpu.memory_space<vmem>>, vector<1x128x1xi32>
    %get3A_923 = vector.shape_cast %get3A_922 : vector<1x128x1xi32> to vector<128x1xi32>
    %eq3A_924 = arith.constant 0 : i32
    %eq3A_925 = vector.broadcast %eq3A_924 : i32 to vector<128x1xi32>
    %eq3A_926 = arith.cmpi eq, %get3A_923, %eq3A_925 : vector<128x1xi32>
    %broadcast_in_dim3A_927 = vector.shape_cast %eq3A_926 : vector<128x1xi1> to vector<128x1xi1>
    %broadcast_in_dim3A_928 = vector.broadcast %broadcast_in_dim3A_927 : vector<128x1xi1> to vector<128x128xi1>
    %broadcast_in_dim3A_929 = vector.shape_cast %get3A_1 : vector<1x128xf32> to vector<1x128xf32>
    %broadcast_in_dim3A_930 = vector.broadcast %broadcast_in_dim3A_929 : vector<1x128xf32> to vector<128x128xf32>
    %broadcast_in_dim3A_931 = vector.shape_cast %get3A_4 : vector<1x128xf32> to vector<1x128xf32>
    %broadcast_in_dim3A_932 = vector.broadcast %broadcast_in_dim3A_931 : vector<1x128xf32> to vector<128x128xf32>
    %select_n3A_933 = arith.select %broadcast_in_dim3A_928, %broadcast_in_dim3A_930, %broadcast_in_dim3A_932 : vector<128x128xi1>, vector<128x128xf32>
    %swap3A_934 = arith.constant 6528 : index
    %swap3A_935 = arith.constant 0 : index
    %swap3A_936 = vector.load %arg3[%swap3A_934, %swap3A_935] : memref<16000x128xf32, #tpu.memory_space<vmem>>, vector<128x128xf32>
    tpu.vector_store %arg3[%swap3A_934, %swap3A_935], %select_n3A_933 {strides = array<i32>} : memref<16000x128xf32, #tpu.memory_space<vmem>>, vector<128x128xf32>,
    %get3A_937 = arith.constant 0 : index
    %get3A_938 = arith.constant 0 : index
    %get3A_939 = arith.constant 52 : index
    %get3A_940 = vector.load %arg1[%get3A_937, %get3A_938, %get3A_939] : memref<1x128x125xi32, #tpu.memory_space<vmem>>, vector<1x128x1xi32>
    %get3A_941 = vector.shape_cast %get3A_940 : vector<1x128x1xi32> to vector<128x1xi32>
    %eq3A_942 = arith.constant 0 : i32
    %eq3A_943 = vector.broadcast %eq3A_942 : i32 to vector<128x1xi32>
    %eq3A_944 = arith.cmpi eq, %get3A_941, %eq3A_943 : vector<128x1xi32>
    %broadcast_in_dim3A_945 = vector.shape_cast %eq3A_944 : vector<128x1xi1> to vector<128x1xi1>
    %broadcast_in_dim3A_946 = vector.broadcast %broadcast_in_dim3A_945 : vector<128x1xi1> to vector<128x128xi1>
    %broadcast_in_dim3A_947 = vector.shape_cast %get3A_1 : vector<1x128xf32> to vector<1x128xf32>
    %broadcast_in_dim3A_948 = vector.broadcast %broadcast_in_dim3A_947 : vector<1x128xf32> to vector<128x128xf32>
    %broadcast_in_dim3A_949 = vector.shape_cast %get3A_4 : vector<1x128xf32> to vector<1x128xf32>
    %broadcast_in_dim3A_950 = vector.broadcast %broadcast_in_dim3A_949 : vector<1x128xf32> to vector<128x128xf32>
    %select_n3A_951 = arith.select %broadcast_in_dim3A_946, %broadcast_in_dim3A_948, %broadcast_in_dim3A_950 : vector<128x128xi1>, vector<128x128xf32>
    %swap3A_952 = arith.constant 6656 : index
    %swap3A_953 = arith.constant 0 : index
    %swap3A_954 = vector.load %arg3[%swap3A_952, %swap3A_953] : memref<16000x128xf32, #tpu.memory_space<vmem>>, vector<128x128xf32>
    tpu.vector_store %arg3[%swap3A_952, %swap3A_953], %select_n3A_951 {strides = array<i32>} : memref<16000x128xf32, #tpu.memory_space<vmem>>, vector<128x128xf32>,
    %get3A_955 = arith.constant 0 : index
    %get3A_956 = arith.constant 0 : index
    %get3A_957 = arith.constant 53 : index
    %get3A_958 = vector.load %arg1[%get3A_955, %get3A_956, %get3A_957] : memref<1x128x125xi32, #tpu.memory_space<vmem>>, vector<1x128x1xi32>
    %get3A_959 = vector.shape_cast %get3A_958 : vector<1x128x1xi32> to vector<128x1xi32>
    %eq3A_960 = arith.constant 0 : i32
    %eq3A_961 = vector.broadcast %eq3A_960 : i32 to vector<128x1xi32>
    %eq3A_962 = arith.cmpi eq, %get3A_959, %eq3A_961 : vector<128x1xi32>
    %broadcast_in_dim3A_963 = vector.shape_cast %eq3A_962 : vector<128x1xi1> to vector<128x1xi1>
    %broadcast_in_dim3A_964 = vector.broadcast %broadcast_in_dim3A_963 : vector<128x1xi1> to vector<128x128xi1>
    %broadcast_in_dim3A_965 = vector.shape_cast %get3A_1 : vector<1x128xf32> to vector<1x128xf32>
    %broadcast_in_dim3A_966 = vector.broadcast %broadcast_in_dim3A_965 : vector<1x128xf32> to vector<128x128xf32>
    %broadcast_in_dim3A_967 = vector.shape_cast %get3A_4 : vector<1x128xf32> to vector<1x128xf32>
    %broadcast_in_dim3A_968 = vector.broadcast %broadcast_in_dim3A_967 : vector<1x128xf32> to vector<128x128xf32>
    %select_n3A_969 = arith.select %broadcast_in_dim3A_964, %broadcast_in_dim3A_966, %broadcast_in_dim3A_968 : vector<128x128xi1>, vector<128x128xf32>
    %swap3A_970 = arith.constant 6784 : index
    %swap3A_971 = arith.constant 0 : index
    %swap3A_972 = vector.load %arg3[%swap3A_970, %swap3A_971] : memref<16000x128xf32, #tpu.memory_space<vmem>>, vector<128x128xf32>
    tpu.vector_store %arg3[%swap3A_970, %swap3A_971], %select_n3A_969 {strides = array<i32>} : memref<16000x128xf32, #tpu.memory_space<vmem>>, vector<128x128xf32>,
    %get3A_973 = arith.constant 0 : index
    %get3A_974 = arith.constant 0 : index
    %get3A_975 = arith.constant 54 : index
    %get3A_976 = vector.load %arg1[%get3A_973, %get3A_974, %get3A_975] : memref<1x128x125xi32, #tpu.memory_space<vmem>>, vector<1x128x1xi32>
    %get3A_977 = vector.shape_cast %get3A_976 : vector<1x128x1xi32> to vector<128x1xi32>
    %eq3A_978 = arith.constant 0 : i32
    %eq3A_979 = vector.broadcast %eq3A_978 : i32 to vector<128x1xi32>
    %eq3A_980 = arith.cmpi eq, %get3A_977, %eq3A_979 : vector<128x1xi32>
    %broadcast_in_dim3A_981 = vector.shape_cast %eq3A_980 : vector<128x1xi1> to vector<128x1xi1>
    %broadcast_in_dim3A_982 = vector.broadcast %broadcast_in_dim3A_981 : vector<128x1xi1> to vector<128x128xi1>
    %broadcast_in_dim3A_983 = vector.shape_cast %get3A_1 : vector<1x128xf32> to vector<1x128xf32>
    %broadcast_in_dim3A_984 = vector.broadcast %broadcast_in_dim3A_983 : vector<1x128xf32> to vector<128x128xf32>
    %broadcast_in_dim3A_985 = vector.shape_cast %get3A_4 : vector<1x128xf32> to vector<1x128xf32>
    %broadcast_in_dim3A_986 = vector.broadcast %broadcast_in_dim3A_985 : vector<1x128xf32> to vector<128x128xf32>
    %select_n3A_987 = arith.select %broadcast_in_dim3A_982, %broadcast_in_dim3A_984, %broadcast_in_dim3A_986 : vector<128x128xi1>, vector<128x128xf32>
    %swap3A_988 = arith.constant 6912 : index
    %swap3A_989 = arith.constant 0 : index
    %swap3A_990 = vector.load %arg3[%swap3A_988, %swap3A_989] : memref<16000x128xf32, #tpu.memory_space<vmem>>, vector<128x128xf32>
    tpu.vector_store %arg3[%swap3A_988, %swap3A_989], %select_n3A_987 {strides = array<i32>} : memref<16000x128xf32, #tpu.memory_space<vmem>>, vector<128x128xf32>,
    %get3A_991 = arith.constant 0 : index
    %get3A_992 = arith.constant 0 : index
    %get3A_993 = arith.constant 55 : index
    %get3A_994 = vector.load %arg1[%get3A_991, %get3A_992, %get3A_993] : memref<1x128x125xi32, #tpu.memory_space<vmem>>, vector<1x128x1xi32>
    %get3A_995 = vector.shape_cast %get3A_994 : vector<1x128x1xi32> to vector<128x1xi32>
    %eq3A_996 = arith.constant 0 : i32
    %eq3A_997 = vector.broadcast %eq3A_996 : i32 to vector<128x1xi32>
    %eq3A_998 = arith.cmpi eq, %get3A_995, %eq3A_997 : vector<128x1xi32>
    %broadcast_in_dim3A_999 = vector.shape_cast %eq3A_998 : vector<128x1xi1> to vector<128x1xi1>
    %broadcast_in_dim3A_1000 = vector.broadcast %broadcast_in_dim3A_999 : vector<128x1xi1> to vector<128x128xi1>
    %broadcast_in_dim3A_1001 = vector.shape_cast %get3A_1 : vector<1x128xf32> to vector<1x128xf32>
    %broadcast_in_dim3A_1002 = vector.broadcast %broadcast_in_dim3A_1001 : vector<1x128xf32> to vector<128x128xf32>
    %broadcast_in_dim3A_1003 = vector.shape_cast %get3A_4 : vector<1x128xf32> to vector<1x128xf32>
    %broadcast_in_dim3A_1004 = vector.broadcast %broadcast_in_dim3A_1003 : vector<1x128xf32> to vector<128x128xf32>
    %select_n3A_1005 = arith.select %broadcast_in_dim3A_1000, %broadcast_in_dim3A_1002, %broadcast_in_dim3A_1004 : vector<128x128xi1>, vector<128x128xf32>
    %swap3A_1006 = arith.constant 7040 : index
    %swap3A_1007 = arith.constant 0 : index
    %swap3A_1008 = vector.load %arg3[%swap3A_1006, %swap3A_1007] : memref<16000x128xf32, #tpu.memory_space<vmem>>, vector<128x128xf32>
    tpu.vector_store %arg3[%swap3A_1006, %swap3A_1007], %select_n3A_1005 {strides = array<i32>} : memref<16000x128xf32, #tpu.memory_space<vmem>>, vector<128x128xf32>,
    %get3A_1009 = arith.constant 0 : index
    %get3A_1010 = arith.constant 0 : index
    %get3A_1011 = arith.constant 56 : index
    %get3A_1012 = vector.load %arg1[%get3A_1009, %get3A_1010, %get3A_1011] : memref<1x128x125xi32, #tpu.memory_space<vmem>>, vector<1x128x1xi32>
    %get3A_1013 = vector.shape_cast %get3A_1012 : vector<1x128x1xi32> to vector<128x1xi32>
    %eq3A_1014 = arith.constant 0 : i32
    %eq3A_1015 = vector.broadcast %eq3A_1014 : i32 to vector<128x1xi32>
    %eq3A_1016 = arith.cmpi eq, %get3A_1013, %eq3A_1015 : vector<128x1xi32>
    %broadcast_in_dim3A_1017 = vector.shape_cast %eq3A_1016 : vector<128x1xi1> to vector<128x1xi1>
    %broadcast_in_dim3A_1018 = vector.broadcast %broadcast_in_dim3A_1017 : vector<128x1xi1> to vector<128x128xi1>
    %broadcast_in_dim3A_1019 = vector.shape_cast %get3A_1 : vector<1x128xf32> to vector<1x128xf32>
    %broadcast_in_dim3A_1020 = vector.broadcast %broadcast_in_dim3A_1019 : vector<1x128xf32> to vector<128x128xf32>
    %broadcast_in_dim3A_1021 = vector.shape_cast %get3A_4 : vector<1x128xf32> to vector<1x128xf32>
    %broadcast_in_dim3A_1022 = vector.broadcast %broadcast_in_dim3A_1021 : vector<1x128xf32> to vector<128x128xf32>
    %select_n3A_1023 = arith.select %broadcast_in_dim3A_1018, %broadcast_in_dim3A_1020, %broadcast_in_dim3A_1022 : vector<128x128xi1>, vector<128x128xf32>
    %swap3A_1024 = arith.constant 7168 : index
    %swap3A_1025 = arith.constant 0 : index
    %swap3A_1026 = vector.load %arg3[%swap3A_1024, %swap3A_1025] : memref<16000x128xf32, #tpu.memory_space<vmem>>, vector<128x128xf32>
    tpu.vector_store %arg3[%swap3A_1024, %swap3A_1025], %select_n3A_1023 {strides = array<i32>} : memref<16000x128xf32, #tpu.memory_space<vmem>>, vector<128x128xf32>,
    %get3A_1027 = arith.constant 0 : index
    %get3A_1028 = arith.constant 0 : index
    %get3A_1029 = arith.constant 57 : index
    %get3A_1030 = vector.load %arg1[%get3A_1027, %get3A_1028, %get3A_1029] : memref<1x128x125xi32, #tpu.memory_space<vmem>>, vector<1x128x1xi32>
    %get3A_1031 = vector.shape_cast %get3A_1030 : vector<1x128x1xi32> to vector<128x1xi32>
    %eq3A_1032 = arith.constant 0 : i32
    %eq3A_1033 = vector.broadcast %eq3A_1032 : i32 to vector<128x1xi32>
    %eq3A_1034 = arith.cmpi eq, %get3A_1031, %eq3A_1033 : vector<128x1xi32>
    %broadcast_in_dim3A_1035 = vector.shape_cast %eq3A_1034 : vector<128x1xi1> to vector<128x1xi1>
    %broadcast_in_dim3A_1036 = vector.broadcast %broadcast_in_dim3A_1035 : vector<128x1xi1> to vector<128x128xi1>
    %broadcast_in_dim3A_1037 = vector.shape_cast %get3A_1 : vector<1x128xf32> to vector<1x128xf32>
    %broadcast_in_dim3A_1038 = vector.broadcast %broadcast_in_dim3A_1037 : vector<1x128xf32> to vector<128x128xf32>
    %broadcast_in_dim3A_1039 = vector.shape_cast %get3A_4 : vector<1x128xf32> to vector<1x128xf32>
    %broadcast_in_dim3A_1040 = vector.broadcast %broadcast_in_dim3A_1039 : vector<1x128xf32> to vector<128x128xf32>
    %select_n3A_1041 = arith.select %broadcast_in_dim3A_1036, %broadcast_in_dim3A_1038, %broadcast_in_dim3A_1040 : vector<128x128xi1>, vector<128x128xf32>
    %swap3A_1042 = arith.constant 7296 : index
    %swap3A_1043 = arith.constant 0 : index
    %swap3A_1044 = vector.load %arg3[%swap3A_1042, %swap3A_1043] : memref<16000x128xf32, #tpu.memory_space<vmem>>, vector<128x128xf32>
    tpu.vector_store %arg3[%swap3A_1042, %swap3A_1043], %select_n3A_1041 {strides = array<i32>} : memref<16000x128xf32, #tpu.memory_space<vmem>>, vector<128x128xf32>,
    %get3A_1045 = arith.constant 0 : index
    %get3A_1046 = arith.constant 0 : index
    %get3A_1047 = arith.constant 58 : index
    %get3A_1048 = vector.load %arg1[%get3A_1045, %get3A_1046, %get3A_1047] : memref<1x128x125xi32, #tpu.memory_space<vmem>>, vector<1x128x1xi32>
    %get3A_1049 = vector.shape_cast %get3A_1048 : vector<1x128x1xi32> to vector<128x1xi32>
    %eq3A_1050 = arith.constant 0 : i32
    %eq3A_1051 = vector.broadcast %eq3A_1050 : i32 to vector<128x1xi32>
    %eq3A_1052 = arith.cmpi eq, %get3A_1049, %eq3A_1051 : vector<128x1xi32>
    %broadcast_in_dim3A_1053 = vector.shape_cast %eq3A_1052 : vector<128x1xi1> to vector<128x1xi1>
    %broadcast_in_dim3A_1054 = vector.broadcast %broadcast_in_dim3A_1053 : vector<128x1xi1> to vector<128x128xi1>
    %broadcast_in_dim3A_1055 = vector.shape_cast %get3A_1 : vector<1x128xf32> to vector<1x128xf32>
    %broadcast_in_dim3A_1056 = vector.broadcast %broadcast_in_dim3A_1055 : vector<1x128xf32> to vector<128x128xf32>
    %broadcast_in_dim3A_1057 = vector.shape_cast %get3A_4 : vector<1x128xf32> to vector<1x128xf32>
    %broadcast_in_dim3A_1058 = vector.broadcast %broadcast_in_dim3A_1057 : vector<1x128xf32> to vector<128x128xf32>
    %select_n3A_1059 = arith.select %broadcast_in_dim3A_1054, %broadcast_in_dim3A_1056, %broadcast_in_dim3A_1058 : vector<128x128xi1>, vector<128x128xf32>
    %swap3A_1060 = arith.constant 7424 : index
    %swap3A_1061 = arith.constant 0 : index
    %swap3A_1062 = vector.load %arg3[%swap3A_1060, %swap3A_1061] : memref<16000x128xf32, #tpu.memory_space<vmem>>, vector<128x128xf32>
    tpu.vector_store %arg3[%swap3A_1060, %swap3A_1061], %select_n3A_1059 {strides = array<i32>} : memref<16000x128xf32, #tpu.memory_space<vmem>>, vector<128x128xf32>,
    %get3A_1063 = arith.constant 0 : index
    %get3A_1064 = arith.constant 0 : index
    %get3A_1065 = arith.constant 59 : index
    %get3A_1066 = vector.load %arg1[%get3A_1063, %get3A_1064, %get3A_1065] : memref<1x128x125xi32, #tpu.memory_space<vmem>>, vector<1x128x1xi32>
    %get3A_1067 = vector.shape_cast %get3A_1066 : vector<1x128x1xi32> to vector<128x1xi32>
    %eq3A_1068 = arith.constant 0 : i32
    %eq3A_1069 = vector.broadcast %eq3A_1068 : i32 to vector<128x1xi32>
    %eq3A_1070 = arith.cmpi eq, %get3A_1067, %eq3A_1069 : vector<128x1xi32>
    %broadcast_in_dim3A_1071 = vector.shape_cast %eq3A_1070 : vector<128x1xi1> to vector<128x1xi1>
    %broadcast_in_dim3A_1072 = vector.broadcast %broadcast_in_dim3A_1071 : vector<128x1xi1> to vector<128x128xi1>
    %broadcast_in_dim3A_1073 = vector.shape_cast %get3A_1 : vector<1x128xf32> to vector<1x128xf32>
    %broadcast_in_dim3A_1074 = vector.broadcast %broadcast_in_dim3A_1073 : vector<1x128xf32> to vector<128x128xf32>
    %broadcast_in_dim3A_1075 = vector.shape_cast %get3A_4 : vector<1x128xf32> to vector<1x128xf32>
    %broadcast_in_dim3A_1076 = vector.broadcast %broadcast_in_dim3A_1075 : vector<1x128xf32> to vector<128x128xf32>
    %select_n3A_1077 = arith.select %broadcast_in_dim3A_1072, %broadcast_in_dim3A_1074, %broadcast_in_dim3A_1076 : vector<128x128xi1>, vector<128x128xf32>
    %swap3A_1078 = arith.constant 7552 : index
    %swap3A_1079 = arith.constant 0 : index
    %swap3A_1080 = vector.load %arg3[%swap3A_1078, %swap3A_1079] : memref<16000x128xf32, #tpu.memory_space<vmem>>, vector<128x128xf32>
    tpu.vector_store %arg3[%swap3A_1078, %swap3A_1079], %select_n3A_1077 {strides = array<i32>} : memref<16000x128xf32, #tpu.memory_space<vmem>>, vector<128x128xf32>,
    %get3A_1081 = arith.constant 0 : index
    %get3A_1082 = arith.constant 0 : index
    %get3A_1083 = arith.constant 60 : index
    %get3A_1084 = vector.load %arg1[%get3A_1081, %get3A_1082, %get3A_1083] : memref<1x128x125xi32, #tpu.memory_space<vmem>>, vector<1x128x1xi32>
    %get3A_1085 = vector.shape_cast %get3A_1084 : vector<1x128x1xi32> to vector<128x1xi32>
    %eq3A_1086 = arith.constant 0 : i32
    %eq3A_1087 = vector.broadcast %eq3A_1086 : i32 to vector<128x1xi32>
    %eq3A_1088 = arith.cmpi eq, %get3A_1085, %eq3A_1087 : vector<128x1xi32>
    %broadcast_in_dim3A_1089 = vector.shape_cast %eq3A_1088 : vector<128x1xi1> to vector<128x1xi1>
    %broadcast_in_dim3A_1090 = vector.broadcast %broadcast_in_dim3A_1089 : vector<128x1xi1> to vector<128x128xi1>
    %broadcast_in_dim3A_1091 = vector.shape_cast %get3A_1 : vector<1x128xf32> to vector<1x128xf32>
    %broadcast_in_dim3A_1092 = vector.broadcast %broadcast_in_dim3A_1091 : vector<1x128xf32> to vector<128x128xf32>
    %broadcast_in_dim3A_1093 = vector.shape_cast %get3A_4 : vector<1x128xf32> to vector<1x128xf32>
    %broadcast_in_dim3A_1094 = vector.broadcast %broadcast_in_dim3A_1093 : vector<1x128xf32> to vector<128x128xf32>
    %select_n3A_1095 = arith.select %broadcast_in_dim3A_1090, %broadcast_in_dim3A_1092, %broadcast_in_dim3A_1094 : vector<128x128xi1>, vector<128x128xf32>
    %swap3A_1096 = arith.constant 7680 : index
    %swap3A_1097 = arith.constant 0 : index
    %swap3A_1098 = vector.load %arg3[%swap3A_1096, %swap3A_1097] : memref<16000x128xf32, #tpu.memory_space<vmem>>, vector<128x128xf32>
    tpu.vector_store %arg3[%swap3A_1096, %swap3A_1097], %select_n3A_1095 {strides = array<i32>} : memref<16000x128xf32, #tpu.memory_space<vmem>>, vector<128x128xf32>,
    %get3A_1099 = arith.constant 0 : index
    %get3A_1100 = arith.constant 0 : index
    %get3A_1101 = arith.constant 61 : index
    %get3A_1102 = vector.load %arg1[%get3A_1099, %get3A_1100, %get3A_1101] : memref<1x128x125xi32, #tpu.memory_space<vmem>>, vector<1x128x1xi32>
    %get3A_1103 = vector.shape_cast %get3A_1102 : vector<1x128x1xi32> to vector<128x1xi32>
    %eq3A_1104 = arith.constant 0 : i32
    %eq3A_1105 = vector.broadcast %eq3A_1104 : i32 to vector<128x1xi32>
    %eq3A_1106 = arith.cmpi eq, %get3A_1103, %eq3A_1105 : vector<128x1xi32>
    %broadcast_in_dim3A_1107 = vector.shape_cast %eq3A_1106 : vector<128x1xi1> to vector<128x1xi1>
    %broadcast_in_dim3A_1108 = vector.broadcast %broadcast_in_dim3A_1107 : vector<128x1xi1> to vector<128x128xi1>
    %broadcast_in_dim3A_1109 = vector.shape_cast %get3A_1 : vector<1x128xf32> to vector<1x128xf32>
    %broadcast_in_dim3A_1110 = vector.broadcast %broadcast_in_dim3A_1109 : vector<1x128xf32> to vector<128x128xf32>
    %broadcast_in_dim3A_1111 = vector.shape_cast %get3A_4 : vector<1x128xf32> to vector<1x128xf32>
    %broadcast_in_dim3A_1112 = vector.broadcast %broadcast_in_dim3A_1111 : vector<1x128xf32> to vector<128x128xf32>
    %select_n3A_1113 = arith.select %broadcast_in_dim3A_1108, %broadcast_in_dim3A_1110, %broadcast_in_dim3A_1112 : vector<128x128xi1>, vector<128x128xf32>
    %swap3A_1114 = arith.constant 7808 : index
    %swap3A_1115 = arith.constant 0 : index
    %swap3A_1116 = vector.load %arg3[%swap3A_1114, %swap3A_1115] : memref<16000x128xf32, #tpu.memory_space<vmem>>, vector<128x128xf32>
    tpu.vector_store %arg3[%swap3A_1114, %swap3A_1115], %select_n3A_1113 {strides = array<i32>} : memref<16000x128xf32, #tpu.memory_space<vmem>>, vector<128x128xf32>,
    %get3A_1117 = arith.constant 0 : index
    %get3A_1118 = arith.constant 0 : index
    %get3A_1119 = arith.constant 62 : index
    %get3A_1120 = vector.load %arg1[%get3A_1117, %get3A_1118, %get3A_1119] : memref<1x128x125xi32, #tpu.memory_space<vmem>>, vector<1x128x1xi32>
    %get3A_1121 = vector.shape_cast %get3A_1120 : vector<1x128x1xi32> to vector<128x1xi32>
    %eq3A_1122 = arith.constant 0 : i32
    %eq3A_1123 = vector.broadcast %eq3A_1122 : i32 to vector<128x1xi32>
    %eq3A_1124 = arith.cmpi eq, %get3A_1121, %eq3A_1123 : vector<128x1xi32>
    %broadcast_in_dim3A_1125 = vector.shape_cast %eq3A_1124 : vector<128x1xi1> to vector<128x1xi1>
    %broadcast_in_dim3A_1126 = vector.broadcast %broadcast_in_dim3A_1125 : vector<128x1xi1> to vector<128x128xi1>
    %broadcast_in_dim3A_1127 = vector.shape_cast %get3A_1 : vector<1x128xf32> to vector<1x128xf32>
    %broadcast_in_dim3A_1128 = vector.broadcast %broadcast_in_dim3A_1127 : vector<1x128xf32> to vector<128x128xf32>
    %broadcast_in_dim3A_1129 = vector.shape_cast %get3A_4 : vector<1x128xf32> to vector<1x128xf32>
    %broadcast_in_dim3A_1130 = vector.broadcast %broadcast_in_dim3A_1129 : vector<1x128xf32> to vector<128x128xf32>
    %select_n3A_1131 = arith.select %broadcast_in_dim3A_1126, %broadcast_in_dim3A_1128, %broadcast_in_dim3A_1130 : vector<128x128xi1>, vector<128x128xf32>
    %swap3A_1132 = arith.constant 7936 : index
    %swap3A_1133 = arith.constant 0 : index
    %swap3A_1134 = vector.load %arg3[%swap3A_1132, %swap3A_1133] : memref<16000x128xf32, #tpu.memory_space<vmem>>, vector<128x128xf32>
    tpu.vector_store %arg3[%swap3A_1132, %swap3A_1133], %select_n3A_1131 {strides = array<i32>} : memref<16000x128xf32, #tpu.memory_space<vmem>>, vector<128x128xf32>,
    %get3A_1135 = arith.constant 0 : index
    %get3A_1136 = arith.constant 0 : index
    %get3A_1137 = arith.constant 63 : index
    %get3A_1138 = vector.load %arg1[%get3A_1135, %get3A_1136, %get3A_1137] : memref<1x128x125xi32, #tpu.memory_space<vmem>>, vector<1x128x1xi32>
    %get3A_1139 = vector.shape_cast %get3A_1138 : vector<1x128x1xi32> to vector<128x1xi32>
    %eq3A_1140 = arith.constant 0 : i32
    %eq3A_1141 = vector.broadcast %eq3A_1140 : i32 to vector<128x1xi32>
    %eq3A_1142 = arith.cmpi eq, %get3A_1139, %eq3A_1141 : vector<128x1xi32>
    %broadcast_in_dim3A_1143 = vector.shape_cast %eq3A_1142 : vector<128x1xi1> to vector<128x1xi1>
    %broadcast_in_dim3A_1144 = vector.broadcast %broadcast_in_dim3A_1143 : vector<128x1xi1> to vector<128x128xi1>
    %broadcast_in_dim3A_1145 = vector.shape_cast %get3A_1 : vector<1x128xf32> to vector<1x128xf32>
    %broadcast_in_dim3A_1146 = vector.broadcast %broadcast_in_dim3A_1145 : vector<1x128xf32> to vector<128x128xf32>
    %broadcast_in_dim3A_1147 = vector.shape_cast %get3A_4 : vector<1x128xf32> to vector<1x128xf32>
    %broadcast_in_dim3A_1148 = vector.broadcast %broadcast_in_dim3A_1147 : vector<1x128xf32> to vector<128x128xf32>
    %select_n3A_1149 = arith.select %broadcast_in_dim3A_1144, %broadcast_in_dim3A_1146, %broadcast_in_dim3A_1148 : vector<128x128xi1>, vector<128x128xf32>
    %swap3A_1150 = arith.constant 8064 : index
    %swap3A_1151 = arith.constant 0 : index
    %swap3A_1152 = vector.load %arg3[%swap3A_1150, %swap3A_1151] : memref<16000x128xf32, #tpu.memory_space<vmem>>, vector<128x128xf32>
    tpu.vector_store %arg3[%swap3A_1150, %swap3A_1151], %select_n3A_1149 {strides = array<i32>} : memref<16000x128xf32, #tpu.memory_space<vmem>>, vector<128x128xf32>,
    %get3A_1153 = arith.constant 0 : index
    %get3A_1154 = arith.constant 0 : index
    %get3A_1155 = arith.constant 64 : index
    %get3A_1156 = vector.load %arg1[%get3A_1153, %get3A_1154, %get3A_1155] : memref<1x128x125xi32, #tpu.memory_space<vmem>>, vector<1x128x1xi32>
    %get3A_1157 = vector.shape_cast %get3A_1156 : vector<1x128x1xi32> to vector<128x1xi32>
    %eq3A_1158 = arith.constant 0 : i32
    %eq3A_1159 = vector.broadcast %eq3A_1158 : i32 to vector<128x1xi32>
    %eq3A_1160 = arith.cmpi eq, %get3A_1157, %eq3A_1159 : vector<128x1xi32>
    %broadcast_in_dim3A_1161 = vector.shape_cast %eq3A_1160 : vector<128x1xi1> to vector<128x1xi1>
    %broadcast_in_dim3A_1162 = vector.broadcast %broadcast_in_dim3A_1161 : vector<128x1xi1> to vector<128x128xi1>
    %broadcast_in_dim3A_1163 = vector.shape_cast %get3A_1 : vector<1x128xf32> to vector<1x128xf32>
    %broadcast_in_dim3A_1164 = vector.broadcast %broadcast_in_dim3A_1163 : vector<1x128xf32> to vector<128x128xf32>
    %broadcast_in_dim3A_1165 = vector.shape_cast %get3A_4 : vector<1x128xf32> to vector<1x128xf32>
    %broadcast_in_dim3A_1166 = vector.broadcast %broadcast_in_dim3A_1165 : vector<1x128xf32> to vector<128x128xf32>
    %select_n3A_1167 = arith.select %broadcast_in_dim3A_1162, %broadcast_in_dim3A_1164, %broadcast_in_dim3A_1166 : vector<128x128xi1>, vector<128x128xf32>
    %swap3A_1168 = arith.constant 8192 : index
    %swap3A_1169 = arith.constant 0 : index
    %swap3A_1170 = vector.load %arg3[%swap3A_1168, %swap3A_1169] : memref<16000x128xf32, #tpu.memory_space<vmem>>, vector<128x128xf32>
    tpu.vector_store %arg3[%swap3A_1168, %swap3A_1169], %select_n3A_1167 {strides = array<i32>} : memref<16000x128xf32, #tpu.memory_space<vmem>>, vector<128x128xf32>,
    %get3A_1171 = arith.constant 0 : index
    %get3A_1172 = arith.constant 0 : index
    %get3A_1173 = arith.constant 65 : index
    %get3A_1174 = vector.load %arg1[%get3A_1171, %get3A_1172, %get3A_1173] : memref<1x128x125xi32, #tpu.memory_space<vmem>>, vector<1x128x1xi32>
    %get3A_1175 = vector.shape_cast %get3A_1174 : vector<1x128x1xi32> to vector<128x1xi32>
    %eq3A_1176 = arith.constant 0 : i32
    %eq3A_1177 = vector.broadcast %eq3A_1176 : i32 to vector<128x1xi32>
    %eq3A_1178 = arith.cmpi eq, %get3A_1175, %eq3A_1177 : vector<128x1xi32>
    %broadcast_in_dim3A_1179 = vector.shape_cast %eq3A_1178 : vector<128x1xi1> to vector<128x1xi1>
    %broadcast_in_dim3A_1180 = vector.broadcast %broadcast_in_dim3A_1179 : vector<128x1xi1> to vector<128x128xi1>
    %broadcast_in_dim3A_1181 = vector.shape_cast %get3A_1 : vector<1x128xf32> to vector<1x128xf32>
    %broadcast_in_dim3A_1182 = vector.broadcast %broadcast_in_dim3A_1181 : vector<1x128xf32> to vector<128x128xf32>
    %broadcast_in_dim3A_1183 = vector.shape_cast %get3A_4 : vector<1x128xf32> to vector<1x128xf32>
    %broadcast_in_dim3A_1184 = vector.broadcast %broadcast_in_dim3A_1183 : vector<1x128xf32> to vector<128x128xf32>
    %select_n3A_1185 = arith.select %broadcast_in_dim3A_1180, %broadcast_in_dim3A_1182, %broadcast_in_dim3A_1184 : vector<128x128xi1>, vector<128x128xf32>
    %swap3A_1186 = arith.constant 8320 : index
    %swap3A_1187 = arith.constant 0 : index
    %swap3A_1188 = vector.load %arg3[%swap3A_1186, %swap3A_1187] : memref<16000x128xf32, #tpu.memory_space<vmem>>, vector<128x128xf32>
    tpu.vector_store %arg3[%swap3A_1186, %swap3A_1187], %select_n3A_1185 {strides = array<i32>} : memref<16000x128xf32, #tpu.memory_space<vmem>>, vector<128x128xf32>,
    %get3A_1189 = arith.constant 0 : index
    %get3A_1190 = arith.constant 0 : index
    %get3A_1191 = arith.constant 66 : index
    %get3A_1192 = vector.load %arg1[%get3A_1189, %get3A_1190, %get3A_1191] : memref<1x128x125xi32, #tpu.memory_space<vmem>>, vector<1x128x1xi32>
    %get3A_1193 = vector.shape_cast %get3A_1192 : vector<1x128x1xi32> to vector<128x1xi32>
    %eq3A_1194 = arith.constant 0 : i32
    %eq3A_1195 = vector.broadcast %eq3A_1194 : i32 to vector<128x1xi32>
    %eq3A_1196 = arith.cmpi eq, %get3A_1193, %eq3A_1195 : vector<128x1xi32>
    %broadcast_in_dim3A_1197 = vector.shape_cast %eq3A_1196 : vector<128x1xi1> to vector<128x1xi1>
    %broadcast_in_dim3A_1198 = vector.broadcast %broadcast_in_dim3A_1197 : vector<128x1xi1> to vector<128x128xi1>
    %broadcast_in_dim3A_1199 = vector.shape_cast %get3A_1 : vector<1x128xf32> to vector<1x128xf32>
    %broadcast_in_dim3A_1200 = vector.broadcast %broadcast_in_dim3A_1199 : vector<1x128xf32> to vector<128x128xf32>
    %broadcast_in_dim3A_1201 = vector.shape_cast %get3A_4 : vector<1x128xf32> to vector<1x128xf32>
    %broadcast_in_dim3A_1202 = vector.broadcast %broadcast_in_dim3A_1201 : vector<1x128xf32> to vector<128x128xf32>
    %select_n3A_1203 = arith.select %broadcast_in_dim3A_1198, %broadcast_in_dim3A_1200, %broadcast_in_dim3A_1202 : vector<128x128xi1>, vector<128x128xf32>
    %swap3A_1204 = arith.constant 8448 : index
    %swap3A_1205 = arith.constant 0 : index
    %swap3A_1206 = vector.load %arg3[%swap3A_1204, %swap3A_1205] : memref<16000x128xf32, #tpu.memory_space<vmem>>, vector<128x128xf32>
    tpu.vector_store %arg3[%swap3A_1204, %swap3A_1205], %select_n3A_1203 {strides = array<i32>} : memref<16000x128xf32, #tpu.memory_space<vmem>>, vector<128x128xf32>,
    %get3A_1207 = arith.constant 0 : index
    %get3A_1208 = arith.constant 0 : index
    %get3A_1209 = arith.constant 67 : index
    %get3A_1210 = vector.load %arg1[%get3A_1207, %get3A_1208, %get3A_1209] : memref<1x128x125xi32, #tpu.memory_space<vmem>>, vector<1x128x1xi32>
    %get3A_1211 = vector.shape_cast %get3A_1210 : vector<1x128x1xi32> to vector<128x1xi32>
    %eq3A_1212 = arith.constant 0 : i32
    %eq3A_1213 = vector.broadcast %eq3A_1212 : i32 to vector<128x1xi32>
    %eq3A_1214 = arith.cmpi eq, %get3A_1211, %eq3A_1213 : vector<128x1xi32>
    %broadcast_in_dim3A_1215 = vector.shape_cast %eq3A_1214 : vector<128x1xi1> to vector<128x1xi1>
    %broadcast_in_dim3A_1216 = vector.broadcast %broadcast_in_dim3A_1215 : vector<128x1xi1> to vector<128x128xi1>
    %broadcast_in_dim3A_1217 = vector.shape_cast %get3A_1 : vector<1x128xf32> to vector<1x128xf32>
    %broadcast_in_dim3A_1218 = vector.broadcast %broadcast_in_dim3A_1217 : vector<1x128xf32> to vector<128x128xf32>
    %broadcast_in_dim3A_1219 = vector.shape_cast %get3A_4 : vector<1x128xf32> to vector<1x128xf32>
    %broadcast_in_dim3A_1220 = vector.broadcast %broadcast_in_dim3A_1219 : vector<1x128xf32> to vector<128x128xf32>
    %select_n3A_1221 = arith.select %broadcast_in_dim3A_1216, %broadcast_in_dim3A_1218, %broadcast_in_dim3A_1220 : vector<128x128xi1>, vector<128x128xf32>
    %swap3A_1222 = arith.constant 8576 : index
    %swap3A_1223 = arith.constant 0 : index
    %swap3A_1224 = vector.load %arg3[%swap3A_1222, %swap3A_1223] : memref<16000x128xf32, #tpu.memory_space<vmem>>, vector<128x128xf32>
    tpu.vector_store %arg3[%swap3A_1222, %swap3A_1223], %select_n3A_1221 {strides = array<i32>} : memref<16000x128xf32, #tpu.memory_space<vmem>>, vector<128x128xf32>,
    %get3A_1225 = arith.constant 0 : index
    %get3A_1226 = arith.constant 0 : index
    %get3A_1227 = arith.constant 68 : index
    %get3A_1228 = vector.load %arg1[%get3A_1225, %get3A_1226, %get3A_1227] : memref<1x128x125xi32, #tpu.memory_space<vmem>>, vector<1x128x1xi32>
    %get3A_1229 = vector.shape_cast %get3A_1228 : vector<1x128x1xi32> to vector<128x1xi32>
    %eq3A_1230 = arith.constant 0 : i32
    %eq3A_1231 = vector.broadcast %eq3A_1230 : i32 to vector<128x1xi32>
    %eq3A_1232 = arith.cmpi eq, %get3A_1229, %eq3A_1231 : vector<128x1xi32>
    %broadcast_in_dim3A_1233 = vector.shape_cast %eq3A_1232 : vector<128x1xi1> to vector<128x1xi1>
    %broadcast_in_dim3A_1234 = vector.broadcast %broadcast_in_dim3A_1233 : vector<128x1xi1> to vector<128x128xi1>
    %broadcast_in_dim3A_1235 = vector.shape_cast %get3A_1 : vector<1x128xf32> to vector<1x128xf32>
    %broadcast_in_dim3A_1236 = vector.broadcast %broadcast_in_dim3A_1235 : vector<1x128xf32> to vector<128x128xf32>
    %broadcast_in_dim3A_1237 = vector.shape_cast %get3A_4 : vector<1x128xf32> to vector<1x128xf32>
    %broadcast_in_dim3A_1238 = vector.broadcast %broadcast_in_dim3A_1237 : vector<1x128xf32> to vector<128x128xf32>
    %select_n3A_1239 = arith.select %broadcast_in_dim3A_1234, %broadcast_in_dim3A_1236, %broadcast_in_dim3A_1238 : vector<128x128xi1>, vector<128x128xf32>
    %swap3A_1240 = arith.constant 8704 : index
    %swap3A_1241 = arith.constant 0 : index
    %swap3A_1242 = vector.load %arg3[%swap3A_1240, %swap3A_1241] : memref<16000x128xf32, #tpu.memory_space<vmem>>, vector<128x128xf32>
    tpu.vector_store %arg3[%swap3A_1240, %swap3A_1241], %select_n3A_1239 {strides = array<i32>} : memref<16000x128xf32, #tpu.memory_space<vmem>>, vector<128x128xf32>,
    %get3A_1243 = arith.constant 0 : index
    %get3A_1244 = arith.constant 0 : index
    %get3A_1245 = arith.constant 69 : index
    %get3A_1246 = vector.load %arg1[%get3A_1243, %get3A_1244, %get3A_1245] : memref<1x128x125xi32, #tpu.memory_space<vmem>>, vector<1x128x1xi32>
    %get3A_1247 = vector.shape_cast %get3A_1246 : vector<1x128x1xi32> to vector<128x1xi32>
    %eq3A_1248 = arith.constant 0 : i32
    %eq3A_1249 = vector.broadcast %eq3A_1248 : i32 to vector<128x1xi32>
    %eq3A_1250 = arith.cmpi eq, %get3A_1247, %eq3A_1249 : vector<128x1xi32>
    %broadcast_in_dim3A_1251 = vector.shape_cast %eq3A_1250 : vector<128x1xi1> to vector<128x1xi1>
    %broadcast_in_dim3A_1252 = vector.broadcast %broadcast_in_dim3A_1251 : vector<128x1xi1> to vector<128x128xi1>
    %broadcast_in_dim3A_1253 = vector.shape_cast %get3A_1 : vector<1x128xf32> to vector<1x128xf32>
    %broadcast_in_dim3A_1254 = vector.broadcast %broadcast_in_dim3A_1253 : vector<1x128xf32> to vector<128x128xf32>
    %broadcast_in_dim3A_1255 = vector.shape_cast %get3A_4 : vector<1x128xf32> to vector<1x128xf32>
    %broadcast_in_dim3A_1256 = vector.broadcast %broadcast_in_dim3A_1255 : vector<1x128xf32> to vector<128x128xf32>
    %select_n3A_1257 = arith.select %broadcast_in_dim3A_1252, %broadcast_in_dim3A_1254, %broadcast_in_dim3A_1256 : vector<128x128xi1>, vector<128x128xf32>
    %swap3A_1258 = arith.constant 8832 : index
    %swap3A_1259 = arith.constant 0 : index
    %swap3A_1260 = vector.load %arg3[%swap3A_1258, %swap3A_1259] : memref<16000x128xf32, #tpu.memory_space<vmem>>, vector<128x128xf32>
    tpu.vector_store %arg3[%swap3A_1258, %swap3A_1259], %select_n3A_1257 {strides = array<i32>} : memref<16000x128xf32, #tpu.memory_space<vmem>>, vector<128x128xf32>,
    %get3A_1261 = arith.constant 0 : index
    %get3A_1262 = arith.constant 0 : index
    %get3A_1263 = arith.constant 70 : index
    %get3A_1264 = vector.load %arg1[%get3A_1261, %get3A_1262, %get3A_1263] : memref<1x128x125xi32, #tpu.memory_space<vmem>>, vector<1x128x1xi32>
    %get3A_1265 = vector.shape_cast %get3A_1264 : vector<1x128x1xi32> to vector<128x1xi32>
    %eq3A_1266 = arith.constant 0 : i32
    %eq3A_1267 = vector.broadcast %eq3A_1266 : i32 to vector<128x1xi32>
    %eq3A_1268 = arith.cmpi eq, %get3A_1265, %eq3A_1267 : vector<128x1xi32>
    %broadcast_in_dim3A_1269 = vector.shape_cast %eq3A_1268 : vector<128x1xi1> to vector<128x1xi1>
    %broadcast_in_dim3A_1270 = vector.broadcast %broadcast_in_dim3A_1269 : vector<128x1xi1> to vector<128x128xi1>
    %broadcast_in_dim3A_1271 = vector.shape_cast %get3A_1 : vector<1x128xf32> to vector<1x128xf32>
    %broadcast_in_dim3A_1272 = vector.broadcast %broadcast_in_dim3A_1271 : vector<1x128xf32> to vector<128x128xf32>
    %broadcast_in_dim3A_1273 = vector.shape_cast %get3A_4 : vector<1x128xf32> to vector<1x128xf32>
    %broadcast_in_dim3A_1274 = vector.broadcast %broadcast_in_dim3A_1273 : vector<1x128xf32> to vector<128x128xf32>
    %select_n3A_1275 = arith.select %broadcast_in_dim3A_1270, %broadcast_in_dim3A_1272, %broadcast_in_dim3A_1274 : vector<128x128xi1>, vector<128x128xf32>
    %swap3A_1276 = arith.constant 8960 : index
    %swap3A_1277 = arith.constant 0 : index
    %swap3A_1278 = vector.load %arg3[%swap3A_1276, %swap3A_1277] : memref<16000x128xf32, #tpu.memory_space<vmem>>, vector<128x128xf32>
    tpu.vector_store %arg3[%swap3A_1276, %swap3A_1277], %select_n3A_1275 {strides = array<i32>} : memref<16000x128xf32, #tpu.memory_space<vmem>>, vector<128x128xf32>,
    %get3A_1279 = arith.constant 0 : index
    %get3A_1280 = arith.constant 0 : index
    %get3A_1281 = arith.constant 71 : index
    %get3A_1282 = vector.load %arg1[%get3A_1279, %get3A_1280, %get3A_1281] : memref<1x128x125xi32, #tpu.memory_space<vmem>>, vector<1x128x1xi32>
    %get3A_1283 = vector.shape_cast %get3A_1282 : vector<1x128x1xi32> to vector<128x1xi32>
    %eq3A_1284 = arith.constant 0 : i32
    %eq3A_1285 = vector.broadcast %eq3A_1284 : i32 to vector<128x1xi32>
    %eq3A_1286 = arith.cmpi eq, %get3A_1283, %eq3A_1285 : vector<128x1xi32>
    %broadcast_in_dim3A_1287 = vector.shape_cast %eq3A_1286 : vector<128x1xi1> to vector<128x1xi1>
    %broadcast_in_dim3A_1288 = vector.broadcast %broadcast_in_dim3A_1287 : vector<128x1xi1> to vector<128x128xi1>
    %broadcast_in_dim3A_1289 = vector.shape_cast %get3A_1 : vector<1x128xf32> to vector<1x128xf32>
    %broadcast_in_dim3A_1290 = vector.broadcast %broadcast_in_dim3A_1289 : vector<1x128xf32> to vector<128x128xf32>
    %broadcast_in_dim3A_1291 = vector.shape_cast %get3A_4 : vector<1x128xf32> to vector<1x128xf32>
    %broadcast_in_dim3A_1292 = vector.broadcast %broadcast_in_dim3A_1291 : vector<1x128xf32> to vector<128x128xf32>
    %select_n3A_1293 = arith.select %broadcast_in_dim3A_1288, %broadcast_in_dim3A_1290, %broadcast_in_dim3A_1292 : vector<128x128xi1>, vector<128x128xf32>
    %swap3A_1294 = arith.constant 9088 : index
    %swap3A_1295 = arith.constant 0 : index
    %swap3A_1296 = vector.load %arg3[%swap3A_1294, %swap3A_1295] : memref<16000x128xf32, #tpu.memory_space<vmem>>, vector<128x128xf32>
    tpu.vector_store %arg3[%swap3A_1294, %swap3A_1295], %select_n3A_1293 {strides = array<i32>} : memref<16000x128xf32, #tpu.memory_space<vmem>>, vector<128x128xf32>,
    %get3A_1297 = arith.constant 0 : index
    %get3A_1298 = arith.constant 0 : index
    %get3A_1299 = arith.constant 72 : index
    %get3A_1300 = vector.load %arg1[%get3A_1297, %get3A_1298, %get3A_1299] : memref<1x128x125xi32, #tpu.memory_space<vmem>>, vector<1x128x1xi32>
    %get3A_1301 = vector.shape_cast %get3A_1300 : vector<1x128x1xi32> to vector<128x1xi32>
    %eq3A_1302 = arith.constant 0 : i32
    %eq3A_1303 = vector.broadcast %eq3A_1302 : i32 to vector<128x1xi32>
    %eq3A_1304 = arith.cmpi eq, %get3A_1301, %eq3A_1303 : vector<128x1xi32>
    %broadcast_in_dim3A_1305 = vector.shape_cast %eq3A_1304 : vector<128x1xi1> to vector<128x1xi1>
    %broadcast_in_dim3A_1306 = vector.broadcast %broadcast_in_dim3A_1305 : vector<128x1xi1> to vector<128x128xi1>
    %broadcast_in_dim3A_1307 = vector.shape_cast %get3A_1 : vector<1x128xf32> to vector<1x128xf32>
    %broadcast_in_dim3A_1308 = vector.broadcast %broadcast_in_dim3A_1307 : vector<1x128xf32> to vector<128x128xf32>
    %broadcast_in_dim3A_1309 = vector.shape_cast %get3A_4 : vector<1x128xf32> to vector<1x128xf32>
    %broadcast_in_dim3A_1310 = vector.broadcast %broadcast_in_dim3A_1309 : vector<1x128xf32> to vector<128x128xf32>
    %select_n3A_1311 = arith.select %broadcast_in_dim3A_1306, %broadcast_in_dim3A_1308, %broadcast_in_dim3A_1310 : vector<128x128xi1>, vector<128x128xf32>
    %swap3A_1312 = arith.constant 9216 : index
    %swap3A_1313 = arith.constant 0 : index
    %swap3A_1314 = vector.load %arg3[%swap3A_1312, %swap3A_1313] : memref<16000x128xf32, #tpu.memory_space<vmem>>, vector<128x128xf32>
    tpu.vector_store %arg3[%swap3A_1312, %swap3A_1313], %select_n3A_1311 {strides = array<i32>} : memref<16000x128xf32, #tpu.memory_space<vmem>>, vector<128x128xf32>,
    %get3A_1315 = arith.constant 0 : index
    %get3A_1316 = arith.constant 0 : index
    %get3A_1317 = arith.constant 73 : index
    %get3A_1318 = vector.load %arg1[%get3A_1315, %get3A_1316, %get3A_1317] : memref<1x128x125xi32, #tpu.memory_space<vmem>>, vector<1x128x1xi32>
    %get3A_1319 = vector.shape_cast %get3A_1318 : vector<1x128x1xi32> to vector<128x1xi32>
    %eq3A_1320 = arith.constant 0 : i32
    %eq3A_1321 = vector.broadcast %eq3A_1320 : i32 to vector<128x1xi32>
    %eq3A_1322 = arith.cmpi eq, %get3A_1319, %eq3A_1321 : vector<128x1xi32>
    %broadcast_in_dim3A_1323 = vector.shape_cast %eq3A_1322 : vector<128x1xi1> to vector<128x1xi1>
    %broadcast_in_dim3A_1324 = vector.broadcast %broadcast_in_dim3A_1323 : vector<128x1xi1> to vector<128x128xi1>
    %broadcast_in_dim3A_1325 = vector.shape_cast %get3A_1 : vector<1x128xf32> to vector<1x128xf32>
    %broadcast_in_dim3A_1326 = vector.broadcast %broadcast_in_dim3A_1325 : vector<1x128xf32> to vector<128x128xf32>
    %broadcast_in_dim3A_1327 = vector.shape_cast %get3A_4 : vector<1x128xf32> to vector<1x128xf32>
    %broadcast_in_dim3A_1328 = vector.broadcast %broadcast_in_dim3A_1327 : vector<1x128xf32> to vector<128x128xf32>
    %select_n3A_1329 = arith.select %broadcast_in_dim3A_1324, %broadcast_in_dim3A_1326, %broadcast_in_dim3A_1328 : vector<128x128xi1>, vector<128x128xf32>
    %swap3A_1330 = arith.constant 9344 : index
    %swap3A_1331 = arith.constant 0 : index
    %swap3A_1332 = vector.load %arg3[%swap3A_1330, %swap3A_1331] : memref<16000x128xf32, #tpu.memory_space<vmem>>, vector<128x128xf32>
    tpu.vector_store %arg3[%swap3A_1330, %swap3A_1331], %select_n3A_1329 {strides = array<i32>} : memref<16000x128xf32, #tpu.memory_space<vmem>>, vector<128x128xf32>,
    %get3A_1333 = arith.constant 0 : index
    %get3A_1334 = arith.constant 0 : index
    %get3A_1335 = arith.constant 74 : index
    %get3A_1336 = vector.load %arg1[%get3A_1333, %get3A_1334, %get3A_1335] : memref<1x128x125xi32, #tpu.memory_space<vmem>>, vector<1x128x1xi32>
    %get3A_1337 = vector.shape_cast %get3A_1336 : vector<1x128x1xi32> to vector<128x1xi32>
    %eq3A_1338 = arith.constant 0 : i32
    %eq3A_1339 = vector.broadcast %eq3A_1338 : i32 to vector<128x1xi32>
    %eq3A_1340 = arith.cmpi eq, %get3A_1337, %eq3A_1339 : vector<128x1xi32>
    %broadcast_in_dim3A_1341 = vector.shape_cast %eq3A_1340 : vector<128x1xi1> to vector<128x1xi1>
    %broadcast_in_dim3A_1342 = vector.broadcast %broadcast_in_dim3A_1341 : vector<128x1xi1> to vector<128x128xi1>
    %broadcast_in_dim3A_1343 = vector.shape_cast %get3A_1 : vector<1x128xf32> to vector<1x128xf32>
    %broadcast_in_dim3A_1344 = vector.broadcast %broadcast_in_dim3A_1343 : vector<1x128xf32> to vector<128x128xf32>
    %broadcast_in_dim3A_1345 = vector.shape_cast %get3A_4 : vector<1x128xf32> to vector<1x128xf32>
    %broadcast_in_dim3A_1346 = vector.broadcast %broadcast_in_dim3A_1345 : vector<1x128xf32> to vector<128x128xf32>
    %select_n3A_1347 = arith.select %broadcast_in_dim3A_1342, %broadcast_in_dim3A_1344, %broadcast_in_dim3A_1346 : vector<128x128xi1>, vector<128x128xf32>
    %swap3A_1348 = arith.constant 9472 : index
    %swap3A_1349 = arith.constant 0 : index
    %swap3A_1350 = vector.load %arg3[%swap3A_1348, %swap3A_1349] : memref<16000x128xf32, #tpu.memory_space<vmem>>, vector<128x128xf32>
    tpu.vector_store %arg3[%swap3A_1348, %swap3A_1349], %select_n3A_1347 {strides = array<i32>} : memref<16000x128xf32, #tpu.memory_space<vmem>>, vector<128x128xf32>,
    %get3A_1351 = arith.constant 0 : index
    %get3A_1352 = arith.constant 0 : index
    %get3A_1353 = arith.constant 75 : index
    %get3A_1354 = vector.load %arg1[%get3A_1351, %get3A_1352, %get3A_1353] : memref<1x128x125xi32, #tpu.memory_space<vmem>>, vector<1x128x1xi32>
    %get3A_1355 = vector.shape_cast %get3A_1354 : vector<1x128x1xi32> to vector<128x1xi32>
    %eq3A_1356 = arith.constant 0 : i32
    %eq3A_1357 = vector.broadcast %eq3A_1356 : i32 to vector<128x1xi32>
    %eq3A_1358 = arith.cmpi eq, %get3A_1355, %eq3A_1357 : vector<128x1xi32>
    %broadcast_in_dim3A_1359 = vector.shape_cast %eq3A_1358 : vector<128x1xi1> to vector<128x1xi1>
    %broadcast_in_dim3A_1360 = vector.broadcast %broadcast_in_dim3A_1359 : vector<128x1xi1> to vector<128x128xi1>
    %broadcast_in_dim3A_1361 = vector.shape_cast %get3A_1 : vector<1x128xf32> to vector<1x128xf32>
    %broadcast_in_dim3A_1362 = vector.broadcast %broadcast_in_dim3A_1361 : vector<1x128xf32> to vector<128x128xf32>
    %broadcast_in_dim3A_1363 = vector.shape_cast %get3A_4 : vector<1x128xf32> to vector<1x128xf32>
    %broadcast_in_dim3A_1364 = vector.broadcast %broadcast_in_dim3A_1363 : vector<1x128xf32> to vector<128x128xf32>
    %select_n3A_1365 = arith.select %broadcast_in_dim3A_1360, %broadcast_in_dim3A_1362, %broadcast_in_dim3A_1364 : vector<128x128xi1>, vector<128x128xf32>
    %swap3A_1366 = arith.constant 9600 : index
    %swap3A_1367 = arith.constant 0 : index
    %swap3A_1368 = vector.load %arg3[%swap3A_1366, %swap3A_1367] : memref<16000x128xf32, #tpu.memory_space<vmem>>, vector<128x128xf32>
    tpu.vector_store %arg3[%swap3A_1366, %swap3A_1367], %select_n3A_1365 {strides = array<i32>} : memref<16000x128xf32, #tpu.memory_space<vmem>>, vector<128x128xf32>,
    %get3A_1369 = arith.constant 0 : index
    %get3A_1370 = arith.constant 0 : index
    %get3A_1371 = arith.constant 76 : index
    %get3A_1372 = vector.load %arg1[%get3A_1369, %get3A_1370, %get3A_1371] : memref<1x128x125xi32, #tpu.memory_space<vmem>>, vector<1x128x1xi32>
    %get3A_1373 = vector.shape_cast %get3A_1372 : vector<1x128x1xi32> to vector<128x1xi32>
    %eq3A_1374 = arith.constant 0 : i32
    %eq3A_1375 = vector.broadcast %eq3A_1374 : i32 to vector<128x1xi32>
    %eq3A_1376 = arith.cmpi eq, %get3A_1373, %eq3A_1375 : vector<128x1xi32>
    %broadcast_in_dim3A_1377 = vector.shape_cast %eq3A_1376 : vector<128x1xi1> to vector<128x1xi1>
    %broadcast_in_dim3A_1378 = vector.broadcast %broadcast_in_dim3A_1377 : vector<128x1xi1> to vector<128x128xi1>
    %broadcast_in_dim3A_1379 = vector.shape_cast %get3A_1 : vector<1x128xf32> to vector<1x128xf32>
    %broadcast_in_dim3A_1380 = vector.broadcast %broadcast_in_dim3A_1379 : vector<1x128xf32> to vector<128x128xf32>
    %broadcast_in_dim3A_1381 = vector.shape_cast %get3A_4 : vector<1x128xf32> to vector<1x128xf32>
    %broadcast_in_dim3A_1382 = vector.broadcast %broadcast_in_dim3A_1381 : vector<1x128xf32> to vector<128x128xf32>
    %select_n3A_1383 = arith.select %broadcast_in_dim3A_1378, %broadcast_in_dim3A_1380, %broadcast_in_dim3A_1382 : vector<128x128xi1>, vector<128x128xf32>
    %swap3A_1384 = arith.constant 9728 : index
    %swap3A_1385 = arith.constant 0 : index
    %swap3A_1386 = vector.load %arg3[%swap3A_1384, %swap3A_1385] : memref<16000x128xf32, #tpu.memory_space<vmem>>, vector<128x128xf32>
    tpu.vector_store %arg3[%swap3A_1384, %swap3A_1385], %select_n3A_1383 {strides = array<i32>} : memref<16000x128xf32, #tpu.memory_space<vmem>>, vector<128x128xf32>,
    %get3A_1387 = arith.constant 0 : index
    %get3A_1388 = arith.constant 0 : index
    %get3A_1389 = arith.constant 77 : index
    %get3A_1390 = vector.load %arg1[%get3A_1387, %get3A_1388, %get3A_1389] : memref<1x128x125xi32, #tpu.memory_space<vmem>>, vector<1x128x1xi32>
    %get3A_1391 = vector.shape_cast %get3A_1390 : vector<1x128x1xi32> to vector<128x1xi32>
    %eq3A_1392 = arith.constant 0 : i32
    %eq3A_1393 = vector.broadcast %eq3A_1392 : i32 to vector<128x1xi32>
    %eq3A_1394 = arith.cmpi eq, %get3A_1391, %eq3A_1393 : vector<128x1xi32>
    %broadcast_in_dim3A_1395 = vector.shape_cast %eq3A_1394 : vector<128x1xi1> to vector<128x1xi1>
    %broadcast_in_dim3A_1396 = vector.broadcast %broadcast_in_dim3A_1395 : vector<128x1xi1> to vector<128x128xi1>
    %broadcast_in_dim3A_1397 = vector.shape_cast %get3A_1 : vector<1x128xf32> to vector<1x128xf32>
    %broadcast_in_dim3A_1398 = vector.broadcast %broadcast_in_dim3A_1397 : vector<1x128xf32> to vector<128x128xf32>
    %broadcast_in_dim3A_1399 = vector.shape_cast %get3A_4 : vector<1x128xf32> to vector<1x128xf32>
    %broadcast_in_dim3A_1400 = vector.broadcast %broadcast_in_dim3A_1399 : vector<1x128xf32> to vector<128x128xf32>
    %select_n3A_1401 = arith.select %broadcast_in_dim3A_1396, %broadcast_in_dim3A_1398, %broadcast_in_dim3A_1400 : vector<128x128xi1>, vector<128x128xf32>
    %swap3A_1402 = arith.constant 9856 : index
    %swap3A_1403 = arith.constant 0 : index
    %swap3A_1404 = vector.load %arg3[%swap3A_1402, %swap3A_1403] : memref<16000x128xf32, #tpu.memory_space<vmem>>, vector<128x128xf32>
    tpu.vector_store %arg3[%swap3A_1402, %swap3A_1403], %select_n3A_1401 {strides = array<i32>} : memref<16000x128xf32, #tpu.memory_space<vmem>>, vector<128x128xf32>,
    %get3A_1405 = arith.constant 0 : index
    %get3A_1406 = arith.constant 0 : index
    %get3A_1407 = arith.constant 78 : index
    %get3A_1408 = vector.load %arg1[%get3A_1405, %get3A_1406, %get3A_1407] : memref<1x128x125xi32, #tpu.memory_space<vmem>>, vector<1x128x1xi32>
    %get3A_1409 = vector.shape_cast %get3A_1408 : vector<1x128x1xi32> to vector<128x1xi32>
    %eq3A_1410 = arith.constant 0 : i32
    %eq3A_1411 = vector.broadcast %eq3A_1410 : i32 to vector<128x1xi32>
    %eq3A_1412 = arith.cmpi eq, %get3A_1409, %eq3A_1411 : vector<128x1xi32>
    %broadcast_in_dim3A_1413 = vector.shape_cast %eq3A_1412 : vector<128x1xi1> to vector<128x1xi1>
    %broadcast_in_dim3A_1414 = vector.broadcast %broadcast_in_dim3A_1413 : vector<128x1xi1> to vector<128x128xi1>
    %broadcast_in_dim3A_1415 = vector.shape_cast %get3A_1 : vector<1x128xf32> to vector<1x128xf32>
    %broadcast_in_dim3A_1416 = vector.broadcast %broadcast_in_dim3A_1415 : vector<1x128xf32> to vector<128x128xf32>
    %broadcast_in_dim3A_1417 = vector.shape_cast %get3A_4 : vector<1x128xf32> to vector<1x128xf32>
    %broadcast_in_dim3A_1418 = vector.broadcast %broadcast_in_dim3A_1417 : vector<1x128xf32> to vector<128x128xf32>
    %select_n3A_1419 = arith.select %broadcast_in_dim3A_1414, %broadcast_in_dim3A_1416, %broadcast_in_dim3A_1418 : vector<128x128xi1>, vector<128x128xf32>
    %swap3A_1420 = arith.constant 9984 : index
    %swap3A_1421 = arith.constant 0 : index
    %swap3A_1422 = vector.load %arg3[%swap3A_1420, %swap3A_1421] : memref<16000x128xf32, #tpu.memory_space<vmem>>, vector<128x128xf32>
    tpu.vector_store %arg3[%swap3A_1420, %swap3A_1421], %select_n3A_1419 {strides = array<i32>} : memref<16000x128xf32, #tpu.memory_space<vmem>>, vector<128x128xf32>,
    %get3A_1423 = arith.constant 0 : index
    %get3A_1424 = arith.constant 0 : index
    %get3A_1425 = arith.constant 79 : index
    %get3A_1426 = vector.load %arg1[%get3A_1423, %get3A_1424, %get3A_1425] : memref<1x128x125xi32, #tpu.memory_space<vmem>>, vector<1x128x1xi32>
    %get3A_1427 = vector.shape_cast %get3A_1426 : vector<1x128x1xi32> to vector<128x1xi32>
    %eq3A_1428 = arith.constant 0 : i32
    %eq3A_1429 = vector.broadcast %eq3A_1428 : i32 to vector<128x1xi32>
    %eq3A_1430 = arith.cmpi eq, %get3A_1427, %eq3A_1429 : vector<128x1xi32>
    %broadcast_in_dim3A_1431 = vector.shape_cast %eq3A_1430 : vector<128x1xi1> to vector<128x1xi1>
    %broadcast_in_dim3A_1432 = vector.broadcast %broadcast_in_dim3A_1431 : vector<128x1xi1> to vector<128x128xi1>
    %broadcast_in_dim3A_1433 = vector.shape_cast %get3A_1 : vector<1x128xf32> to vector<1x128xf32>
    %broadcast_in_dim3A_1434 = vector.broadcast %broadcast_in_dim3A_1433 : vector<1x128xf32> to vector<128x128xf32>
    %broadcast_in_dim3A_1435 = vector.shape_cast %get3A_4 : vector<1x128xf32> to vector<1x128xf32>
    %broadcast_in_dim3A_1436 = vector.broadcast %broadcast_in_dim3A_1435 : vector<1x128xf32> to vector<128x128xf32>
    %select_n3A_1437 = arith.select %broadcast_in_dim3A_1432, %broadcast_in_dim3A_1434, %broadcast_in_dim3A_1436 : vector<128x128xi1>, vector<128x128xf32>
    %swap3A_1438 = arith.constant 10112 : index
    %swap3A_1439 = arith.constant 0 : index
    %swap3A_1440 = vector.load %arg3[%swap3A_1438, %swap3A_1439] : memref<16000x128xf32, #tpu.memory_space<vmem>>, vector<128x128xf32>
    tpu.vector_store %arg3[%swap3A_1438, %swap3A_1439], %select_n3A_1437 {strides = array<i32>} : memref<16000x128xf32, #tpu.memory_space<vmem>>, vector<128x128xf32>,
    %get3A_1441 = arith.constant 0 : index
    %get3A_1442 = arith.constant 0 : index
    %get3A_1443 = arith.constant 80 : index
    %get3A_1444 = vector.load %arg1[%get3A_1441, %get3A_1442, %get3A_1443] : memref<1x128x125xi32, #tpu.memory_space<vmem>>, vector<1x128x1xi32>
    %get3A_1445 = vector.shape_cast %get3A_1444 : vector<1x128x1xi32> to vector<128x1xi32>
    %eq3A_1446 = arith.constant 0 : i32
    %eq3A_1447 = vector.broadcast %eq3A_1446 : i32 to vector<128x1xi32>
    %eq3A_1448 = arith.cmpi eq, %get3A_1445, %eq3A_1447 : vector<128x1xi32>
    %broadcast_in_dim3A_1449 = vector.shape_cast %eq3A_1448 : vector<128x1xi1> to vector<128x1xi1>
    %broadcast_in_dim3A_1450 = vector.broadcast %broadcast_in_dim3A_1449 : vector<128x1xi1> to vector<128x128xi1>
    %broadcast_in_dim3A_1451 = vector.shape_cast %get3A_1 : vector<1x128xf32> to vector<1x128xf32>
    %broadcast_in_dim3A_1452 = vector.broadcast %broadcast_in_dim3A_1451 : vector<1x128xf32> to vector<128x128xf32>
    %broadcast_in_dim3A_1453 = vector.shape_cast %get3A_4 : vector<1x128xf32> to vector<1x128xf32>
    %broadcast_in_dim3A_1454 = vector.broadcast %broadcast_in_dim3A_1453 : vector<1x128xf32> to vector<128x128xf32>
    %select_n3A_1455 = arith.select %broadcast_in_dim3A_1450, %broadcast_in_dim3A_1452, %broadcast_in_dim3A_1454 : vector<128x128xi1>, vector<128x128xf32>
    %swap3A_1456 = arith.constant 10240 : index
    %swap3A_1457 = arith.constant 0 : index
    %swap3A_1458 = vector.load %arg3[%swap3A_1456, %swap3A_1457] : memref<16000x128xf32, #tpu.memory_space<vmem>>, vector<128x128xf32>
    tpu.vector_store %arg3[%swap3A_1456, %swap3A_1457], %select_n3A_1455 {strides = array<i32>} : memref<16000x128xf32, #tpu.memory_space<vmem>>, vector<128x128xf32>,
    %get3A_1459 = arith.constant 0 : index
    %get3A_1460 = arith.constant 0 : index
    %get3A_1461 = arith.constant 81 : index
    %get3A_1462 = vector.load %arg1[%get3A_1459, %get3A_1460, %get3A_1461] : memref<1x128x125xi32, #tpu.memory_space<vmem>>, vector<1x128x1xi32>
    %get3A_1463 = vector.shape_cast %get3A_1462 : vector<1x128x1xi32> to vector<128x1xi32>
    %eq3A_1464 = arith.constant 0 : i32
    %eq3A_1465 = vector.broadcast %eq3A_1464 : i32 to vector<128x1xi32>
    %eq3A_1466 = arith.cmpi eq, %get3A_1463, %eq3A_1465 : vector<128x1xi32>
    %broadcast_in_dim3A_1467 = vector.shape_cast %eq3A_1466 : vector<128x1xi1> to vector<128x1xi1>
    %broadcast_in_dim3A_1468 = vector.broadcast %broadcast_in_dim3A_1467 : vector<128x1xi1> to vector<128x128xi1>
    %broadcast_in_dim3A_1469 = vector.shape_cast %get3A_1 : vector<1x128xf32> to vector<1x128xf32>
    %broadcast_in_dim3A_1470 = vector.broadcast %broadcast_in_dim3A_1469 : vector<1x128xf32> to vector<128x128xf32>
    %broadcast_in_dim3A_1471 = vector.shape_cast %get3A_4 : vector<1x128xf32> to vector<1x128xf32>
    %broadcast_in_dim3A_1472 = vector.broadcast %broadcast_in_dim3A_1471 : vector<1x128xf32> to vector<128x128xf32>
    %select_n3A_1473 = arith.select %broadcast_in_dim3A_1468, %broadcast_in_dim3A_1470, %broadcast_in_dim3A_1472 : vector<128x128xi1>, vector<128x128xf32>
    %swap3A_1474 = arith.constant 10368 : index
    %swap3A_1475 = arith.constant 0 : index
    %swap3A_1476 = vector.load %arg3[%swap3A_1474, %swap3A_1475] : memref<16000x128xf32, #tpu.memory_space<vmem>>, vector<128x128xf32>
    tpu.vector_store %arg3[%swap3A_1474, %swap3A_1475], %select_n3A_1473 {strides = array<i32>} : memref<16000x128xf32, #tpu.memory_space<vmem>>, vector<128x128xf32>,
    %get3A_1477 = arith.constant 0 : index
    %get3A_1478 = arith.constant 0 : index
    %get3A_1479 = arith.constant 82 : index
    %get3A_1480 = vector.load %arg1[%get3A_1477, %get3A_1478, %get3A_1479] : memref<1x128x125xi32, #tpu.memory_space<vmem>>, vector<1x128x1xi32>
    %get3A_1481 = vector.shape_cast %get3A_1480 : vector<1x128x1xi32> to vector<128x1xi32>
    %eq3A_1482 = arith.constant 0 : i32
    %eq3A_1483 = vector.broadcast %eq3A_1482 : i32 to vector<128x1xi32>
    %eq3A_1484 = arith.cmpi eq, %get3A_1481, %eq3A_1483 : vector<128x1xi32>
    %broadcast_in_dim3A_1485 = vector.shape_cast %eq3A_1484 : vector<128x1xi1> to vector<128x1xi1>
    %broadcast_in_dim3A_1486 = vector.broadcast %broadcast_in_dim3A_1485 : vector<128x1xi1> to vector<128x128xi1>
    %broadcast_in_dim3A_1487 = vector.shape_cast %get3A_1 : vector<1x128xf32> to vector<1x128xf32>
    %broadcast_in_dim3A_1488 = vector.broadcast %broadcast_in_dim3A_1487 : vector<1x128xf32> to vector<128x128xf32>
    %broadcast_in_dim3A_1489 = vector.shape_cast %get3A_4 : vector<1x128xf32> to vector<1x128xf32>
    %broadcast_in_dim3A_1490 = vector.broadcast %broadcast_in_dim3A_1489 : vector<1x128xf32> to vector<128x128xf32>
    %select_n3A_1491 = arith.select %broadcast_in_dim3A_1486, %broadcast_in_dim3A_1488, %broadcast_in_dim3A_1490 : vector<128x128xi1>, vector<128x128xf32>
    %swap3A_1492 = arith.constant 10496 : index
    %swap3A_1493 = arith.constant 0 : index
    %swap3A_1494 = vector.load %arg3[%swap3A_1492, %swap3A_1493] : memref<16000x128xf32, #tpu.memory_space<vmem>>, vector<128x128xf32>
    tpu.vector_store %arg3[%swap3A_1492, %swap3A_1493], %select_n3A_1491 {strides = array<i32>} : memref<16000x128xf32, #tpu.memory_space<vmem>>, vector<128x128xf32>,
    %get3A_1495 = arith.constant 0 : index
    %get3A_1496 = arith.constant 0 : index
    %get3A_1497 = arith.constant 83 : index
    %get3A_1498 = vector.load %arg1[%get3A_1495, %get3A_1496, %get3A_1497] : memref<1x128x125xi32, #tpu.memory_space<vmem>>, vector<1x128x1xi32>
    %get3A_1499 = vector.shape_cast %get3A_1498 : vector<1x128x1xi32> to vector<128x1xi32>
    %eq3A_1500 = arith.constant 0 : i32
    %eq3A_1501 = vector.broadcast %eq3A_1500 : i32 to vector<128x1xi32>
    %eq3A_1502 = arith.cmpi eq, %get3A_1499, %eq3A_1501 : vector<128x1xi32>
    %broadcast_in_dim3A_1503 = vector.shape_cast %eq3A_1502 : vector<128x1xi1> to vector<128x1xi1>
    %broadcast_in_dim3A_1504 = vector.broadcast %broadcast_in_dim3A_1503 : vector<128x1xi1> to vector<128x128xi1>
    %broadcast_in_dim3A_1505 = vector.shape_cast %get3A_1 : vector<1x128xf32> to vector<1x128xf32>
    %broadcast_in_dim3A_1506 = vector.broadcast %broadcast_in_dim3A_1505 : vector<1x128xf32> to vector<128x128xf32>
    %broadcast_in_dim3A_1507 = vector.shape_cast %get3A_4 : vector<1x128xf32> to vector<1x128xf32>
    %broadcast_in_dim3A_1508 = vector.broadcast %broadcast_in_dim3A_1507 : vector<1x128xf32> to vector<128x128xf32>
    %select_n3A_1509 = arith.select %broadcast_in_dim3A_1504, %broadcast_in_dim3A_1506, %broadcast_in_dim3A_1508 : vector<128x128xi1>, vector<128x128xf32>
    %swap3A_1510 = arith.constant 10624 : index
    %swap3A_1511 = arith.constant 0 : index
    %swap3A_1512 = vector.load %arg3[%swap3A_1510, %swap3A_1511] : memref<16000x128xf32, #tpu.memory_space<vmem>>, vector<128x128xf32>
    tpu.vector_store %arg3[%swap3A_1510, %swap3A_1511], %select_n3A_1509 {strides = array<i32>} : memref<16000x128xf32, #tpu.memory_space<vmem>>, vector<128x128xf32>,
    %get3A_1513 = arith.constant 0 : index
    %get3A_1514 = arith.constant 0 : index
    %get3A_1515 = arith.constant 84 : index
    %get3A_1516 = vector.load %arg1[%get3A_1513, %get3A_1514, %get3A_1515] : memref<1x128x125xi32, #tpu.memory_space<vmem>>, vector<1x128x1xi32>
    %get3A_1517 = vector.shape_cast %get3A_1516 : vector<1x128x1xi32> to vector<128x1xi32>
    %eq3A_1518 = arith.constant 0 : i32
    %eq3A_1519 = vector.broadcast %eq3A_1518 : i32 to vector<128x1xi32>
    %eq3A_1520 = arith.cmpi eq, %get3A_1517, %eq3A_1519 : vector<128x1xi32>
    %broadcast_in_dim3A_1521 = vector.shape_cast %eq3A_1520 : vector<128x1xi1> to vector<128x1xi1>
    %broadcast_in_dim3A_1522 = vector.broadcast %broadcast_in_dim3A_1521 : vector<128x1xi1> to vector<128x128xi1>
    %broadcast_in_dim3A_1523 = vector.shape_cast %get3A_1 : vector<1x128xf32> to vector<1x128xf32>
    %broadcast_in_dim3A_1524 = vector.broadcast %broadcast_in_dim3A_1523 : vector<1x128xf32> to vector<128x128xf32>
    %broadcast_in_dim3A_1525 = vector.shape_cast %get3A_4 : vector<1x128xf32> to vector<1x128xf32>
    %broadcast_in_dim3A_1526 = vector.broadcast %broadcast_in_dim3A_1525 : vector<1x128xf32> to vector<128x128xf32>
    %select_n3A_1527 = arith.select %broadcast_in_dim3A_1522, %broadcast_in_dim3A_1524, %broadcast_in_dim3A_1526 : vector<128x128xi1>, vector<128x128xf32>
    %swap3A_1528 = arith.constant 10752 : index
    %swap3A_1529 = arith.constant 0 : index
    %swap3A_1530 = vector.load %arg3[%swap3A_1528, %swap3A_1529] : memref<16000x128xf32, #tpu.memory_space<vmem>>, vector<128x128xf32>
    tpu.vector_store %arg3[%swap3A_1528, %swap3A_1529], %select_n3A_1527 {strides = array<i32>} : memref<16000x128xf32, #tpu.memory_space<vmem>>, vector<128x128xf32>,
    %get3A_1531 = arith.constant 0 : index
    %get3A_1532 = arith.constant 0 : index
    %get3A_1533 = arith.constant 85 : index
    %get3A_1534 = vector.load %arg1[%get3A_1531, %get3A_1532, %get3A_1533] : memref<1x128x125xi32, #tpu.memory_space<vmem>>, vector<1x128x1xi32>
    %get3A_1535 = vector.shape_cast %get3A_1534 : vector<1x128x1xi32> to vector<128x1xi32>
    %eq3A_1536 = arith.constant 0 : i32
    %eq3A_1537 = vector.broadcast %eq3A_1536 : i32 to vector<128x1xi32>
    %eq3A_1538 = arith.cmpi eq, %get3A_1535, %eq3A_1537 : vector<128x1xi32>
    %broadcast_in_dim3A_1539 = vector.shape_cast %eq3A_1538 : vector<128x1xi1> to vector<128x1xi1>
    %broadcast_in_dim3A_1540 = vector.broadcast %broadcast_in_dim3A_1539 : vector<128x1xi1> to vector<128x128xi1>
    %broadcast_in_dim3A_1541 = vector.shape_cast %get3A_1 : vector<1x128xf32> to vector<1x128xf32>
    %broadcast_in_dim3A_1542 = vector.broadcast %broadcast_in_dim3A_1541 : vector<1x128xf32> to vector<128x128xf32>
    %broadcast_in_dim3A_1543 = vector.shape_cast %get3A_4 : vector<1x128xf32> to vector<1x128xf32>
    %broadcast_in_dim3A_1544 = vector.broadcast %broadcast_in_dim3A_1543 : vector<1x128xf32> to vector<128x128xf32>
    %select_n3A_1545 = arith.select %broadcast_in_dim3A_1540, %broadcast_in_dim3A_1542, %broadcast_in_dim3A_1544 : vector<128x128xi1>, vector<128x128xf32>
    %swap3A_1546 = arith.constant 10880 : index
    %swap3A_1547 = arith.constant 0 : index
    %swap3A_1548 = vector.load %arg3[%swap3A_1546, %swap3A_1547] : memref<16000x128xf32, #tpu.memory_space<vmem>>, vector<128x128xf32>
    tpu.vector_store %arg3[%swap3A_1546, %swap3A_1547], %select_n3A_1545 {strides = array<i32>} : memref<16000x128xf32, #tpu.memory_space<vmem>>, vector<128x128xf32>,
    %get3A_1549 = arith.constant 0 : index
    %get3A_1550 = arith.constant 0 : index
    %get3A_1551 = arith.constant 86 : index
    %get3A_1552 = vector.load %arg1[%get3A_1549, %get3A_1550, %get3A_1551] : memref<1x128x125xi32, #tpu.memory_space<vmem>>, vector<1x128x1xi32>
    %get3A_1553 = vector.shape_cast %get3A_1552 : vector<1x128x1xi32> to vector<128x1xi32>
    %eq3A_1554 = arith.constant 0 : i32
    %eq3A_1555 = vector.broadcast %eq3A_1554 : i32 to vector<128x1xi32>
    %eq3A_1556 = arith.cmpi eq, %get3A_1553, %eq3A_1555 : vector<128x1xi32>
    %broadcast_in_dim3A_1557 = vector.shape_cast %eq3A_1556 : vector<128x1xi1> to vector<128x1xi1>
    %broadcast_in_dim3A_1558 = vector.broadcast %broadcast_in_dim3A_1557 : vector<128x1xi1> to vector<128x128xi1>
    %broadcast_in_dim3A_1559 = vector.shape_cast %get3A_1 : vector<1x128xf32> to vector<1x128xf32>
    %broadcast_in_dim3A_1560 = vector.broadcast %broadcast_in_dim3A_1559 : vector<1x128xf32> to vector<128x128xf32>
    %broadcast_in_dim3A_1561 = vector.shape_cast %get3A_4 : vector<1x128xf32> to vector<1x128xf32>
    %broadcast_in_dim3A_1562 = vector.broadcast %broadcast_in_dim3A_1561 : vector<1x128xf32> to vector<128x128xf32>
    %select_n3A_1563 = arith.select %broadcast_in_dim3A_1558, %broadcast_in_dim3A_1560, %broadcast_in_dim3A_1562 : vector<128x128xi1>, vector<128x128xf32>
    %swap3A_1564 = arith.constant 11008 : index
    %swap3A_1565 = arith.constant 0 : index
    %swap3A_1566 = vector.load %arg3[%swap3A_1564, %swap3A_1565] : memref<16000x128xf32, #tpu.memory_space<vmem>>, vector<128x128xf32>
    tpu.vector_store %arg3[%swap3A_1564, %swap3A_1565], %select_n3A_1563 {strides = array<i32>} : memref<16000x128xf32, #tpu.memory_space<vmem>>, vector<128x128xf32>,
    %get3A_1567 = arith.constant 0 : index
    %get3A_1568 = arith.constant 0 : index
    %get3A_1569 = arith.constant 87 : index
    %get3A_1570 = vector.load %arg1[%get3A_1567, %get3A_1568, %get3A_1569] : memref<1x128x125xi32, #tpu.memory_space<vmem>>, vector<1x128x1xi32>
    %get3A_1571 = vector.shape_cast %get3A_1570 : vector<1x128x1xi32> to vector<128x1xi32>
    %eq3A_1572 = arith.constant 0 : i32
    %eq3A_1573 = vector.broadcast %eq3A_1572 : i32 to vector<128x1xi32>
    %eq3A_1574 = arith.cmpi eq, %get3A_1571, %eq3A_1573 : vector<128x1xi32>
    %broadcast_in_dim3A_1575 = vector.shape_cast %eq3A_1574 : vector<128x1xi1> to vector<128x1xi1>
    %broadcast_in_dim3A_1576 = vector.broadcast %broadcast_in_dim3A_1575 : vector<128x1xi1> to vector<128x128xi1>
    %broadcast_in_dim3A_1577 = vector.shape_cast %get3A_1 : vector<1x128xf32> to vector<1x128xf32>
    %broadcast_in_dim3A_1578 = vector.broadcast %broadcast_in_dim3A_1577 : vector<1x128xf32> to vector<128x128xf32>
    %broadcast_in_dim3A_1579 = vector.shape_cast %get3A_4 : vector<1x128xf32> to vector<1x128xf32>
    %broadcast_in_dim3A_1580 = vector.broadcast %broadcast_in_dim3A_1579 : vector<1x128xf32> to vector<128x128xf32>
    %select_n3A_1581 = arith.select %broadcast_in_dim3A_1576, %broadcast_in_dim3A_1578, %broadcast_in_dim3A_1580 : vector<128x128xi1>, vector<128x128xf32>
    %swap3A_1582 = arith.constant 11136 : index
    %swap3A_1583 = arith.constant 0 : index
    %swap3A_1584 = vector.load %arg3[%swap3A_1582, %swap3A_1583] : memref<16000x128xf32, #tpu.memory_space<vmem>>, vector<128x128xf32>
    tpu.vector_store %arg3[%swap3A_1582, %swap3A_1583], %select_n3A_1581 {strides = array<i32>} : memref<16000x128xf32, #tpu.memory_space<vmem>>, vector<128x128xf32>,
    %get3A_1585 = arith.constant 0 : index
    %get3A_1586 = arith.constant 0 : index
    %get3A_1587 = arith.constant 88 : index
    %get3A_1588 = vector.load %arg1[%get3A_1585, %get3A_1586, %get3A_1587] : memref<1x128x125xi32, #tpu.memory_space<vmem>>, vector<1x128x1xi32>
    %get3A_1589 = vector.shape_cast %get3A_1588 : vector<1x128x1xi32> to vector<128x1xi32>
    %eq3A_1590 = arith.constant 0 : i32
    %eq3A_1591 = vector.broadcast %eq3A_1590 : i32 to vector<128x1xi32>
    %eq3A_1592 = arith.cmpi eq, %get3A_1589, %eq3A_1591 : vector<128x1xi32>
    %broadcast_in_dim3A_1593 = vector.shape_cast %eq3A_1592 : vector<128x1xi1> to vector<128x1xi1>
    %broadcast_in_dim3A_1594 = vector.broadcast %broadcast_in_dim3A_1593 : vector<128x1xi1> to vector<128x128xi1>
    %broadcast_in_dim3A_1595 = vector.shape_cast %get3A_1 : vector<1x128xf32> to vector<1x128xf32>
    %broadcast_in_dim3A_1596 = vector.broadcast %broadcast_in_dim3A_1595 : vector<1x128xf32> to vector<128x128xf32>
    %broadcast_in_dim3A_1597 = vector.shape_cast %get3A_4 : vector<1x128xf32> to vector<1x128xf32>
    %broadcast_in_dim3A_1598 = vector.broadcast %broadcast_in_dim3A_1597 : vector<1x128xf32> to vector<128x128xf32>
    %select_n3A_1599 = arith.select %broadcast_in_dim3A_1594, %broadcast_in_dim3A_1596, %broadcast_in_dim3A_1598 : vector<128x128xi1>, vector<128x128xf32>
    %swap3A_1600 = arith.constant 11264 : index
    %swap3A_1601 = arith.constant 0 : index
    %swap3A_1602 = vector.load %arg3[%swap3A_1600, %swap3A_1601] : memref<16000x128xf32, #tpu.memory_space<vmem>>, vector<128x128xf32>
    tpu.vector_store %arg3[%swap3A_1600, %swap3A_1601], %select_n3A_1599 {strides = array<i32>} : memref<16000x128xf32, #tpu.memory_space<vmem>>, vector<128x128xf32>,
    %get3A_1603 = arith.constant 0 : index
    %get3A_1604 = arith.constant 0 : index
    %get3A_1605 = arith.constant 89 : index
    %get3A_1606 = vector.load %arg1[%get3A_1603, %get3A_1604, %get3A_1605] : memref<1x128x125xi32, #tpu.memory_space<vmem>>, vector<1x128x1xi32>
    %get3A_1607 = vector.shape_cast %get3A_1606 : vector<1x128x1xi32> to vector<128x1xi32>
    %eq3A_1608 = arith.constant 0 : i32
    %eq3A_1609 = vector.broadcast %eq3A_1608 : i32 to vector<128x1xi32>
    %eq3A_1610 = arith.cmpi eq, %get3A_1607, %eq3A_1609 : vector<128x1xi32>
    %broadcast_in_dim3A_1611 = vector.shape_cast %eq3A_1610 : vector<128x1xi1> to vector<128x1xi1>
    %broadcast_in_dim3A_1612 = vector.broadcast %broadcast_in_dim3A_1611 : vector<128x1xi1> to vector<128x128xi1>
    %broadcast_in_dim3A_1613 = vector.shape_cast %get3A_1 : vector<1x128xf32> to vector<1x128xf32>
    %broadcast_in_dim3A_1614 = vector.broadcast %broadcast_in_dim3A_1613 : vector<1x128xf32> to vector<128x128xf32>
    %broadcast_in_dim3A_1615 = vector.shape_cast %get3A_4 : vector<1x128xf32> to vector<1x128xf32>
    %broadcast_in_dim3A_1616 = vector.broadcast %broadcast_in_dim3A_1615 : vector<1x128xf32> to vector<128x128xf32>
    %select_n3A_1617 = arith.select %broadcast_in_dim3A_1612, %broadcast_in_dim3A_1614, %broadcast_in_dim3A_1616 : vector<128x128xi1>, vector<128x128xf32>
    %swap3A_1618 = arith.constant 11392 : index
    %swap3A_1619 = arith.constant 0 : index
    %swap3A_1620 = vector.load %arg3[%swap3A_1618, %swap3A_1619] : memref<16000x128xf32, #tpu.memory_space<vmem>>, vector<128x128xf32>
    tpu.vector_store %arg3[%swap3A_1618, %swap3A_1619], %select_n3A_1617 {strides = array<i32>} : memref<16000x128xf32, #tpu.memory_space<vmem>>, vector<128x128xf32>,
    %get3A_1621 = arith.constant 0 : index
    %get3A_1622 = arith.constant 0 : index
    %get3A_1623 = arith.constant 90 : index
    %get3A_1624 = vector.load %arg1[%get3A_1621, %get3A_1622, %get3A_1623] : memref<1x128x125xi32, #tpu.memory_space<vmem>>, vector<1x128x1xi32>
    %get3A_1625 = vector.shape_cast %get3A_1624 : vector<1x128x1xi32> to vector<128x1xi32>
    %eq3A_1626 = arith.constant 0 : i32
    %eq3A_1627 = vector.broadcast %eq3A_1626 : i32 to vector<128x1xi32>
    %eq3A_1628 = arith.cmpi eq, %get3A_1625, %eq3A_1627 : vector<128x1xi32>
    %broadcast_in_dim3A_1629 = vector.shape_cast %eq3A_1628 : vector<128x1xi1> to vector<128x1xi1>
    %broadcast_in_dim3A_1630 = vector.broadcast %broadcast_in_dim3A_1629 : vector<128x1xi1> to vector<128x128xi1>
    %broadcast_in_dim3A_1631 = vector.shape_cast %get3A_1 : vector<1x128xf32> to vector<1x128xf32>
    %broadcast_in_dim3A_1632 = vector.broadcast %broadcast_in_dim3A_1631 : vector<1x128xf32> to vector<128x128xf32>
    %broadcast_in_dim3A_1633 = vector.shape_cast %get3A_4 : vector<1x128xf32> to vector<1x128xf32>
    %broadcast_in_dim3A_1634 = vector.broadcast %broadcast_in_dim3A_1633 : vector<1x128xf32> to vector<128x128xf32>
    %select_n3A_1635 = arith.select %broadcast_in_dim3A_1630, %broadcast_in_dim3A_1632, %broadcast_in_dim3A_1634 : vector<128x128xi1>, vector<128x128xf32>
    %swap3A_1636 = arith.constant 11520 : index
    %swap3A_1637 = arith.constant 0 : index
    %swap3A_1638 = vector.load %arg3[%swap3A_1636, %swap3A_1637] : memref<16000x128xf32, #tpu.memory_space<vmem>>, vector<128x128xf32>
    tpu.vector_store %arg3[%swap3A_1636, %swap3A_1637], %select_n3A_1635 {strides = array<i32>} : memref<16000x128xf32, #tpu.memory_space<vmem>>, vector<128x128xf32>,
    %get3A_1639 = arith.constant 0 : index
    %get3A_1640 = arith.constant 0 : index
    %get3A_1641 = arith.constant 91 : index
    %get3A_1642 = vector.load %arg1[%get3A_1639, %get3A_1640, %get3A_1641] : memref<1x128x125xi32, #tpu.memory_space<vmem>>, vector<1x128x1xi32>
    %get3A_1643 = vector.shape_cast %get3A_1642 : vector<1x128x1xi32> to vector<128x1xi32>
    %eq3A_1644 = arith.constant 0 : i32
    %eq3A_1645 = vector.broadcast %eq3A_1644 : i32 to vector<128x1xi32>
    %eq3A_1646 = arith.cmpi eq, %get3A_1643, %eq3A_1645 : vector<128x1xi32>
    %broadcast_in_dim3A_1647 = vector.shape_cast %eq3A_1646 : vector<128x1xi1> to vector<128x1xi1>
    %broadcast_in_dim3A_1648 = vector.broadcast %broadcast_in_dim3A_1647 : vector<128x1xi1> to vector<128x128xi1>
    %broadcast_in_dim3A_1649 = vector.shape_cast %get3A_1 : vector<1x128xf32> to vector<1x128xf32>
    %broadcast_in_dim3A_1650 = vector.broadcast %broadcast_in_dim3A_1649 : vector<1x128xf32> to vector<128x128xf32>
    %broadcast_in_dim3A_1651 = vector.shape_cast %get3A_4 : vector<1x128xf32> to vector<1x128xf32>
    %broadcast_in_dim3A_1652 = vector.broadcast %broadcast_in_dim3A_1651 : vector<1x128xf32> to vector<128x128xf32>
    %select_n3A_1653 = arith.select %broadcast_in_dim3A_1648, %broadcast_in_dim3A_1650, %broadcast_in_dim3A_1652 : vector<128x128xi1>, vector<128x128xf32>
    %swap3A_1654 = arith.constant 11648 : index
    %swap3A_1655 = arith.constant 0 : index
    %swap3A_1656 = vector.load %arg3[%swap3A_1654, %swap3A_1655] : memref<16000x128xf32, #tpu.memory_space<vmem>>, vector<128x128xf32>
    tpu.vector_store %arg3[%swap3A_1654, %swap3A_1655], %select_n3A_1653 {strides = array<i32>} : memref<16000x128xf32, #tpu.memory_space<vmem>>, vector<128x128xf32>,
    %get3A_1657 = arith.constant 0 : index
    %get3A_1658 = arith.constant 0 : index
    %get3A_1659 = arith.constant 92 : index
    %get3A_1660 = vector.load %arg1[%get3A_1657, %get3A_1658, %get3A_1659] : memref<1x128x125xi32, #tpu.memory_space<vmem>>, vector<1x128x1xi32>
    %get3A_1661 = vector.shape_cast %get3A_1660 : vector<1x128x1xi32> to vector<128x1xi32>
    %eq3A_1662 = arith.constant 0 : i32
    %eq3A_1663 = vector.broadcast %eq3A_1662 : i32 to vector<128x1xi32>
    %eq3A_1664 = arith.cmpi eq, %get3A_1661, %eq3A_1663 : vector<128x1xi32>
    %broadcast_in_dim3A_1665 = vector.shape_cast %eq3A_1664 : vector<128x1xi1> to vector<128x1xi1>
    %broadcast_in_dim3A_1666 = vector.broadcast %broadcast_in_dim3A_1665 : vector<128x1xi1> to vector<128x128xi1>
    %broadcast_in_dim3A_1667 = vector.shape_cast %get3A_1 : vector<1x128xf32> to vector<1x128xf32>
    %broadcast_in_dim3A_1668 = vector.broadcast %broadcast_in_dim3A_1667 : vector<1x128xf32> to vector<128x128xf32>
    %broadcast_in_dim3A_1669 = vector.shape_cast %get3A_4 : vector<1x128xf32> to vector<1x128xf32>
    %broadcast_in_dim3A_1670 = vector.broadcast %broadcast_in_dim3A_1669 : vector<1x128xf32> to vector<128x128xf32>
    %select_n3A_1671 = arith.select %broadcast_in_dim3A_1666, %broadcast_in_dim3A_1668, %broadcast_in_dim3A_1670 : vector<128x128xi1>, vector<128x128xf32>
    %swap3A_1672 = arith.constant 11776 : index
    %swap3A_1673 = arith.constant 0 : index
    %swap3A_1674 = vector.load %arg3[%swap3A_1672, %swap3A_1673] : memref<16000x128xf32, #tpu.memory_space<vmem>>, vector<128x128xf32>
    tpu.vector_store %arg3[%swap3A_1672, %swap3A_1673], %select_n3A_1671 {strides = array<i32>} : memref<16000x128xf32, #tpu.memory_space<vmem>>, vector<128x128xf32>,
    %get3A_1675 = arith.constant 0 : index
    %get3A_1676 = arith.constant 0 : index
    %get3A_1677 = arith.constant 93 : index
    %get3A_1678 = vector.load %arg1[%get3A_1675, %get3A_1676, %get3A_1677] : memref<1x128x125xi32, #tpu.memory_space<vmem>>, vector<1x128x1xi32>
    %get3A_1679 = vector.shape_cast %get3A_1678 : vector<1x128x1xi32> to vector<128x1xi32>
    %eq3A_1680 = arith.constant 0 : i32
    %eq3A_1681 = vector.broadcast %eq3A_1680 : i32 to vector<128x1xi32>
    %eq3A_1682 = arith.cmpi eq, %get3A_1679, %eq3A_1681 : vector<128x1xi32>
    %broadcast_in_dim3A_1683 = vector.shape_cast %eq3A_1682 : vector<128x1xi1> to vector<128x1xi1>
    %broadcast_in_dim3A_1684 = vector.broadcast %broadcast_in_dim3A_1683 : vector<128x1xi1> to vector<128x128xi1>
    %broadcast_in_dim3A_1685 = vector.shape_cast %get3A_1 : vector<1x128xf32> to vector<1x128xf32>
    %broadcast_in_dim3A_1686 = vector.broadcast %broadcast_in_dim3A_1685 : vector<1x128xf32> to vector<128x128xf32>
    %broadcast_in_dim3A_1687 = vector.shape_cast %get3A_4 : vector<1x128xf32> to vector<1x128xf32>
    %broadcast_in_dim3A_1688 = vector.broadcast %broadcast_in_dim3A_1687 : vector<1x128xf32> to vector<128x128xf32>
    %select_n3A_1689 = arith.select %broadcast_in_dim3A_1684, %broadcast_in_dim3A_1686, %broadcast_in_dim3A_1688 : vector<128x128xi1>, vector<128x128xf32>
    %swap3A_1690 = arith.constant 11904 : index
    %swap3A_1691 = arith.constant 0 : index
    %swap3A_1692 = vector.load %arg3[%swap3A_1690, %swap3A_1691] : memref<16000x128xf32, #tpu.memory_space<vmem>>, vector<128x128xf32>
    tpu.vector_store %arg3[%swap3A_1690, %swap3A_1691], %select_n3A_1689 {strides = array<i32>} : memref<16000x128xf32, #tpu.memory_space<vmem>>, vector<128x128xf32>,
    %get3A_1693 = arith.constant 0 : index
    %get3A_1694 = arith.constant 0 : index
    %get3A_1695 = arith.constant 94 : index
    %get3A_1696 = vector.load %arg1[%get3A_1693, %get3A_1694, %get3A_1695] : memref<1x128x125xi32, #tpu.memory_space<vmem>>, vector<1x128x1xi32>
    %get3A_1697 = vector.shape_cast %get3A_1696 : vector<1x128x1xi32> to vector<128x1xi32>
    %eq3A_1698 = arith.constant 0 : i32
    %eq3A_1699 = vector.broadcast %eq3A_1698 : i32 to vector<128x1xi32>
    %eq3A_1700 = arith.cmpi eq, %get3A_1697, %eq3A_1699 : vector<128x1xi32>
    %broadcast_in_dim3A_1701 = vector.shape_cast %eq3A_1700 : vector<128x1xi1> to vector<128x1xi1>
    %broadcast_in_dim3A_1702 = vector.broadcast %broadcast_in_dim3A_1701 : vector<128x1xi1> to vector<128x128xi1>
    %broadcast_in_dim3A_1703 = vector.shape_cast %get3A_1 : vector<1x128xf32> to vector<1x128xf32>
    %broadcast_in_dim3A_1704 = vector.broadcast %broadcast_in_dim3A_1703 : vector<1x128xf32> to vector<128x128xf32>
    %broadcast_in_dim3A_1705 = vector.shape_cast %get3A_4 : vector<1x128xf32> to vector<1x128xf32>
    %broadcast_in_dim3A_1706 = vector.broadcast %broadcast_in_dim3A_1705 : vector<1x128xf32> to vector<128x128xf32>
    %select_n3A_1707 = arith.select %broadcast_in_dim3A_1702, %broadcast_in_dim3A_1704, %broadcast_in_dim3A_1706 : vector<128x128xi1>, vector<128x128xf32>
    %swap3A_1708 = arith.constant 12032 : index
    %swap3A_1709 = arith.constant 0 : index
    %swap3A_1710 = vector.load %arg3[%swap3A_1708, %swap3A_1709] : memref<16000x128xf32, #tpu.memory_space<vmem>>, vector<128x128xf32>
    tpu.vector_store %arg3[%swap3A_1708, %swap3A_1709], %select_n3A_1707 {strides = array<i32>} : memref<16000x128xf32, #tpu.memory_space<vmem>>, vector<128x128xf32>,
    %get3A_1711 = arith.constant 0 : index
    %get3A_1712 = arith.constant 0 : index
    %get3A_1713 = arith.constant 95 : index
    %get3A_1714 = vector.load %arg1[%get3A_1711, %get3A_1712, %get3A_1713] : memref<1x128x125xi32, #tpu.memory_space<vmem>>, vector<1x128x1xi32>
    %get3A_1715 = vector.shape_cast %get3A_1714 : vector<1x128x1xi32> to vector<128x1xi32>
    %eq3A_1716 = arith.constant 0 : i32
    %eq3A_1717 = vector.broadcast %eq3A_1716 : i32 to vector<128x1xi32>
    %eq3A_1718 = arith.cmpi eq, %get3A_1715, %eq3A_1717 : vector<128x1xi32>
    %broadcast_in_dim3A_1719 = vector.shape_cast %eq3A_1718 : vector<128x1xi1> to vector<128x1xi1>
    %broadcast_in_dim3A_1720 = vector.broadcast %broadcast_in_dim3A_1719 : vector<128x1xi1> to vector<128x128xi1>
    %broadcast_in_dim3A_1721 = vector.shape_cast %get3A_1 : vector<1x128xf32> to vector<1x128xf32>
    %broadcast_in_dim3A_1722 = vector.broadcast %broadcast_in_dim3A_1721 : vector<1x128xf32> to vector<128x128xf32>
    %broadcast_in_dim3A_1723 = vector.shape_cast %get3A_4 : vector<1x128xf32> to vector<1x128xf32>
    %broadcast_in_dim3A_1724 = vector.broadcast %broadcast_in_dim3A_1723 : vector<1x128xf32> to vector<128x128xf32>
    %select_n3A_1725 = arith.select %broadcast_in_dim3A_1720, %broadcast_in_dim3A_1722, %broadcast_in_dim3A_1724 : vector<128x128xi1>, vector<128x128xf32>
    %swap3A_1726 = arith.constant 12160 : index
    %swap3A_1727 = arith.constant 0 : index
    %swap3A_1728 = vector.load %arg3[%swap3A_1726, %swap3A_1727] : memref<16000x128xf32, #tpu.memory_space<vmem>>, vector<128x128xf32>
    tpu.vector_store %arg3[%swap3A_1726, %swap3A_1727], %select_n3A_1725 {strides = array<i32>} : memref<16000x128xf32, #tpu.memory_space<vmem>>, vector<128x128xf32>,
    %get3A_1729 = arith.constant 0 : index
    %get3A_1730 = arith.constant 0 : index
    %get3A_1731 = arith.constant 96 : index
    %get3A_1732 = vector.load %arg1[%get3A_1729, %get3A_1730, %get3A_1731] : memref<1x128x125xi32, #tpu.memory_space<vmem>>, vector<1x128x1xi32>
    %get3A_1733 = vector.shape_cast %get3A_1732 : vector<1x128x1xi32> to vector<128x1xi32>
    %eq3A_1734 = arith.constant 0 : i32
    %eq3A_1735 = vector.broadcast %eq3A_1734 : i32 to vector<128x1xi32>
    %eq3A_1736 = arith.cmpi eq, %get3A_1733, %eq3A_1735 : vector<128x1xi32>
    %broadcast_in_dim3A_1737 = vector.shape_cast %eq3A_1736 : vector<128x1xi1> to vector<128x1xi1>
    %broadcast_in_dim3A_1738 = vector.broadcast %broadcast_in_dim3A_1737 : vector<128x1xi1> to vector<128x128xi1>
    %broadcast_in_dim3A_1739 = vector.shape_cast %get3A_1 : vector<1x128xf32> to vector<1x128xf32>
    %broadcast_in_dim3A_1740 = vector.broadcast %broadcast_in_dim3A_1739 : vector<1x128xf32> to vector<128x128xf32>
    %broadcast_in_dim3A_1741 = vector.shape_cast %get3A_4 : vector<1x128xf32> to vector<1x128xf32>
    %broadcast_in_dim3A_1742 = vector.broadcast %broadcast_in_dim3A_1741 : vector<1x128xf32> to vector<128x128xf32>
    %select_n3A_1743 = arith.select %broadcast_in_dim3A_1738, %broadcast_in_dim3A_1740, %broadcast_in_dim3A_1742 : vector<128x128xi1>, vector<128x128xf32>
    %swap3A_1744 = arith.constant 12288 : index
    %swap3A_1745 = arith.constant 0 : index
    %swap3A_1746 = vector.load %arg3[%swap3A_1744, %swap3A_1745] : memref<16000x128xf32, #tpu.memory_space<vmem>>, vector<128x128xf32>
    tpu.vector_store %arg3[%swap3A_1744, %swap3A_1745], %select_n3A_1743 {strides = array<i32>} : memref<16000x128xf32, #tpu.memory_space<vmem>>, vector<128x128xf32>,
    %get3A_1747 = arith.constant 0 : index
    %get3A_1748 = arith.constant 0 : index
    %get3A_1749 = arith.constant 97 : index
    %get3A_1750 = vector.load %arg1[%get3A_1747, %get3A_1748, %get3A_1749] : memref<1x128x125xi32, #tpu.memory_space<vmem>>, vector<1x128x1xi32>
    %get3A_1751 = vector.shape_cast %get3A_1750 : vector<1x128x1xi32> to vector<128x1xi32>
    %eq3A_1752 = arith.constant 0 : i32
    %eq3A_1753 = vector.broadcast %eq3A_1752 : i32 to vector<128x1xi32>
    %eq3A_1754 = arith.cmpi eq, %get3A_1751, %eq3A_1753 : vector<128x1xi32>
    %broadcast_in_dim3A_1755 = vector.shape_cast %eq3A_1754 : vector<128x1xi1> to vector<128x1xi1>
    %broadcast_in_dim3A_1756 = vector.broadcast %broadcast_in_dim3A_1755 : vector<128x1xi1> to vector<128x128xi1>
    %broadcast_in_dim3A_1757 = vector.shape_cast %get3A_1 : vector<1x128xf32> to vector<1x128xf32>
    %broadcast_in_dim3A_1758 = vector.broadcast %broadcast_in_dim3A_1757 : vector<1x128xf32> to vector<128x128xf32>
    %broadcast_in_dim3A_1759 = vector.shape_cast %get3A_4 : vector<1x128xf32> to vector<1x128xf32>
    %broadcast_in_dim3A_1760 = vector.broadcast %broadcast_in_dim3A_1759 : vector<1x128xf32> to vector<128x128xf32>
    %select_n3A_1761 = arith.select %broadcast_in_dim3A_1756, %broadcast_in_dim3A_1758, %broadcast_in_dim3A_1760 : vector<128x128xi1>, vector<128x128xf32>
    %swap3A_1762 = arith.constant 12416 : index
    %swap3A_1763 = arith.constant 0 : index
    %swap3A_1764 = vector.load %arg3[%swap3A_1762, %swap3A_1763] : memref<16000x128xf32, #tpu.memory_space<vmem>>, vector<128x128xf32>
    tpu.vector_store %arg3[%swap3A_1762, %swap3A_1763], %select_n3A_1761 {strides = array<i32>} : memref<16000x128xf32, #tpu.memory_space<vmem>>, vector<128x128xf32>,
    %get3A_1765 = arith.constant 0 : index
    %get3A_1766 = arith.constant 0 : index
    %get3A_1767 = arith.constant 98 : index
    %get3A_1768 = vector.load %arg1[%get3A_1765, %get3A_1766, %get3A_1767] : memref<1x128x125xi32, #tpu.memory_space<vmem>>, vector<1x128x1xi32>
    %get3A_1769 = vector.shape_cast %get3A_1768 : vector<1x128x1xi32> to vector<128x1xi32>
    %eq3A_1770 = arith.constant 0 : i32
    %eq3A_1771 = vector.broadcast %eq3A_1770 : i32 to vector<128x1xi32>
    %eq3A_1772 = arith.cmpi eq, %get3A_1769, %eq3A_1771 : vector<128x1xi32>
    %broadcast_in_dim3A_1773 = vector.shape_cast %eq3A_1772 : vector<128x1xi1> to vector<128x1xi1>
    %broadcast_in_dim3A_1774 = vector.broadcast %broadcast_in_dim3A_1773 : vector<128x1xi1> to vector<128x128xi1>
    %broadcast_in_dim3A_1775 = vector.shape_cast %get3A_1 : vector<1x128xf32> to vector<1x128xf32>
    %broadcast_in_dim3A_1776 = vector.broadcast %broadcast_in_dim3A_1775 : vector<1x128xf32> to vector<128x128xf32>
    %broadcast_in_dim3A_1777 = vector.shape_cast %get3A_4 : vector<1x128xf32> to vector<1x128xf32>
    %broadcast_in_dim3A_1778 = vector.broadcast %broadcast_in_dim3A_1777 : vector<1x128xf32> to vector<128x128xf32>
    %select_n3A_1779 = arith.select %broadcast_in_dim3A_1774, %broadcast_in_dim3A_1776, %broadcast_in_dim3A_1778 : vector<128x128xi1>, vector<128x128xf32>
    %swap3A_1780 = arith.constant 12544 : index
    %swap3A_1781 = arith.constant 0 : index
    %swap3A_1782 = vector.load %arg3[%swap3A_1780, %swap3A_1781] : memref<16000x128xf32, #tpu.memory_space<vmem>>, vector<128x128xf32>
    tpu.vector_store %arg3[%swap3A_1780, %swap3A_1781], %select_n3A_1779 {strides = array<i32>} : memref<16000x128xf32, #tpu.memory_space<vmem>>, vector<128x128xf32>,
    %get3A_1783 = arith.constant 0 : index
    %get3A_1784 = arith.constant 0 : index
    %get3A_1785 = arith.constant 99 : index
    %get3A_1786 = vector.load %arg1[%get3A_1783, %get3A_1784, %get3A_1785] : memref<1x128x125xi32, #tpu.memory_space<vmem>>, vector<1x128x1xi32>
    %get3A_1787 = vector.shape_cast %get3A_1786 : vector<1x128x1xi32> to vector<128x1xi32>
    %eq3A_1788 = arith.constant 0 : i32
    %eq3A_1789 = vector.broadcast %eq3A_1788 : i32 to vector<128x1xi32>
    %eq3A_1790 = arith.cmpi eq, %get3A_1787, %eq3A_1789 : vector<128x1xi32>
    %broadcast_in_dim3A_1791 = vector.shape_cast %eq3A_1790 : vector<128x1xi1> to vector<128x1xi1>
    %broadcast_in_dim3A_1792 = vector.broadcast %broadcast_in_dim3A_1791 : vector<128x1xi1> to vector<128x128xi1>
    %broadcast_in_dim3A_1793 = vector.shape_cast %get3A_1 : vector<1x128xf32> to vector<1x128xf32>
    %broadcast_in_dim3A_1794 = vector.broadcast %broadcast_in_dim3A_1793 : vector<1x128xf32> to vector<128x128xf32>
    %broadcast_in_dim3A_1795 = vector.shape_cast %get3A_4 : vector<1x128xf32> to vector<1x128xf32>
    %broadcast_in_dim3A_1796 = vector.broadcast %broadcast_in_dim3A_1795 : vector<1x128xf32> to vector<128x128xf32>
    %select_n3A_1797 = arith.select %broadcast_in_dim3A_1792, %broadcast_in_dim3A_1794, %broadcast_in_dim3A_1796 : vector<128x128xi1>, vector<128x128xf32>
    %swap3A_1798 = arith.constant 12672 : index
    %swap3A_1799 = arith.constant 0 : index
    %swap3A_1800 = vector.load %arg3[%swap3A_1798, %swap3A_1799] : memref<16000x128xf32, #tpu.memory_space<vmem>>, vector<128x128xf32>
    tpu.vector_store %arg3[%swap3A_1798, %swap3A_1799], %select_n3A_1797 {strides = array<i32>} : memref<16000x128xf32, #tpu.memory_space<vmem>>, vector<128x128xf32>,
    %get3A_1801 = arith.constant 0 : index
    %get3A_1802 = arith.constant 0 : index
    %get3A_1803 = arith.constant 100 : index
    %get3A_1804 = vector.load %arg1[%get3A_1801, %get3A_1802, %get3A_1803] : memref<1x128x125xi32, #tpu.memory_space<vmem>>, vector<1x128x1xi32>
    %get3A_1805 = vector.shape_cast %get3A_1804 : vector<1x128x1xi32> to vector<128x1xi32>
    %eq3A_1806 = arith.constant 0 : i32
    %eq3A_1807 = vector.broadcast %eq3A_1806 : i32 to vector<128x1xi32>
    %eq3A_1808 = arith.cmpi eq, %get3A_1805, %eq3A_1807 : vector<128x1xi32>
    %broadcast_in_dim3A_1809 = vector.shape_cast %eq3A_1808 : vector<128x1xi1> to vector<128x1xi1>
    %broadcast_in_dim3A_1810 = vector.broadcast %broadcast_in_dim3A_1809 : vector<128x1xi1> to vector<128x128xi1>
    %broadcast_in_dim3A_1811 = vector.shape_cast %get3A_1 : vector<1x128xf32> to vector<1x128xf32>
    %broadcast_in_dim3A_1812 = vector.broadcast %broadcast_in_dim3A_1811 : vector<1x128xf32> to vector<128x128xf32>
    %broadcast_in_dim3A_1813 = vector.shape_cast %get3A_4 : vector<1x128xf32> to vector<1x128xf32>
    %broadcast_in_dim3A_1814 = vector.broadcast %broadcast_in_dim3A_1813 : vector<1x128xf32> to vector<128x128xf32>
    %select_n3A_1815 = arith.select %broadcast_in_dim3A_1810, %broadcast_in_dim3A_1812, %broadcast_in_dim3A_1814 : vector<128x128xi1>, vector<128x128xf32>
    %swap3A_1816 = arith.constant 12800 : index
    %swap3A_1817 = arith.constant 0 : index
    %swap3A_1818 = vector.load %arg3[%swap3A_1816, %swap3A_1817] : memref<16000x128xf32, #tpu.memory_space<vmem>>, vector<128x128xf32>
    tpu.vector_store %arg3[%swap3A_1816, %swap3A_1817], %select_n3A_1815 {strides = array<i32>} : memref<16000x128xf32, #tpu.memory_space<vmem>>, vector<128x128xf32>,
    %get3A_1819 = arith.constant 0 : index
    %get3A_1820 = arith.constant 0 : index
    %get3A_1821 = arith.constant 101 : index
    %get3A_1822 = vector.load %arg1[%get3A_1819, %get3A_1820, %get3A_1821] : memref<1x128x125xi32, #tpu.memory_space<vmem>>, vector<1x128x1xi32>
    %get3A_1823 = vector.shape_cast %get3A_1822 : vector<1x128x1xi32> to vector<128x1xi32>
    %eq3A_1824 = arith.constant 0 : i32
    %eq3A_1825 = vector.broadcast %eq3A_1824 : i32 to vector<128x1xi32>
    %eq3A_1826 = arith.cmpi eq, %get3A_1823, %eq3A_1825 : vector<128x1xi32>
    %broadcast_in_dim3A_1827 = vector.shape_cast %eq3A_1826 : vector<128x1xi1> to vector<128x1xi1>
    %broadcast_in_dim3A_1828 = vector.broadcast %broadcast_in_dim3A_1827 : vector<128x1xi1> to vector<128x128xi1>
    %broadcast_in_dim3A_1829 = vector.shape_cast %get3A_1 : vector<1x128xf32> to vector<1x128xf32>
    %broadcast_in_dim3A_1830 = vector.broadcast %broadcast_in_dim3A_1829 : vector<1x128xf32> to vector<128x128xf32>
    %broadcast_in_dim3A_1831 = vector.shape_cast %get3A_4 : vector<1x128xf32> to vector<1x128xf32>
    %broadcast_in_dim3A_1832 = vector.broadcast %broadcast_in_dim3A_1831 : vector<1x128xf32> to vector<128x128xf32>
    %select_n3A_1833 = arith.select %broadcast_in_dim3A_1828, %broadcast_in_dim3A_1830, %broadcast_in_dim3A_1832 : vector<128x128xi1>, vector<128x128xf32>
    %swap3A_1834 = arith.constant 12928 : index
    %swap3A_1835 = arith.constant 0 : index
    %swap3A_1836 = vector.load %arg3[%swap3A_1834, %swap3A_1835] : memref<16000x128xf32, #tpu.memory_space<vmem>>, vector<128x128xf32>
    tpu.vector_store %arg3[%swap3A_1834, %swap3A_1835], %select_n3A_1833 {strides = array<i32>} : memref<16000x128xf32, #tpu.memory_space<vmem>>, vector<128x128xf32>,
    %get3A_1837 = arith.constant 0 : index
    %get3A_1838 = arith.constant 0 : index
    %get3A_1839 = arith.constant 102 : index
    %get3A_1840 = vector.load %arg1[%get3A_1837, %get3A_1838, %get3A_1839] : memref<1x128x125xi32, #tpu.memory_space<vmem>>, vector<1x128x1xi32>
    %get3A_1841 = vector.shape_cast %get3A_1840 : vector<1x128x1xi32> to vector<128x1xi32>
    %eq3A_1842 = arith.constant 0 : i32
    %eq3A_1843 = vector.broadcast %eq3A_1842 : i32 to vector<128x1xi32>
    %eq3A_1844 = arith.cmpi eq, %get3A_1841, %eq3A_1843 : vector<128x1xi32>
    %broadcast_in_dim3A_1845 = vector.shape_cast %eq3A_1844 : vector<128x1xi1> to vector<128x1xi1>
    %broadcast_in_dim3A_1846 = vector.broadcast %broadcast_in_dim3A_1845 : vector<128x1xi1> to vector<128x128xi1>
    %broadcast_in_dim3A_1847 = vector.shape_cast %get3A_1 : vector<1x128xf32> to vector<1x128xf32>
    %broadcast_in_dim3A_1848 = vector.broadcast %broadcast_in_dim3A_1847 : vector<1x128xf32> to vector<128x128xf32>
    %broadcast_in_dim3A_1849 = vector.shape_cast %get3A_4 : vector<1x128xf32> to vector<1x128xf32>
    %broadcast_in_dim3A_1850 = vector.broadcast %broadcast_in_dim3A_1849 : vector<1x128xf32> to vector<128x128xf32>
    %select_n3A_1851 = arith.select %broadcast_in_dim3A_1846, %broadcast_in_dim3A_1848, %broadcast_in_dim3A_1850 : vector<128x128xi1>, vector<128x128xf32>
    %swap3A_1852 = arith.constant 13056 : index
    %swap3A_1853 = arith.constant 0 : index
    %swap3A_1854 = vector.load %arg3[%swap3A_1852, %swap3A_1853] : memref<16000x128xf32, #tpu.memory_space<vmem>>, vector<128x128xf32>
    tpu.vector_store %arg3[%swap3A_1852, %swap3A_1853], %select_n3A_1851 {strides = array<i32>} : memref<16000x128xf32, #tpu.memory_space<vmem>>, vector<128x128xf32>,
    %get3A_1855 = arith.constant 0 : index
    %get3A_1856 = arith.constant 0 : index
    %get3A_1857 = arith.constant 103 : index
    %get3A_1858 = vector.load %arg1[%get3A_1855, %get3A_1856, %get3A_1857] : memref<1x128x125xi32, #tpu.memory_space<vmem>>, vector<1x128x1xi32>
    %get3A_1859 = vector.shape_cast %get3A_1858 : vector<1x128x1xi32> to vector<128x1xi32>
    %eq3A_1860 = arith.constant 0 : i32
    %eq3A_1861 = vector.broadcast %eq3A_1860 : i32 to vector<128x1xi32>
    %eq3A_1862 = arith.cmpi eq, %get3A_1859, %eq3A_1861 : vector<128x1xi32>
    %broadcast_in_dim3A_1863 = vector.shape_cast %eq3A_1862 : vector<128x1xi1> to vector<128x1xi1>
    %broadcast_in_dim3A_1864 = vector.broadcast %broadcast_in_dim3A_1863 : vector<128x1xi1> to vector<128x128xi1>
    %broadcast_in_dim3A_1865 = vector.shape_cast %get3A_1 : vector<1x128xf32> to vector<1x128xf32>
    %broadcast_in_dim3A_1866 = vector.broadcast %broadcast_in_dim3A_1865 : vector<1x128xf32> to vector<128x128xf32>
    %broadcast_in_dim3A_1867 = vector.shape_cast %get3A_4 : vector<1x128xf32> to vector<1x128xf32>
    %broadcast_in_dim3A_1868 = vector.broadcast %broadcast_in_dim3A_1867 : vector<1x128xf32> to vector<128x128xf32>
    %select_n3A_1869 = arith.select %broadcast_in_dim3A_1864, %broadcast_in_dim3A_1866, %broadcast_in_dim3A_1868 : vector<128x128xi1>, vector<128x128xf32>
    %swap3A_1870 = arith.constant 13184 : index
    %swap3A_1871 = arith.constant 0 : index
    %swap3A_1872 = vector.load %arg3[%swap3A_1870, %swap3A_1871] : memref<16000x128xf32, #tpu.memory_space<vmem>>, vector<128x128xf32>
    tpu.vector_store %arg3[%swap3A_1870, %swap3A_1871], %select_n3A_1869 {strides = array<i32>} : memref<16000x128xf32, #tpu.memory_space<vmem>>, vector<128x128xf32>,
    %get3A_1873 = arith.constant 0 : index
    %get3A_1874 = arith.constant 0 : index
    %get3A_1875 = arith.constant 104 : index
    %get3A_1876 = vector.load %arg1[%get3A_1873, %get3A_1874, %get3A_1875] : memref<1x128x125xi32, #tpu.memory_space<vmem>>, vector<1x128x1xi32>
    %get3A_1877 = vector.shape_cast %get3A_1876 : vector<1x128x1xi32> to vector<128x1xi32>
    %eq3A_1878 = arith.constant 0 : i32
    %eq3A_1879 = vector.broadcast %eq3A_1878 : i32 to vector<128x1xi32>
    %eq3A_1880 = arith.cmpi eq, %get3A_1877, %eq3A_1879 : vector<128x1xi32>
    %broadcast_in_dim3A_1881 = vector.shape_cast %eq3A_1880 : vector<128x1xi1> to vector<128x1xi1>
    %broadcast_in_dim3A_1882 = vector.broadcast %broadcast_in_dim3A_1881 : vector<128x1xi1> to vector<128x128xi1>
    %broadcast_in_dim3A_1883 = vector.shape_cast %get3A_1 : vector<1x128xf32> to vector<1x128xf32>
    %broadcast_in_dim3A_1884 = vector.broadcast %broadcast_in_dim3A_1883 : vector<1x128xf32> to vector<128x128xf32>
    %broadcast_in_dim3A_1885 = vector.shape_cast %get3A_4 : vector<1x128xf32> to vector<1x128xf32>
    %broadcast_in_dim3A_1886 = vector.broadcast %broadcast_in_dim3A_1885 : vector<1x128xf32> to vector<128x128xf32>
    %select_n3A_1887 = arith.select %broadcast_in_dim3A_1882, %broadcast_in_dim3A_1884, %broadcast_in_dim3A_1886 : vector<128x128xi1>, vector<128x128xf32>
    %swap3A_1888 = arith.constant 13312 : index
    %swap3A_1889 = arith.constant 0 : index
    %swap3A_1890 = vector.load %arg3[%swap3A_1888, %swap3A_1889] : memref<16000x128xf32, #tpu.memory_space<vmem>>, vector<128x128xf32>
    tpu.vector_store %arg3[%swap3A_1888, %swap3A_1889], %select_n3A_1887 {strides = array<i32>} : memref<16000x128xf32, #tpu.memory_space<vmem>>, vector<128x128xf32>,
    %get3A_1891 = arith.constant 0 : index
    %get3A_1892 = arith.constant 0 : index
    %get3A_1893 = arith.constant 105 : index
    %get3A_1894 = vector.load %arg1[%get3A_1891, %get3A_1892, %get3A_1893] : memref<1x128x125xi32, #tpu.memory_space<vmem>>, vector<1x128x1xi32>
    %get3A_1895 = vector.shape_cast %get3A_1894 : vector<1x128x1xi32> to vector<128x1xi32>
    %eq3A_1896 = arith.constant 0 : i32
    %eq3A_1897 = vector.broadcast %eq3A_1896 : i32 to vector<128x1xi32>
    %eq3A_1898 = arith.cmpi eq, %get3A_1895, %eq3A_1897 : vector<128x1xi32>
    %broadcast_in_dim3A_1899 = vector.shape_cast %eq3A_1898 : vector<128x1xi1> to vector<128x1xi1>
    %broadcast_in_dim3A_1900 = vector.broadcast %broadcast_in_dim3A_1899 : vector<128x1xi1> to vector<128x128xi1>
    %broadcast_in_dim3A_1901 = vector.shape_cast %get3A_1 : vector<1x128xf32> to vector<1x128xf32>
    %broadcast_in_dim3A_1902 = vector.broadcast %broadcast_in_dim3A_1901 : vector<1x128xf32> to vector<128x128xf32>
    %broadcast_in_dim3A_1903 = vector.shape_cast %get3A_4 : vector<1x128xf32> to vector<1x128xf32>
    %broadcast_in_dim3A_1904 = vector.broadcast %broadcast_in_dim3A_1903 : vector<1x128xf32> to vector<128x128xf32>
    %select_n3A_1905 = arith.select %broadcast_in_dim3A_1900, %broadcast_in_dim3A_1902, %broadcast_in_dim3A_1904 : vector<128x128xi1>, vector<128x128xf32>
    %swap3A_1906 = arith.constant 13440 : index
    %swap3A_1907 = arith.constant 0 : index
    %swap3A_1908 = vector.load %arg3[%swap3A_1906, %swap3A_1907] : memref<16000x128xf32, #tpu.memory_space<vmem>>, vector<128x128xf32>
    tpu.vector_store %arg3[%swap3A_1906, %swap3A_1907], %select_n3A_1905 {strides = array<i32>} : memref<16000x128xf32, #tpu.memory_space<vmem>>, vector<128x128xf32>,
    %get3A_1909 = arith.constant 0 : index
    %get3A_1910 = arith.constant 0 : index
    %get3A_1911 = arith.constant 106 : index
    %get3A_1912 = vector.load %arg1[%get3A_1909, %get3A_1910, %get3A_1911] : memref<1x128x125xi32, #tpu.memory_space<vmem>>, vector<1x128x1xi32>
    %get3A_1913 = vector.shape_cast %get3A_1912 : vector<1x128x1xi32> to vector<128x1xi32>
    %eq3A_1914 = arith.constant 0 : i32
    %eq3A_1915 = vector.broadcast %eq3A_1914 : i32 to vector<128x1xi32>
    %eq3A_1916 = arith.cmpi eq, %get3A_1913, %eq3A_1915 : vector<128x1xi32>
    %broadcast_in_dim3A_1917 = vector.shape_cast %eq3A_1916 : vector<128x1xi1> to vector<128x1xi1>
    %broadcast_in_dim3A_1918 = vector.broadcast %broadcast_in_dim3A_1917 : vector<128x1xi1> to vector<128x128xi1>
    %broadcast_in_dim3A_1919 = vector.shape_cast %get3A_1 : vector<1x128xf32> to vector<1x128xf32>
    %broadcast_in_dim3A_1920 = vector.broadcast %broadcast_in_dim3A_1919 : vector<1x128xf32> to vector<128x128xf32>
    %broadcast_in_dim3A_1921 = vector.shape_cast %get3A_4 : vector<1x128xf32> to vector<1x128xf32>
    %broadcast_in_dim3A_1922 = vector.broadcast %broadcast_in_dim3A_1921 : vector<1x128xf32> to vector<128x128xf32>
    %select_n3A_1923 = arith.select %broadcast_in_dim3A_1918, %broadcast_in_dim3A_1920, %broadcast_in_dim3A_1922 : vector<128x128xi1>, vector<128x128xf32>
    %swap3A_1924 = arith.constant 13568 : index
    %swap3A_1925 = arith.constant 0 : index
    %swap3A_1926 = vector.load %arg3[%swap3A_1924, %swap3A_1925] : memref<16000x128xf32, #tpu.memory_space<vmem>>, vector<128x128xf32>
    tpu.vector_store %arg3[%swap3A_1924, %swap3A_1925], %select_n3A_1923 {strides = array<i32>} : memref<16000x128xf32, #tpu.memory_space<vmem>>, vector<128x128xf32>,
    %get3A_1927 = arith.constant 0 : index
    %get3A_1928 = arith.constant 0 : index
    %get3A_1929 = arith.constant 107 : index
    %get3A_1930 = vector.load %arg1[%get3A_1927, %get3A_1928, %get3A_1929] : memref<1x128x125xi32, #tpu.memory_space<vmem>>, vector<1x128x1xi32>
    %get3A_1931 = vector.shape_cast %get3A_1930 : vector<1x128x1xi32> to vector<128x1xi32>
    %eq3A_1932 = arith.constant 0 : i32
    %eq3A_1933 = vector.broadcast %eq3A_1932 : i32 to vector<128x1xi32>
    %eq3A_1934 = arith.cmpi eq, %get3A_1931, %eq3A_1933 : vector<128x1xi32>
    %broadcast_in_dim3A_1935 = vector.shape_cast %eq3A_1934 : vector<128x1xi1> to vector<128x1xi1>
    %broadcast_in_dim3A_1936 = vector.broadcast %broadcast_in_dim3A_1935 : vector<128x1xi1> to vector<128x128xi1>
    %broadcast_in_dim3A_1937 = vector.shape_cast %get3A_1 : vector<1x128xf32> to vector<1x128xf32>
    %broadcast_in_dim3A_1938 = vector.broadcast %broadcast_in_dim3A_1937 : vector<1x128xf32> to vector<128x128xf32>
    %broadcast_in_dim3A_1939 = vector.shape_cast %get3A_4 : vector<1x128xf32> to vector<1x128xf32>
    %broadcast_in_dim3A_1940 = vector.broadcast %broadcast_in_dim3A_1939 : vector<1x128xf32> to vector<128x128xf32>
    %select_n3A_1941 = arith.select %broadcast_in_dim3A_1936, %broadcast_in_dim3A_1938, %broadcast_in_dim3A_1940 : vector<128x128xi1>, vector<128x128xf32>
    %swap3A_1942 = arith.constant 13696 : index
    %swap3A_1943 = arith.constant 0 : index
    %swap3A_1944 = vector.load %arg3[%swap3A_1942, %swap3A_1943] : memref<16000x128xf32, #tpu.memory_space<vmem>>, vector<128x128xf32>
    tpu.vector_store %arg3[%swap3A_1942, %swap3A_1943], %select_n3A_1941 {strides = array<i32>} : memref<16000x128xf32, #tpu.memory_space<vmem>>, vector<128x128xf32>,
    %get3A_1945 = arith.constant 0 : index
    %get3A_1946 = arith.constant 0 : index
    %get3A_1947 = arith.constant 108 : index
    %get3A_1948 = vector.load %arg1[%get3A_1945, %get3A_1946, %get3A_1947] : memref<1x128x125xi32, #tpu.memory_space<vmem>>, vector<1x128x1xi32>
    %get3A_1949 = vector.shape_cast %get3A_1948 : vector<1x128x1xi32> to vector<128x1xi32>
    %eq3A_1950 = arith.constant 0 : i32
    %eq3A_1951 = vector.broadcast %eq3A_1950 : i32 to vector<128x1xi32>
    %eq3A_1952 = arith.cmpi eq, %get3A_1949, %eq3A_1951 : vector<128x1xi32>
    %broadcast_in_dim3A_1953 = vector.shape_cast %eq3A_1952 : vector<128x1xi1> to vector<128x1xi1>
    %broadcast_in_dim3A_1954 = vector.broadcast %broadcast_in_dim3A_1953 : vector<128x1xi1> to vector<128x128xi1>
    %broadcast_in_dim3A_1955 = vector.shape_cast %get3A_1 : vector<1x128xf32> to vector<1x128xf32>
    %broadcast_in_dim3A_1956 = vector.broadcast %broadcast_in_dim3A_1955 : vector<1x128xf32> to vector<128x128xf32>
    %broadcast_in_dim3A_1957 = vector.shape_cast %get3A_4 : vector<1x128xf32> to vector<1x128xf32>
    %broadcast_in_dim3A_1958 = vector.broadcast %broadcast_in_dim3A_1957 : vector<1x128xf32> to vector<128x128xf32>
    %select_n3A_1959 = arith.select %broadcast_in_dim3A_1954, %broadcast_in_dim3A_1956, %broadcast_in_dim3A_1958 : vector<128x128xi1>, vector<128x128xf32>
    %swap3A_1960 = arith.constant 13824 : index
    %swap3A_1961 = arith.constant 0 : index
    %swap3A_1962 = vector.load %arg3[%swap3A_1960, %swap3A_1961] : memref<16000x128xf32, #tpu.memory_space<vmem>>, vector<128x128xf32>
    tpu.vector_store %arg3[%swap3A_1960, %swap3A_1961], %select_n3A_1959 {strides = array<i32>} : memref<16000x128xf32, #tpu.memory_space<vmem>>, vector<128x128xf32>,
    %get3A_1963 = arith.constant 0 : index
    %get3A_1964 = arith.constant 0 : index
    %get3A_1965 = arith.constant 109 : index
    %get3A_1966 = vector.load %arg1[%get3A_1963, %get3A_1964, %get3A_1965] : memref<1x128x125xi32, #tpu.memory_space<vmem>>, vector<1x128x1xi32>
    %get3A_1967 = vector.shape_cast %get3A_1966 : vector<1x128x1xi32> to vector<128x1xi32>
    %eq3A_1968 = arith.constant 0 : i32
    %eq3A_1969 = vector.broadcast %eq3A_1968 : i32 to vector<128x1xi32>
    %eq3A_1970 = arith.cmpi eq, %get3A_1967, %eq3A_1969 : vector<128x1xi32>
    %broadcast_in_dim3A_1971 = vector.shape_cast %eq3A_1970 : vector<128x1xi1> to vector<128x1xi1>
    %broadcast_in_dim3A_1972 = vector.broadcast %broadcast_in_dim3A_1971 : vector<128x1xi1> to vector<128x128xi1>
    %broadcast_in_dim3A_1973 = vector.shape_cast %get3A_1 : vector<1x128xf32> to vector<1x128xf32>
    %broadcast_in_dim3A_1974 = vector.broadcast %broadcast_in_dim3A_1973 : vector<1x128xf32> to vector<128x128xf32>
    %broadcast_in_dim3A_1975 = vector.shape_cast %get3A_4 : vector<1x128xf32> to vector<1x128xf32>
    %broadcast_in_dim3A_1976 = vector.broadcast %broadcast_in_dim3A_1975 : vector<1x128xf32> to vector<128x128xf32>
    %select_n3A_1977 = arith.select %broadcast_in_dim3A_1972, %broadcast_in_dim3A_1974, %broadcast_in_dim3A_1976 : vector<128x128xi1>, vector<128x128xf32>
    %swap3A_1978 = arith.constant 13952 : index
    %swap3A_1979 = arith.constant 0 : index
    %swap3A_1980 = vector.load %arg3[%swap3A_1978, %swap3A_1979] : memref<16000x128xf32, #tpu.memory_space<vmem>>, vector<128x128xf32>
    tpu.vector_store %arg3[%swap3A_1978, %swap3A_1979], %select_n3A_1977 {strides = array<i32>} : memref<16000x128xf32, #tpu.memory_space<vmem>>, vector<128x128xf32>,
    %get3A_1981 = arith.constant 0 : index
    %get3A_1982 = arith.constant 0 : index
    %get3A_1983 = arith.constant 110 : index
    %get3A_1984 = vector.load %arg1[%get3A_1981, %get3A_1982, %get3A_1983] : memref<1x128x125xi32, #tpu.memory_space<vmem>>, vector<1x128x1xi32>
    %get3A_1985 = vector.shape_cast %get3A_1984 : vector<1x128x1xi32> to vector<128x1xi32>
    %eq3A_1986 = arith.constant 0 : i32
    %eq3A_1987 = vector.broadcast %eq3A_1986 : i32 to vector<128x1xi32>
    %eq3A_1988 = arith.cmpi eq, %get3A_1985, %eq3A_1987 : vector<128x1xi32>
    %broadcast_in_dim3A_1989 = vector.shape_cast %eq3A_1988 : vector<128x1xi1> to vector<128x1xi1>
    %broadcast_in_dim3A_1990 = vector.broadcast %broadcast_in_dim3A_1989 : vector<128x1xi1> to vector<128x128xi1>
    %broadcast_in_dim3A_1991 = vector.shape_cast %get3A_1 : vector<1x128xf32> to vector<1x128xf32>
    %broadcast_in_dim3A_1992 = vector.broadcast %broadcast_in_dim3A_1991 : vector<1x128xf32> to vector<128x128xf32>
    %broadcast_in_dim3A_1993 = vector.shape_cast %get3A_4 : vector<1x128xf32> to vector<1x128xf32>
    %broadcast_in_dim3A_1994 = vector.broadcast %broadcast_in_dim3A_1993 : vector<1x128xf32> to vector<128x128xf32>
    %select_n3A_1995 = arith.select %broadcast_in_dim3A_1990, %broadcast_in_dim3A_1992, %broadcast_in_dim3A_1994 : vector<128x128xi1>, vector<128x128xf32>
    %swap3A_1996 = arith.constant 14080 : index
    %swap3A_1997 = arith.constant 0 : index
    %swap3A_1998 = vector.load %arg3[%swap3A_1996, %swap3A_1997] : memref<16000x128xf32, #tpu.memory_space<vmem>>, vector<128x128xf32>
    tpu.vector_store %arg3[%swap3A_1996, %swap3A_1997], %select_n3A_1995 {strides = array<i32>} : memref<16000x128xf32, #tpu.memory_space<vmem>>, vector<128x128xf32>,
    %get3A_1999 = arith.constant 0 : index
    %get3A_2000 = arith.constant 0 : index
    %get3A_2001 = arith.constant 111 : index
    %get3A_2002 = vector.load %arg1[%get3A_1999, %get3A_2000, %get3A_2001] : memref<1x128x125xi32, #tpu.memory_space<vmem>>, vector<1x128x1xi32>
    %get3A_2003 = vector.shape_cast %get3A_2002 : vector<1x128x1xi32> to vector<128x1xi32>
    %eq3A_2004 = arith.constant 0 : i32
    %eq3A_2005 = vector.broadcast %eq3A_2004 : i32 to vector<128x1xi32>
    %eq3A_2006 = arith.cmpi eq, %get3A_2003, %eq3A_2005 : vector<128x1xi32>
    %broadcast_in_dim3A_2007 = vector.shape_cast %eq3A_2006 : vector<128x1xi1> to vector<128x1xi1>
    %broadcast_in_dim3A_2008 = vector.broadcast %broadcast_in_dim3A_2007 : vector<128x1xi1> to vector<128x128xi1>
    %broadcast_in_dim3A_2009 = vector.shape_cast %get3A_1 : vector<1x128xf32> to vector<1x128xf32>
    %broadcast_in_dim3A_2010 = vector.broadcast %broadcast_in_dim3A_2009 : vector<1x128xf32> to vector<128x128xf32>
    %broadcast_in_dim3A_2011 = vector.shape_cast %get3A_4 : vector<1x128xf32> to vector<1x128xf32>
    %broadcast_in_dim3A_2012 = vector.broadcast %broadcast_in_dim3A_2011 : vector<1x128xf32> to vector<128x128xf32>
    %select_n3A_2013 = arith.select %broadcast_in_dim3A_2008, %broadcast_in_dim3A_2010, %broadcast_in_dim3A_2012 : vector<128x128xi1>, vector<128x128xf32>
    %swap3A_2014 = arith.constant 14208 : index
    %swap3A_2015 = arith.constant 0 : index
    %swap3A_2016 = vector.load %arg3[%swap3A_2014, %swap3A_2015] : memref<16000x128xf32, #tpu.memory_space<vmem>>, vector<128x128xf32>
    tpu.vector_store %arg3[%swap3A_2014, %swap3A_2015], %select_n3A_2013 {strides = array<i32>} : memref<16000x128xf32, #tpu.memory_space<vmem>>, vector<128x128xf32>,
    %get3A_2017 = arith.constant 0 : index
    %get3A_2018 = arith.constant 0 : index
    %get3A_2019 = arith.constant 112 : index
    %get3A_2020 = vector.load %arg1[%get3A_2017, %get3A_2018, %get3A_2019] : memref<1x128x125xi32, #tpu.memory_space<vmem>>, vector<1x128x1xi32>
    %get3A_2021 = vector.shape_cast %get3A_2020 : vector<1x128x1xi32> to vector<128x1xi32>
    %eq3A_2022 = arith.constant 0 : i32
    %eq3A_2023 = vector.broadcast %eq3A_2022 : i32 to vector<128x1xi32>
    %eq3A_2024 = arith.cmpi eq, %get3A_2021, %eq3A_2023 : vector<128x1xi32>
    %broadcast_in_dim3A_2025 = vector.shape_cast %eq3A_2024 : vector<128x1xi1> to vector<128x1xi1>
    %broadcast_in_dim3A_2026 = vector.broadcast %broadcast_in_dim3A_2025 : vector<128x1xi1> to vector<128x128xi1>
    %broadcast_in_dim3A_2027 = vector.shape_cast %get3A_1 : vector<1x128xf32> to vector<1x128xf32>
    %broadcast_in_dim3A_2028 = vector.broadcast %broadcast_in_dim3A_2027 : vector<1x128xf32> to vector<128x128xf32>
    %broadcast_in_dim3A_2029 = vector.shape_cast %get3A_4 : vector<1x128xf32> to vector<1x128xf32>
    %broadcast_in_dim3A_2030 = vector.broadcast %broadcast_in_dim3A_2029 : vector<1x128xf32> to vector<128x128xf32>
    %select_n3A_2031 = arith.select %broadcast_in_dim3A_2026, %broadcast_in_dim3A_2028, %broadcast_in_dim3A_2030 : vector<128x128xi1>, vector<128x128xf32>
    %swap3A_2032 = arith.constant 14336 : index
    %swap3A_2033 = arith.constant 0 : index
    %swap3A_2034 = vector.load %arg3[%swap3A_2032, %swap3A_2033] : memref<16000x128xf32, #tpu.memory_space<vmem>>, vector<128x128xf32>
    tpu.vector_store %arg3[%swap3A_2032, %swap3A_2033], %select_n3A_2031 {strides = array<i32>} : memref<16000x128xf32, #tpu.memory_space<vmem>>, vector<128x128xf32>,
    %get3A_2035 = arith.constant 0 : index
    %get3A_2036 = arith.constant 0 : index
    %get3A_2037 = arith.constant 113 : index
    %get3A_2038 = vector.load %arg1[%get3A_2035, %get3A_2036, %get3A_2037] : memref<1x128x125xi32, #tpu.memory_space<vmem>>, vector<1x128x1xi32>
    %get3A_2039 = vector.shape_cast %get3A_2038 : vector<1x128x1xi32> to vector<128x1xi32>
    %eq3A_2040 = arith.constant 0 : i32
    %eq3A_2041 = vector.broadcast %eq3A_2040 : i32 to vector<128x1xi32>
    %eq3A_2042 = arith.cmpi eq, %get3A_2039, %eq3A_2041 : vector<128x1xi32>
    %broadcast_in_dim3A_2043 = vector.shape_cast %eq3A_2042 : vector<128x1xi1> to vector<128x1xi1>
    %broadcast_in_dim3A_2044 = vector.broadcast %broadcast_in_dim3A_2043 : vector<128x1xi1> to vector<128x128xi1>
    %broadcast_in_dim3A_2045 = vector.shape_cast %get3A_1 : vector<1x128xf32> to vector<1x128xf32>
    %broadcast_in_dim3A_2046 = vector.broadcast %broadcast_in_dim3A_2045 : vector<1x128xf32> to vector<128x128xf32>
    %broadcast_in_dim3A_2047 = vector.shape_cast %get3A_4 : vector<1x128xf32> to vector<1x128xf32>
    %broadcast_in_dim3A_2048 = vector.broadcast %broadcast_in_dim3A_2047 : vector<1x128xf32> to vector<128x128xf32>
    %select_n3A_2049 = arith.select %broadcast_in_dim3A_2044, %broadcast_in_dim3A_2046, %broadcast_in_dim3A_2048 : vector<128x128xi1>, vector<128x128xf32>
    %swap3A_2050 = arith.constant 14464 : index
    %swap3A_2051 = arith.constant 0 : index
    %swap3A_2052 = vector.load %arg3[%swap3A_2050, %swap3A_2051] : memref<16000x128xf32, #tpu.memory_space<vmem>>, vector<128x128xf32>
    tpu.vector_store %arg3[%swap3A_2050, %swap3A_2051], %select_n3A_2049 {strides = array<i32>} : memref<16000x128xf32, #tpu.memory_space<vmem>>, vector<128x128xf32>,
    %get3A_2053 = arith.constant 0 : index
    %get3A_2054 = arith.constant 0 : index
    %get3A_2055 = arith.constant 114 : index
    %get3A_2056 = vector.load %arg1[%get3A_2053, %get3A_2054, %get3A_2055] : memref<1x128x125xi32, #tpu.memory_space<vmem>>, vector<1x128x1xi32>
    %get3A_2057 = vector.shape_cast %get3A_2056 : vector<1x128x1xi32> to vector<128x1xi32>
    %eq3A_2058 = arith.constant 0 : i32
    %eq3A_2059 = vector.broadcast %eq3A_2058 : i32 to vector<128x1xi32>
    %eq3A_2060 = arith.cmpi eq, %get3A_2057, %eq3A_2059 : vector<128x1xi32>
    %broadcast_in_dim3A_2061 = vector.shape_cast %eq3A_2060 : vector<128x1xi1> to vector<128x1xi1>
    %broadcast_in_dim3A_2062 = vector.broadcast %broadcast_in_dim3A_2061 : vector<128x1xi1> to vector<128x128xi1>
    %broadcast_in_dim3A_2063 = vector.shape_cast %get3A_1 : vector<1x128xf32> to vector<1x128xf32>
    %broadcast_in_dim3A_2064 = vector.broadcast %broadcast_in_dim3A_2063 : vector<1x128xf32> to vector<128x128xf32>
    %broadcast_in_dim3A_2065 = vector.shape_cast %get3A_4 : vector<1x128xf32> to vector<1x128xf32>
    %broadcast_in_dim3A_2066 = vector.broadcast %broadcast_in_dim3A_2065 : vector<1x128xf32> to vector<128x128xf32>
    %select_n3A_2067 = arith.select %broadcast_in_dim3A_2062, %broadcast_in_dim3A_2064, %broadcast_in_dim3A_2066 : vector<128x128xi1>, vector<128x128xf32>
    %swap3A_2068 = arith.constant 14592 : index
    %swap3A_2069 = arith.constant 0 : index
    %swap3A_2070 = vector.load %arg3[%swap3A_2068, %swap3A_2069] : memref<16000x128xf32, #tpu.memory_space<vmem>>, vector<128x128xf32>
    tpu.vector_store %arg3[%swap3A_2068, %swap3A_2069], %select_n3A_2067 {strides = array<i32>} : memref<16000x128xf32, #tpu.memory_space<vmem>>, vector<128x128xf32>,
    %get3A_2071 = arith.constant 0 : index
    %get3A_2072 = arith.constant 0 : index
    %get3A_2073 = arith.constant 115 : index
    %get3A_2074 = vector.load %arg1[%get3A_2071, %get3A_2072, %get3A_2073] : memref<1x128x125xi32, #tpu.memory_space<vmem>>, vector<1x128x1xi32>
    %get3A_2075 = vector.shape_cast %get3A_2074 : vector<1x128x1xi32> to vector<128x1xi32>
    %eq3A_2076 = arith.constant 0 : i32
    %eq3A_2077 = vector.broadcast %eq3A_2076 : i32 to vector<128x1xi32>
    %eq3A_2078 = arith.cmpi eq, %get3A_2075, %eq3A_2077 : vector<128x1xi32>
    %broadcast_in_dim3A_2079 = vector.shape_cast %eq3A_2078 : vector<128x1xi1> to vector<128x1xi1>
    %broadcast_in_dim3A_2080 = vector.broadcast %broadcast_in_dim3A_2079 : vector<128x1xi1> to vector<128x128xi1>
    %broadcast_in_dim3A_2081 = vector.shape_cast %get3A_1 : vector<1x128xf32> to vector<1x128xf32>
    %broadcast_in_dim3A_2082 = vector.broadcast %broadcast_in_dim3A_2081 : vector<1x128xf32> to vector<128x128xf32>
    %broadcast_in_dim3A_2083 = vector.shape_cast %get3A_4 : vector<1x128xf32> to vector<1x128xf32>
    %broadcast_in_dim3A_2084 = vector.broadcast %broadcast_in_dim3A_2083 : vector<1x128xf32> to vector<128x128xf32>
    %select_n3A_2085 = arith.select %broadcast_in_dim3A_2080, %broadcast_in_dim3A_2082, %broadcast_in_dim3A_2084 : vector<128x128xi1>, vector<128x128xf32>
    %swap3A_2086 = arith.constant 14720 : index
    %swap3A_2087 = arith.constant 0 : index
    %swap3A_2088 = vector.load %arg3[%swap3A_2086, %swap3A_2087] : memref<16000x128xf32, #tpu.memory_space<vmem>>, vector<128x128xf32>
    tpu.vector_store %arg3[%swap3A_2086, %swap3A_2087], %select_n3A_2085 {strides = array<i32>} : memref<16000x128xf32, #tpu.memory_space<vmem>>, vector<128x128xf32>,
    %get3A_2089 = arith.constant 0 : index
    %get3A_2090 = arith.constant 0 : index
    %get3A_2091 = arith.constant 116 : index
    %get3A_2092 = vector.load %arg1[%get3A_2089, %get3A_2090, %get3A_2091] : memref<1x128x125xi32, #tpu.memory_space<vmem>>, vector<1x128x1xi32>
    %get3A_2093 = vector.shape_cast %get3A_2092 : vector<1x128x1xi32> to vector<128x1xi32>
    %eq3A_2094 = arith.constant 0 : i32
    %eq3A_2095 = vector.broadcast %eq3A_2094 : i32 to vector<128x1xi32>
    %eq3A_2096 = arith.cmpi eq, %get3A_2093, %eq3A_2095 : vector<128x1xi32>
    %broadcast_in_dim3A_2097 = vector.shape_cast %eq3A_2096 : vector<128x1xi1> to vector<128x1xi1>
    %broadcast_in_dim3A_2098 = vector.broadcast %broadcast_in_dim3A_2097 : vector<128x1xi1> to vector<128x128xi1>
    %broadcast_in_dim3A_2099 = vector.shape_cast %get3A_1 : vector<1x128xf32> to vector<1x128xf32>
    %broadcast_in_dim3A_2100 = vector.broadcast %broadcast_in_dim3A_2099 : vector<1x128xf32> to vector<128x128xf32>
    %broadcast_in_dim3A_2101 = vector.shape_cast %get3A_4 : vector<1x128xf32> to vector<1x128xf32>
    %broadcast_in_dim3A_2102 = vector.broadcast %broadcast_in_dim3A_2101 : vector<1x128xf32> to vector<128x128xf32>
    %select_n3A_2103 = arith.select %broadcast_in_dim3A_2098, %broadcast_in_dim3A_2100, %broadcast_in_dim3A_2102 : vector<128x128xi1>, vector<128x128xf32>
    %swap3A_2104 = arith.constant 14848 : index
    %swap3A_2105 = arith.constant 0 : index
    %swap3A_2106 = vector.load %arg3[%swap3A_2104, %swap3A_2105] : memref<16000x128xf32, #tpu.memory_space<vmem>>, vector<128x128xf32>
    tpu.vector_store %arg3[%swap3A_2104, %swap3A_2105], %select_n3A_2103 {strides = array<i32>} : memref<16000x128xf32, #tpu.memory_space<vmem>>, vector<128x128xf32>,
    %get3A_2107 = arith.constant 0 : index
    %get3A_2108 = arith.constant 0 : index
    %get3A_2109 = arith.constant 117 : index
    %get3A_2110 = vector.load %arg1[%get3A_2107, %get3A_2108, %get3A_2109] : memref<1x128x125xi32, #tpu.memory_space<vmem>>, vector<1x128x1xi32>
    %get3A_2111 = vector.shape_cast %get3A_2110 : vector<1x128x1xi32> to vector<128x1xi32>
    %eq3A_2112 = arith.constant 0 : i32
    %eq3A_2113 = vector.broadcast %eq3A_2112 : i32 to vector<128x1xi32>
    %eq3A_2114 = arith.cmpi eq, %get3A_2111, %eq3A_2113 : vector<128x1xi32>
    %broadcast_in_dim3A_2115 = vector.shape_cast %eq3A_2114 : vector<128x1xi1> to vector<128x1xi1>
    %broadcast_in_dim3A_2116 = vector.broadcast %broadcast_in_dim3A_2115 : vector<128x1xi1> to vector<128x128xi1>
    %broadcast_in_dim3A_2117 = vector.shape_cast %get3A_1 : vector<1x128xf32> to vector<1x128xf32>
    %broadcast_in_dim3A_2118 = vector.broadcast %broadcast_in_dim3A_2117 : vector<1x128xf32> to vector<128x128xf32>
    %broadcast_in_dim3A_2119 = vector.shape_cast %get3A_4 : vector<1x128xf32> to vector<1x128xf32>
    %broadcast_in_dim3A_2120 = vector.broadcast %broadcast_in_dim3A_2119 : vector<1x128xf32> to vector<128x128xf32>
    %select_n3A_2121 = arith.select %broadcast_in_dim3A_2116, %broadcast_in_dim3A_2118, %broadcast_in_dim3A_2120 : vector<128x128xi1>, vector<128x128xf32>
    %swap3A_2122 = arith.constant 14976 : index
    %swap3A_2123 = arith.constant 0 : index
    %swap3A_2124 = vector.load %arg3[%swap3A_2122, %swap3A_2123] : memref<16000x128xf32, #tpu.memory_space<vmem>>, vector<128x128xf32>
    tpu.vector_store %arg3[%swap3A_2122, %swap3A_2123], %select_n3A_2121 {strides = array<i32>} : memref<16000x128xf32, #tpu.memory_space<vmem>>, vector<128x128xf32>,
    %get3A_2125 = arith.constant 0 : index
    %get3A_2126 = arith.constant 0 : index
    %get3A_2127 = arith.constant 118 : index
    %get3A_2128 = vector.load %arg1[%get3A_2125, %get3A_2126, %get3A_2127] : memref<1x128x125xi32, #tpu.memory_space<vmem>>, vector<1x128x1xi32>
    %get3A_2129 = vector.shape_cast %get3A_2128 : vector<1x128x1xi32> to vector<128x1xi32>
    %eq3A_2130 = arith.constant 0 : i32
    %eq3A_2131 = vector.broadcast %eq3A_2130 : i32 to vector<128x1xi32>
    %eq3A_2132 = arith.cmpi eq, %get3A_2129, %eq3A_2131 : vector<128x1xi32>
    %broadcast_in_dim3A_2133 = vector.shape_cast %eq3A_2132 : vector<128x1xi1> to vector<128x1xi1>
    %broadcast_in_dim3A_2134 = vector.broadcast %broadcast_in_dim3A_2133 : vector<128x1xi1> to vector<128x128xi1>
    %broadcast_in_dim3A_2135 = vector.shape_cast %get3A_1 : vector<1x128xf32> to vector<1x128xf32>
    %broadcast_in_dim3A_2136 = vector.broadcast %broadcast_in_dim3A_2135 : vector<1x128xf32> to vector<128x128xf32>
    %broadcast_in_dim3A_2137 = vector.shape_cast %get3A_4 : vector<1x128xf32> to vector<1x128xf32>
    %broadcast_in_dim3A_2138 = vector.broadcast %broadcast_in_dim3A_2137 : vector<1x128xf32> to vector<128x128xf32>
    %select_n3A_2139 = arith.select %broadcast_in_dim3A_2134, %broadcast_in_dim3A_2136, %broadcast_in_dim3A_2138 : vector<128x128xi1>, vector<128x128xf32>
    %swap3A_2140 = arith.constant 15104 : index
    %swap3A_2141 = arith.constant 0 : index
    %swap3A_2142 = vector.load %arg3[%swap3A_2140, %swap3A_2141] : memref<16000x128xf32, #tpu.memory_space<vmem>>, vector<128x128xf32>
    tpu.vector_store %arg3[%swap3A_2140, %swap3A_2141], %select_n3A_2139 {strides = array<i32>} : memref<16000x128xf32, #tpu.memory_space<vmem>>, vector<128x128xf32>,
    %get3A_2143 = arith.constant 0 : index
    %get3A_2144 = arith.constant 0 : index
    %get3A_2145 = arith.constant 119 : index
    %get3A_2146 = vector.load %arg1[%get3A_2143, %get3A_2144, %get3A_2145] : memref<1x128x125xi32, #tpu.memory_space<vmem>>, vector<1x128x1xi32>
    %get3A_2147 = vector.shape_cast %get3A_2146 : vector<1x128x1xi32> to vector<128x1xi32>
    %eq3A_2148 = arith.constant 0 : i32
    %eq3A_2149 = vector.broadcast %eq3A_2148 : i32 to vector<128x1xi32>
    %eq3A_2150 = arith.cmpi eq, %get3A_2147, %eq3A_2149 : vector<128x1xi32>
    %broadcast_in_dim3A_2151 = vector.shape_cast %eq3A_2150 : vector<128x1xi1> to vector<128x1xi1>
    %broadcast_in_dim3A_2152 = vector.broadcast %broadcast_in_dim3A_2151 : vector<128x1xi1> to vector<128x128xi1>
    %broadcast_in_dim3A_2153 = vector.shape_cast %get3A_1 : vector<1x128xf32> to vector<1x128xf32>
    %broadcast_in_dim3A_2154 = vector.broadcast %broadcast_in_dim3A_2153 : vector<1x128xf32> to vector<128x128xf32>
    %broadcast_in_dim3A_2155 = vector.shape_cast %get3A_4 : vector<1x128xf32> to vector<1x128xf32>
    %broadcast_in_dim3A_2156 = vector.broadcast %broadcast_in_dim3A_2155 : vector<1x128xf32> to vector<128x128xf32>
    %select_n3A_2157 = arith.select %broadcast_in_dim3A_2152, %broadcast_in_dim3A_2154, %broadcast_in_dim3A_2156 : vector<128x128xi1>, vector<128x128xf32>
    %swap3A_2158 = arith.constant 15232 : index
    %swap3A_2159 = arith.constant 0 : index
    %swap3A_2160 = vector.load %arg3[%swap3A_2158, %swap3A_2159] : memref<16000x128xf32, #tpu.memory_space<vmem>>, vector<128x128xf32>
    tpu.vector_store %arg3[%swap3A_2158, %swap3A_2159], %select_n3A_2157 {strides = array<i32>} : memref<16000x128xf32, #tpu.memory_space<vmem>>, vector<128x128xf32>,
    %get3A_2161 = arith.constant 0 : index
    %get3A_2162 = arith.constant 0 : index
    %get3A_2163 = arith.constant 120 : index
    %get3A_2164 = vector.load %arg1[%get3A_2161, %get3A_2162, %get3A_2163] : memref<1x128x125xi32, #tpu.memory_space<vmem>>, vector<1x128x1xi32>
    %get3A_2165 = vector.shape_cast %get3A_2164 : vector<1x128x1xi32> to vector<128x1xi32>
    %eq3A_2166 = arith.constant 0 : i32
    %eq3A_2167 = vector.broadcast %eq3A_2166 : i32 to vector<128x1xi32>
    %eq3A_2168 = arith.cmpi eq, %get3A_2165, %eq3A_2167 : vector<128x1xi32>
    %broadcast_in_dim3A_2169 = vector.shape_cast %eq3A_2168 : vector<128x1xi1> to vector<128x1xi1>
    %broadcast_in_dim3A_2170 = vector.broadcast %broadcast_in_dim3A_2169 : vector<128x1xi1> to vector<128x128xi1>
    %broadcast_in_dim3A_2171 = vector.shape_cast %get3A_1 : vector<1x128xf32> to vector<1x128xf32>
    %broadcast_in_dim3A_2172 = vector.broadcast %broadcast_in_dim3A_2171 : vector<1x128xf32> to vector<128x128xf32>
    %broadcast_in_dim3A_2173 = vector.shape_cast %get3A_4 : vector<1x128xf32> to vector<1x128xf32>
    %broadcast_in_dim3A_2174 = vector.broadcast %broadcast_in_dim3A_2173 : vector<1x128xf32> to vector<128x128xf32>
    %select_n3A_2175 = arith.select %broadcast_in_dim3A_2170, %broadcast_in_dim3A_2172, %broadcast_in_dim3A_2174 : vector<128x128xi1>, vector<128x128xf32>
    %swap3A_2176 = arith.constant 15360 : index
    %swap3A_2177 = arith.constant 0 : index
    %swap3A_2178 = vector.load %arg3[%swap3A_2176, %swap3A_2177] : memref<16000x128xf32, #tpu.memory_space<vmem>>, vector<128x128xf32>
    tpu.vector_store %arg3[%swap3A_2176, %swap3A_2177], %select_n3A_2175 {strides = array<i32>} : memref<16000x128xf32, #tpu.memory_space<vmem>>, vector<128x128xf32>,
    %get3A_2179 = arith.constant 0 : index
    %get3A_2180 = arith.constant 0 : index
    %get3A_2181 = arith.constant 121 : index
    %get3A_2182 = vector.load %arg1[%get3A_2179, %get3A_2180, %get3A_2181] : memref<1x128x125xi32, #tpu.memory_space<vmem>>, vector<1x128x1xi32>
    %get3A_2183 = vector.shape_cast %get3A_2182 : vector<1x128x1xi32> to vector<128x1xi32>
    %eq3A_2184 = arith.constant 0 : i32
    %eq3A_2185 = vector.broadcast %eq3A_2184 : i32 to vector<128x1xi32>
    %eq3A_2186 = arith.cmpi eq, %get3A_2183, %eq3A_2185 : vector<128x1xi32>
    %broadcast_in_dim3A_2187 = vector.shape_cast %eq3A_2186 : vector<128x1xi1> to vector<128x1xi1>
    %broadcast_in_dim3A_2188 = vector.broadcast %broadcast_in_dim3A_2187 : vector<128x1xi1> to vector<128x128xi1>
    %broadcast_in_dim3A_2189 = vector.shape_cast %get3A_1 : vector<1x128xf32> to vector<1x128xf32>
    %broadcast_in_dim3A_2190 = vector.broadcast %broadcast_in_dim3A_2189 : vector<1x128xf32> to vector<128x128xf32>
    %broadcast_in_dim3A_2191 = vector.shape_cast %get3A_4 : vector<1x128xf32> to vector<1x128xf32>
    %broadcast_in_dim3A_2192 = vector.broadcast %broadcast_in_dim3A_2191 : vector<1x128xf32> to vector<128x128xf32>
    %select_n3A_2193 = arith.select %broadcast_in_dim3A_2188, %broadcast_in_dim3A_2190, %broadcast_in_dim3A_2192 : vector<128x128xi1>, vector<128x128xf32>
    %swap3A_2194 = arith.constant 15488 : index
    %swap3A_2195 = arith.constant 0 : index
    %swap3A_2196 = vector.load %arg3[%swap3A_2194, %swap3A_2195] : memref<16000x128xf32, #tpu.memory_space<vmem>>, vector<128x128xf32>
    tpu.vector_store %arg3[%swap3A_2194, %swap3A_2195], %select_n3A_2193 {strides = array<i32>} : memref<16000x128xf32, #tpu.memory_space<vmem>>, vector<128x128xf32>,
    %get3A_2197 = arith.constant 0 : index
    %get3A_2198 = arith.constant 0 : index
    %get3A_2199 = arith.constant 122 : index
    %get3A_2200 = vector.load %arg1[%get3A_2197, %get3A_2198, %get3A_2199] : memref<1x128x125xi32, #tpu.memory_space<vmem>>, vector<1x128x1xi32>
    %get3A_2201 = vector.shape_cast %get3A_2200 : vector<1x128x1xi32> to vector<128x1xi32>
    %eq3A_2202 = arith.constant 0 : i32
    %eq3A_2203 = vector.broadcast %eq3A_2202 : i32 to vector<128x1xi32>
    %eq3A_2204 = arith.cmpi eq, %get3A_2201, %eq3A_2203 : vector<128x1xi32>
    %broadcast_in_dim3A_2205 = vector.shape_cast %eq3A_2204 : vector<128x1xi1> to vector<128x1xi1>
    %broadcast_in_dim3A_2206 = vector.broadcast %broadcast_in_dim3A_2205 : vector<128x1xi1> to vector<128x128xi1>
    %broadcast_in_dim3A_2207 = vector.shape_cast %get3A_1 : vector<1x128xf32> to vector<1x128xf32>
    %broadcast_in_dim3A_2208 = vector.broadcast %broadcast_in_dim3A_2207 : vector<1x128xf32> to vector<128x128xf32>
    %broadcast_in_dim3A_2209 = vector.shape_cast %get3A_4 : vector<1x128xf32> to vector<1x128xf32>
    %broadcast_in_dim3A_2210 = vector.broadcast %broadcast_in_dim3A_2209 : vector<1x128xf32> to vector<128x128xf32>
    %select_n3A_2211 = arith.select %broadcast_in_dim3A_2206, %broadcast_in_dim3A_2208, %broadcast_in_dim3A_2210 : vector<128x128xi1>, vector<128x128xf32>
    %swap3A_2212 = arith.constant 15616 : index
    %swap3A_2213 = arith.constant 0 : index
    %swap3A_2214 = vector.load %arg3[%swap3A_2212, %swap3A_2213] : memref<16000x128xf32, #tpu.memory_space<vmem>>, vector<128x128xf32>
    tpu.vector_store %arg3[%swap3A_2212, %swap3A_2213], %select_n3A_2211 {strides = array<i32>} : memref<16000x128xf32, #tpu.memory_space<vmem>>, vector<128x128xf32>,
    %get3A_2215 = arith.constant 0 : index
    %get3A_2216 = arith.constant 0 : index
    %get3A_2217 = arith.constant 123 : index
    %get3A_2218 = vector.load %arg1[%get3A_2215, %get3A_2216, %get3A_2217] : memref<1x128x125xi32, #tpu.memory_space<vmem>>, vector<1x128x1xi32>
    %get3A_2219 = vector.shape_cast %get3A_2218 : vector<1x128x1xi32> to vector<128x1xi32>
    %eq3A_2220 = arith.constant 0 : i32
    %eq3A_2221 = vector.broadcast %eq3A_2220 : i32 to vector<128x1xi32>
    %eq3A_2222 = arith.cmpi eq, %get3A_2219, %eq3A_2221 : vector<128x1xi32>
    %broadcast_in_dim3A_2223 = vector.shape_cast %eq3A_2222 : vector<128x1xi1> to vector<128x1xi1>
    %broadcast_in_dim3A_2224 = vector.broadcast %broadcast_in_dim3A_2223 : vector<128x1xi1> to vector<128x128xi1>
    %broadcast_in_dim3A_2225 = vector.shape_cast %get3A_1 : vector<1x128xf32> to vector<1x128xf32>
    %broadcast_in_dim3A_2226 = vector.broadcast %broadcast_in_dim3A_2225 : vector<1x128xf32> to vector<128x128xf32>
    %broadcast_in_dim3A_2227 = vector.shape_cast %get3A_4 : vector<1x128xf32> to vector<1x128xf32>
    %broadcast_in_dim3A_2228 = vector.broadcast %broadcast_in_dim3A_2227 : vector<1x128xf32> to vector<128x128xf32>
    %select_n3A_2229 = arith.select %broadcast_in_dim3A_2224, %broadcast_in_dim3A_2226, %broadcast_in_dim3A_2228 : vector<128x128xi1>, vector<128x128xf32>
    %swap3A_2230 = arith.constant 15744 : index
    %swap3A_2231 = arith.constant 0 : index
    %swap3A_2232 = vector.load %arg3[%swap3A_2230, %swap3A_2231] : memref<16000x128xf32, #tpu.memory_space<vmem>>, vector<128x128xf32>
    tpu.vector_store %arg3[%swap3A_2230, %swap3A_2231], %select_n3A_2229 {strides = array<i32>} : memref<16000x128xf32, #tpu.memory_space<vmem>>, vector<128x128xf32>,
    %get3A_2233 = arith.constant 0 : index
    %get3A_2234 = arith.constant 0 : index
    %get3A_2235 = arith.constant 124 : index
    %get3A_2236 = vector.load %arg1[%get3A_2233, %get3A_2234, %get3A_2235] : memref<1x128x125xi32, #tpu.memory_space<vmem>>, vector<1x128x1xi32>
    %get3A_2237 = vector.shape_cast %get3A_2236 : vector<1x128x1xi32> to vector<128x1xi32>
    %eq3A_2238 = arith.constant 0 : i32
    %eq3A_2239 = vector.broadcast %eq3A_2238 : i32 to vector<128x1xi32>
    %eq3A_2240 = arith.cmpi eq, %get3A_2237, %eq3A_2239 : vector<128x1xi32>
    %broadcast_in_dim3A_2241 = vector.shape_cast %eq3A_2240 : vector<128x1xi1> to vector<128x1xi1>
    %broadcast_in_dim3A_2242 = vector.broadcast %broadcast_in_dim3A_2241 : vector<128x1xi1> to vector<128x128xi1>
    %broadcast_in_dim3A_2243 = vector.shape_cast %get3A_1 : vector<1x128xf32> to vector<1x128xf32>
    %broadcast_in_dim3A_2244 = vector.broadcast %broadcast_in_dim3A_2243 : vector<1x128xf32> to vector<128x128xf32>
    %broadcast_in_dim3A_2245 = vector.shape_cast %get3A_4 : vector<1x128xf32> to vector<1x128xf32>
    %broadcast_in_dim3A_2246 = vector.broadcast %broadcast_in_dim3A_2245 : vector<1x128xf32> to vector<128x128xf32>
    %select_n3A_2247 = arith.select %broadcast_in_dim3A_2242, %broadcast_in_dim3A_2244, %broadcast_in_dim3A_2246 : vector<128x128xi1>, vector<128x128xf32>
    %swap3A_2248 = arith.constant 15872 : index
    %swap3A_2249 = arith.constant 0 : index
    %swap3A_2250 = vector.load %arg3[%swap3A_2248, %swap3A_2249] : memref<16000x128xf32, #tpu.memory_space<vmem>>, vector<128x128xf32>
    tpu.vector_store %arg3[%swap3A_2248, %swap3A_2249], %select_n3A_2247 {strides = array<i32>} : memref<16000x128xf32, #tpu.memory_space<vmem>>, vector<128x128xf32>,
    return
  }
  func.func @transform_0(%arg0: i32) -> (i32, i32, i32) {
    %c0_i32 = arith.constant 0 : i32
    %c0_i32_0 = arith.constant 0 : i32
    %c0_i32_1 = arith.constant 0 : i32
    return %arg0, %c0_i32, %c0_i32_0 : i32, i32, i32
  }
  func.func @transform_1(%arg0: i32) -> (i32, i32) {
    %c0_i32 = arith.constant 0 : i32
    %c0_i32_0 = arith.constant 0 : i32
    %c0_i32_1 = arith.constant 0 : i32
    return %c0_i32, %c0_i32_0 : i32, i32
  }
  func.func @transform_2(%arg0: i32) -> (i32, i32) {
    %c0_i32 = arith.constant 0 : i32
    %c0_i32_0 = arith.constant 0 : i32
    return %arg0, %c0_i32 : i32, i32
  }
}

</mosaic_0001>

<sc_bundles>
// kernel: kernel.4.cloned.1.call-start
scs
__scs_entry_jumppad:
0x0: {  	(pc) =	sbr.rel $0x88, $3  }
0x1: {  	(tag) =	ssettag $0x0;
	lr =	simm.s32 $0x1  }
0x2: {  	[smem:$0x3F9D] =	sst lr;
	_ =	strace $0xD0000000  }
0x3: {  	_ = 	snop  }
0x4: {  	_ = 	snop  }
0x5: {  	_ = 	snop  }
0x6: {  	_ = 	snop  }
0x7: {  	_ = 	snop  }
__scs_overlays_trampoline_lowered:
0x8: {  	[smem:$0x3FAC] =	sst s0  }
0x9: {  	[smem:$0x3FAD] =	sst s1  }
0xa: {  	[smem:$0x3FAE] =	sst s2  }
0xb: {  	[smem:$0x3FAF] =	sst s3  }
0xc: {  	[smem:$0x3FB0] =	sst s4  }
0xd: {  	[smem:$0x3FB1] =	sst s5  }
0xe: {  	[smem:$0x3FB2] =	sst s6  }
0xf: {  	[smem:$0x3FB3] =	sst s7  }
0x10: {  	[smem:$0x3FB4] =	sst s8  }
0x11: {  	[smem:$0x3FB5] =	sst s9;
	s0 =	simm.s32 @!p0 $0x0  }
0x12: {  	s1 =	sld [smem:$0x3F9B];
	s0 =	simm.s32 @p0 $0x1  }
0x13: {  	[smem:$0x3FB6] =	sst s0;
	s0 =	simm.s32 @!p1 $0x0  }
0x14: {  	s2 =	sld [smem:$0x3F9A];
	s0 =	simm.s32 @p1 $0x1  }
0x15: {  	[smem:$0x3FB7] =	sst s0;
	s0 =	simm.s32 @!p2 $0x0  }
0x16: {  	s3 =	sld [smem:$0x3FDB];
	s0 =	simm.s32 @p2 $0x1  }
0x17: {  	s4 =	simm.s32 $0x1BF5;
	[smem:$0x3FB9] =	sst s0  }
0x18: {  	s0 =	sld [smem:$0x3F9C];
	_ =	swait.ge [sflag:s4], $0x0  }
0x19: {  	s7 =	sld [smem:$0x3F9D]  }
0x1a: {  	s8 =	sadd.s32 $0xFFFFE003, lr  }
0x1b: {  	s9 =	sadd.s32 $0xFFFFFEF7, lr;
	s5 =	simm.s32 $0xFFFFFFFF;
	p2 =	slt.u32 s8, $0xFFFFF086  }
0x1c: {  	p1 =	slt.u32 s9, $0xF7A;
	s5 =	simm.s32 @!p2 $0x0  }
0x1d: {  	s5 =	simm.s32 @p1 $0x1;
	p0 =	seq.s32 s7, s2  }
0x1e: {  	s7 =	smul.u32 @!p0 $0xF7A, s2;
	p2 =	seq.s32 @!p0 s5, $0x0  }
0x1f: {  	s9 =	smul.u32 $0xF7A, s1;
	s8 =	simm.s32 @!p0 $0x1BF5;
	p2 =	por !p2, p0  }
0x20: {  	[sflag:s8] =	ssyncset.s32 @!p0 $0xFFFFF086;
	s6 =	sadd.s32 @!p0 s3, s7;
	s7 =	simm.s32 @!p0 $0x108  }
0x21: {  	s3 =	sadd.s32 s3, s9;
	s6 =	sadd.s32 @!p0 $0x88, s6;
	s7 =	simm.s32 @p2 $0x1082  }
0x22: {  	[simem:s7], [sflag:s8] =	dma.local @!p0 [hbm:s6], $0xF7A  }
0x23: {  	s9 =	sor.u32 $0xD0000000, s2;
	s6 =	simm.s32 $0x108;
	_ =	swait.ge @!p0 [sflag:s8], $0x0  }
0x24: {  	s3 =	sadd.s32 $0x88, s3;
	s6 =	simm.s32 @!p1 $0x1082;
	[sflag:s4] =	ssyncset.s32 $0xFFFFF086  }
0x25: {  	[simem:s6], [sflag:s4] =	dma.local [hbm:s3], $0xF7A  }
0x26: {  	[smem:$0x3F9D] =	sst s1;
	(tag) =	ssettag s2;
	_ =	strace s9  }
0x27: {  	s1 =	sld [smem:$0x3FAD]  }
0x28: {  	s2 =	sld [smem:$0x3FAE]  }
0x29: {  	s4 =	sld [smem:$0x3FB0]  }
0x2a: {  	p0 =	seq.s32 s5, $0x0;
	s5 =	sld [smem:$0x3FB1]  }
0x2b: {  	s6 =	sld [smem:$0x3FB2]  }
0x2c: {  	s7 =	sld [smem:$0x3FB3]  }
0x2d: {  	s3 =	simm.s32 $0x108;
	s8 =	sld [smem:$0x3FB4]  }
0x2e: {  	s3 =	simm.s32 @!p0 $0x1082;
	s9 =	sld [smem:$0x3FB5]  }
0x2f: {  	lr =	sadd.s32 s0, s3;
	s0 =	sld [smem:$0x3FAC]  }
0x30: {  	s3 =	sld [smem:$0x3FAF]  }
0x31: {  	[smem:$0x3FB8] =	sst s10  }
0x32: {  	s10 =	sld [smem:$0x3FB6];
	_ =	sdelay $0x3  }
0x33: {  	p0 =	seq.s32 s10, $0x1;
	s10 =	sld [smem:$0x3FB8];
	_ =	sdelay $0x3  }
0x34: {  	[smem:$0x3FB8] =	sst s10  }
0x35: {  	s10 =	sld [smem:$0x3FB7];
	_ =	sdelay $0x3  }
0x36: {  	p1 =	seq.s32 s10, $0x1;
	s10 =	sld [smem:$0x3FB8];
	_ =	sdelay $0x3  }
0x37: {  	[smem:$0x3FB8] =	sst s10  }
0x38: {  	s10 =	sld [smem:$0x3FB9]  }
0x39: {  	_ = 	snop;
	(pc) =	sbr.ind lr, $3  }
0x3a: {  	_ = 	snop  }
0x3b: {  	_ = 	snop  }
0x3c: {  	p2 =	seq.s32 s10, $0x1;
	s10 =	sld [smem:$0x3FB8]  }
0x3d: {  	_ =	shalt  }
0x3e: {  	_ =	shalt  }
0x3f: {  	_ =	shalt  }
0x40: {  	_ =	shalt  }
0x41: {  	_ =	shalt  }
0x42: {  	_ =	shalt  }
0x43: {  	_ =	shalt  }
0x44: {  	_ =	shalt  }
0x45: {  	_ =	shalt  }
0x46: {  	_ =	shalt  }
0x47: {  	_ =	shalt  }
0x48: {  	_ =	shalt  }
0x49: {  	_ =	shalt  }
0x4a: {  	_ =	shalt  }
0x4b: {  	_ =	shalt  }
0x4c: {  	_ =	shalt  }
0x4d: {  	_ =	shalt  }
0x4e: {  	_ =	shalt  }
0x4f: {  	_ =	shalt  }
0x50: {  	_ =	shalt  }
0x51: {  	_ =	shalt  }
0x52: {  	_ =	shalt  }
0x53: {  	_ =	shalt  }
0x54: {  	_ =	shalt  }
0x55: {  	_ =	shalt  }
0x56: {  	_ =	shalt  }
0x57: {  	_ =	shalt  }
0x58: {  	_ =	shalt  }
0x59: {  	_ =	shalt  }
0x5a: {  	_ =	shalt  }
0x5b: {  	_ =	shalt  }
0x5c: {  	_ =	shalt  }
0x5d: {  	_ =	shalt  }
0x5e: {  	_ =	shalt  }
0x5f: {  	_ =	shalt  }
0x60: {  	_ =	shalt  }
0x61: {  	_ =	shalt  }
0x62: {  	_ =	shalt  }
0x63: {  	_ =	shalt  }
0x64: {  	_ =	shalt  }
0x65: {  	_ =	shalt  }
0x66: {  	_ =	shalt  }
0x67: {  	_ =	shalt  }
0x68: {  	_ =	shalt  }
0x69: {  	_ =	shalt  }
0x6a: {  	_ =	shalt  }
0x6b: {  	_ =	shalt  }
0x6c: {  	_ =	shalt  }
0x6d: {  	_ =	shalt  }
0x6e: {  	_ =	shalt  }
0x6f: {  	_ =	shalt  }
0x70: {  	_ =	shalt  }
0x71: {  	_ =	shalt  }
0x72: {  	_ =	shalt  }
0x73: {  	_ =	shalt  }
0x74: {  	_ =	shalt  }
0x75: {  	_ =	shalt  }
0x76: {  	_ =	shalt  }
0x77: {  	_ =	shalt  }
0x78: {  	_ =	shalt  }
0x79: {  	_ =	shalt  }
0x7a: {  	_ =	shalt  }
0x7b: {  	_ =	shalt  }
0x7c: {  	_ =	shalt  }
0x7d: {  	_ =	shalt  }
0x7e: {  	_ =	shalt  }
0x7f: {  	_ =	shalt  }
0x80: {  	_ =	shalt  }
0x81: {  	_ =	shalt  }
0x82: {  	_ =	shalt  }
0x83: {  	_ =	shalt  }
0x84: {  	_ =	shalt  }
0x85: {  	_ =	shalt  }
0x86: {  	_ =	shalt  }
0x87: {  	_ =	shalt  }
.Lfunc_end0:
.L_simem_size_0:
called_computation_lowered:
.L_overlay_start_0:
0x88: {  	s2 =	sld [smem:$0x3FD9]  }
0x89: {  	s3 =	sld [smem:$0x3FFE];
	_ =	sdelay $0x1  }
0x8a: {  	s1 =	srdreg.scid  }
0x8b: {  	s0 =	sand.u32 $0x1, s1  }
0x8c: {  	s15 =	sshll.u32 s0, $0xA;
	s2 =	sadd.s32 s3, s2  }
0x8d: {  	s2 =	sadd.s32 s2, s15  }
0x8e: {  	[smem:$0x3FC4] =	sst s2  }
0x8f: {  	_ = 	snop  }
0x90: {  	s2 =	sld [smem:$0x3FD0];
	_ =	sdelay $0x1  }
0x91: {  	s16 =	sld [smem:$0x3FC9]  }
0x92: {  	s5 =	simm.s32 $0xA;
	s6 =	simm.s32 $0x10;
	s4 =	sld [smem:$0x3FC7]  }
0x93: {  	[smem:s6], [sflag:s5] =	dma.local [hbm:s2], $0x1  }
0x94: {  	_ =	swait.eq [sflag:s5], $0x1  }
0x95: {  	[sflag:s5] =	ssyncset.done $0x0  }
0x96: {  	[sflag:s5] =	ssyncadd.s32 $0xFFFFFFFF  }
0x97: {  	s17 =	sld [smem:$0x10];
	(tm) =	ssettm $0x1  }
0x98: {  	s18 =	sld [smem:$0x3FFB];
	_ =	sdelay $0x3  }
0x99: {  	_ =	strace s18  }
0x9a: {  	s5 =	sld [smem:$0x3FFC];
	_ =	sdelay $0x3  }
0x9b: {  	_ =	strace s5  }
0x9c: {  	s5 =	sld [smem:$0x3FFD];
	_ =	sdelay $0x3  }
0x9d: {  	_ =	strace s5  }
0x9e: {  	_ =	strace $0x8FFFFFFF  }
0x9f: {  	s19 =	sld [smem:$0x3FDB];
	_ =	sdelay $0x1  }
0xa0: {  	s20 =	simm.s32 $_scs_section_size  }
0xa1: {  	s7 =	simm.s32 $_size__tile_overlayer_lowered;
	s8 =	simm.s32 $_tile_overlayer_lowered  }
0xa2: {  	s23 =	simm.s32 $0x1BFF;
	s22 =	sshll.u32 s8, $0x1;
	s5 =	sadd.s32 s20, s19  }
0xa3: {  	s9 =	simm.s32 $0x0;
	s21 =	sshll.u32 s7, $0x1;
	s7 =	sadd.s32 s22, s5  }
0xa4: {  	[timem:s9], [sflag:s23] =	dma.local [hbm:s7], s21  }
0xa5: {  	_ =	swait.ge [sflag:s23], s21  }
0xa6: {  	s6 =	ssub.s32 $0x0, s21;
	[sflag:s23] =	ssyncset.done $0x0  }
0xa7: {  	[sflag:s23] =	ssyncadd.s32 s6;
	_ =	sdelay $0x1  }
0xa8: {  	s24 =	simm.s32 $0x1B8B  }
0xa9: {  	_ =	swait.ge [sflag:s24], $0x1  }
0xaa: {  	[sflag:s24] =	ssyncset.done $0x0  }
0xab: {  	s25 =	simm.s32 $0x1B8E;
	[sflag:s24] =	ssyncadd.s32 $0xFFFFFFFF  }
0xac: {  	s26 =	simm.s32 $execute0_lowered;
	[smem:$0x3FD2] =	sst s25  }
0xad: {  	s6 =	sshll.u32 s26, $0x1;
	_ =	strace $0x80000046;
	[dreg:$0x1] =	wrdreg $0xFFFFFFFF  }
0xae: {  	s28 =	simm.s32 $_size_execute0_lowered;
	s5 =	sadd.s32 s5, s6;
	[dreg:$0x0] =	wrdreg $0x0  }
0xaf: {  	s6 =	sshll.u32 s28, $0x1;
	[dreg:$0x2] =	wrdreg s5  }
0xb0: {  	[dreg:$0x3] =	wrdreg s6  }
0xb1: {  	[dreg:$0x4] =	wrdreg $0xC0  }
0xb2: {  	_ =	task [dreg:s9], $0x5FFFF  }
0xb3: {  	[dreg:$0x1] =	wrdreg $0xFFFFFFFF  }
0xb4: {  	[dreg:$0x0] =	wrdreg $0x60  }
0xb5: {  	[dreg:$0x2] =	wrdreg s16  }
0xb6: {  	[dreg:$0x3] =	wrdreg s4  }
0xb7: {  	[dreg:$0x4] =	wrdreg s17  }
0xb8: {  	[dreg:$0x5] =	wrdreg $0x9  }
0xb9: {  	_ =	task.clear_ibuf [dreg:s9], $0x6FFFF;
	_ =	strace $0x90000046  }
0xba: {  	s29 =	simm.s32 $0x9;
	_ =	strace $0x80000048  }
0xbb: {  	_ =	swait.ge [sflag:s29], $0x1  }
0xbc: {  	[sflag:s29] =	ssyncadd.s32 $0xFFFFFFFF  }
0xbd: {  	_ =	strace $0x90000048  }
0xbe: {  	_ =	sfence  }
0xbf: {  	s30 =	sld [smem:$0x0];
	_ =	sdelay $0x2  }
0xc0: {  	s31 =	sshll.u32 s1, $0xD;
	s1 =	sshrl.u32 s1, $0x2  }
0xc1: {  	s3 =	sand.u32 $0x4000, s31;
	s1 =	sadd.s32 s1, s30  }
0xc2: {  	s0 =	sor.u32 s3, s0;
	s1 =	sshll.u32 s1, $0x11  }
0xc3: {  	s0 =	sor.u32 s1, s0  }
0xc4: {  	s0 =	sadd.s32 $0x8F2B, s0  }
0xc5: {  	[sflag:s0] =	ssyncadd.remote.s32 $0x1  }
0xc6: {  	_ =	sfence.sel $0xFFFF  }
0xc7: {  	[dreg:$0x0] =	wrdreg $0xFFFFFFFF;
	(pc) =	sbr.abs _section_cstart, $3  }
0xc8: {  	[dreg:$0x1] =	wrdreg $0xFFFFFFFF  }
0xc9: {  	_ =	task.clear_ibuf [dreg:s9], $0x2FFFF;
	_ =	strace $0x9FFFFFFF  }
0xca: {  	(tm) =	ssettm $0x7FFFFFFF  }
0xcb: {  	_ =	shalt  }
tec
execute0_lowered:
.L_overlay_start_1:
0x0: {  	(tag) =	ssettag $0x1  }
0x1: {  	s1 =	srdreg.scid;
	s0 =	stileid.u32  }
0x2: {  	s14 =	rddreg [dreg:$0x0];
	s18 =	sand.u32 $0x1, s1;
	s31 =	sshll.u32 s0, $0x1  }
0x3: {  	s2 =	rddreg [dreg:$0x1];
	s15 =	sor.u32 s18, s31  }
0x4: {  	s21 =	rddreg [dreg:$0x2];
	s3 =	simm.s32 $0x0;
	s4 =	smul.u32 $0x27, s15  }
0x5: {  	s5 =	simm.s32 $0x2;
	[smem:$0x7FF] =	sst s3  }
0x6: {  	s1 =	rddreg [dreg:$0x3];
	_ =	strace $0x80000047;
	s4 =	sadd.s32 s14, s4  }
0x7: {  	[tilespmem:s3], [sflag:$0x2] =	stream.linear.gather [hbm4b:s4+s3], $0x138, $0x38;
	[tilespmem:$0x4200] =	vst v63  }
0x8: {  	_ =	swait.ge [sflag:s5], $0x138  }
0x9: {  	s6 =	simm.s32 $0x80;
	[sflag:s5] =	ssyncset.done $0x0  }
0xa: {  	s7 =	simm.s32 $0x180;
	s8 =	simm.s32 $0x1;
	[sflag:s5] =	ssyncadd.s32 $0xFFFFFEC8  }
0xb: {  	[tilespmem:s7], [sflag:$0x1] =	stream.indirect.gather [hbm4b:s2+s6], $0x80, s3, s6, $0xb8;
	[tilespmem:$0x4200] =	vst v63  }
0xc: {  	s9 =	smul.u32 $0x1380, s15;
	_ =	swait.ge [sflag:s8], $0x4000  }
0xd: {  	[sflag:s8] =	ssyncset.done $0x0  }
0xe: {  	s9 =	sadd.s32 s21, s9;
	[sflag:s8] =	ssyncadd.s32 $0xFFFFC000  }
0xf: {  	[hbm4b:s9+s3] =	stream.linear.scatter [tilespmem:s7], [sflag:$0x2], $0x4000, $0x38;
	[tilespmem:$0x4200] =	vst v63  }
0x10: {  	_ =	swait.ge [sflag:s5], $0x4000  }
0x11: {  	[sflag:s5] =	ssyncset.done $0x0  }
0x12: {  	s10 =	smul.u32 $0x9C00, s15;
	[sflag:s5] =	ssyncadd.s32 $0xFFFFC000  }
0x13: {  	[tilespmem:s7], [sflag:$0x1] =	stream.indirect.gather [hbm4b:s2+s6], $0x80, s6, s6, $0xb8;
	[tilespmem:$0x4200] =	vst v63  }
0x14: {  	s10 =	sshrl.u32 s10, $0x3;
	_ =	swait.ge [sflag:s8], $0x4000  }
0x15: {  	s13 =	sadd.s32 s21, s10;
	[sflag:s8] =	ssyncset.done $0x0  }
0x16: {  	s10 =	sadd.s32 $0x800, s13;
	[sflag:s8] =	ssyncadd.s32 $0xFFFFC000  }
0x17: {  	[hbm4b:s10+s3] =	stream.linear.scatter [tilespmem:s7], [sflag:$0x2], $0x4000, $0x38;
	[tilespmem:$0x4200] =	vst v63  }
0x18: {  	_ =	swait.ge [sflag:s5], $0x4000  }
0x19: {  	[sflag:s5] =	ssyncset.done $0x0  }
0x1a: {  	s11 =	simm.s32 $0x38;
	s12 =	simm.s32 $0x100;
	[sflag:s5] =	ssyncadd.s32 $0xFFFFC000  }
0x1b: {  	[tilespmem:s7], [sflag:$0x1] =	stream.indirect.gather [hbm4b:s2+s11], $0x80, s12, s11, $0xb8;
	[tilespmem:$0x4200] =	vst v63  }
0x1c: {  	_ =	swait.ge [sflag:s8], $0x1C00  }
0x1d: {  	[sflag:s8] =	ssyncset.done $0x0  }
0x1e: {  	s22 =	ssub.s32 $0x2, s18;
	s13 =	sadd.s32 $0x1000, s13;
	[sflag:s8] =	ssyncadd.s32 $0xFFFFE400  }
0x1f: {  	[hbm4b:s13+s3] =	stream.linear.scatter [tilespmem:s7], [sflag:$0x2], $0x1C00, $0x38;
	[tilespmem:$0x4200] =	vst v63  }
0x20: {  	p0 =	sne.s32 s15, $0x0;
	s15 =	sadd.s32 $0x4E0, s14;
	_ =	swait.ge [sflag:s5], $0x1C00  }
0x21: {  	s23 =	sshrl.u32 s22, $0x1;
	s16 =	simm.s32 @!p0 $0x0;
	[sflag:s5] =	ssyncset.done $0x0  }
0x22: {  	s17 =	simm.s32 @!p0 $0x4180;
	s14 =	simm.s32 @!p0 $0x2;
	[sflag:s5] =	ssyncadd.s32 $0xFFFFE400  }
0x23: {  	[tilespmem:s17], [sflag:$0x2] =	stream.linear.gather @!p0 [hbm4b:s15+s16], $0x10, $0x38;
	[tilespmem:$0x4200] =	vst v63  }
0x24: {  	s18 =	simm.s32 @!p0 $0x1;
	s22 =	ssub.s32 s22, s23;
	_ =	swait.ge @!p0 [sflag:s14], $0x10  }
0x25: {  	s19 =	simm.s32 @!p0 $0x10;
	s22 =	smax.u32 s22, $0x1;
	[sflag:s14] =	ssyncset.done @!p0 $0x0  }
0x26: {  	s20 =	simm.s32 @!p0 $0x180;
	s22 =	sadd.s32 $0xFFFFFFFF, s22;
	[sflag:s14] =	ssyncadd.s32 @!p0 $0xFFFFFFF0  }
0x27: {  	[tilespmem:s20], [sflag:$0x1] =	stream.indirect.gather @!p0 [hbm4b:s2+s19], $0x80, s17, s19, $0xb8;
	[tilespmem:$0x4200] =	vst v63  }
0x28: {  	p1 =	sne.s32 s22, $0x0;
	_ =	swait.ge @!p0 [sflag:s18], $0x800  }
.Ltmp0:
0x29: {  	[sflag:s18] =	ssyncset.done @!p0 $0x0;
	(pc) =	sbr.rel @!p1 .LBB2_2-.Ltmp0, $4  }
0x2a: {  	s21 =	sadd.s32 $0x27000, s21;
	[sflag:s18] =	ssyncadd.s32 @!p0 $0xFFFFF800  }
0x2b: {  	[hbm4b:s21+s16] =	stream.linear.scatter @!p0 [tilespmem:s20], [sflag:$0x2], $0x800, $0x38;
	[tilespmem:$0x4200] =	vst v63  }
0x2c: {  	_ =	swait.ge @!p0 [sflag:s14], $0x800  }
0x2d: {  	[sflag:s14] =	ssyncset.done @!p0 $0x0  }
.LBB2_1:
0x2e: {  	s22 =	sadd.s32 $0xFFFFFFFF, s22;
	[sflag:s14] =	ssyncadd.s32 @!p0 $0xFFFFF800  }
0x2f: {  	[tilespmem:s3], [sflag:$0x2] =	stream.linear.gather [hbm4b:s4+s3], $0x138, $0x38;
	[tilespmem:$0x4200] =	vst v63  }
0x30: {  	p1 =	sne.s32 s22, $0x0;
	_ =	swait.ge [sflag:s5], $0x138  }
0x31: {  	[sflag:s5] =	ssyncset.done $0x0  }
0x32: {  	[sflag:s5] =	ssyncadd.s32 $0xFFFFFEC8  }
0x33: {  	[tilespmem:s7], [sflag:$0x1] =	stream.indirect.gather [hbm4b:s2+s6], $0x80, s3, s6, $0xb8;
	[tilespmem:$0x4200] =	vst v63  }
0x34: {  	_ =	swait.ge [sflag:s8], $0x4000  }
0x35: {  	[sflag:s8] =	ssyncset.done $0x0  }
0x36: {  	[sflag:s8] =	ssyncadd.s32 $0xFFFFC000  }
0x37: {  	[hbm4b:s9+s3] =	stream.linear.scatter [tilespmem:s7], [sflag:$0x2], $0x4000, $0x38;
	[tilespmem:$0x4200] =	vst v63  }
0x38: {  	_ =	swait.ge [sflag:s5], $0x4000  }
0x39: {  	[sflag:s5] =	ssyncset.done $0x0  }
0x3a: {  	[sflag:s5] =	ssyncadd.s32 $0xFFFFC000  }
0x3b: {  	[tilespmem:s7], [sflag:$0x1] =	stream.indirect.gather [hbm4b:s2+s6], $0x80, s6, s6, $0xb8;
	[tilespmem:$0x4200] =	vst v63  }
0x3c: {  	_ =	swait.ge [sflag:s8], $0x4000  }
0x3d: {  	[sflag:s8] =	ssyncset.done $0x0  }
0x3e: {  	[sflag:s8] =	ssyncadd.s32 $0xFFFFC000  }
0x3f: {  	[hbm4b:s10+s3] =	stream.linear.scatter [tilespmem:s7], [sflag:$0x2], $0x4000, $0x38;
	[tilespmem:$0x4200] =	vst v63  }
0x40: {  	_ =	swait.ge [sflag:s5], $0x4000  }
0x41: {  	[sflag:s5] =	ssyncset.done $0x0  }
0x42: {  	[sflag:s5] =	ssyncadd.s32 $0xFFFFC000  }
0x43: {  	[tilespmem:s7], [sflag:$0x1] =	stream.indirect.gather [hbm4b:s2+s11], $0x80, s12, s11, $0xb8;
	[tilespmem:$0x4200] =	vst v63  }
0x44: {  	_ =	swait.ge [sflag:s8], $0x1C00  }
0x45: {  	[sflag:s8] =	ssyncset.done $0x0  }
0x46: {  	[sflag:s8] =	ssyncadd.s32 $0xFFFFE400  }
0x47: {  	[hbm4b:s13+s3] =	stream.linear.scatter [tilespmem:s7], [sflag:$0x2], $0x1C00, $0x38;
	[tilespmem:$0x4200] =	vst v63  }
0x48: {  	_ =	swait.ge [sflag:s5], $0x1C00  }
0x49: {  	[sflag:s5] =	ssyncset.done $0x0  }
0x4a: {  	[sflag:s5] =	ssyncadd.s32 $0xFFFFE400  }
0x4b: {  	[tilespmem:s17], [sflag:$0x2] =	stream.linear.gather @!p0 [hbm4b:s15+s16], $0x10, $0x38;
	[tilespmem:$0x4200] =	vst v63  }
0x4c: {  	_ =	swait.ge @!p0 [sflag:s14], $0x10  }
0x4d: {  	[sflag:s14] =	ssyncset.done @!p0 $0x0  }
0x4e: {  	[sflag:s14] =	ssyncadd.s32 @!p0 $0xFFFFFFF0  }
0x4f: {  	[tilespmem:s20], [sflag:$0x1] =	stream.indirect.gather @!p0 [hbm4b:s2+s19], $0x80, s17, s19, $0xb8;
	[tilespmem:$0x4200] =	vst v63  }
0x50: {  	_ =	swait.ge @!p0 [sflag:s18], $0x800  }
.Ltmp1:
0x51: {  	[sflag:s18] =	ssyncset.done @!p0 $0x0;
	(pc) =	sbr.rel @p1 .LBB2_1-.Ltmp1, $4  }
0x52: {  	[sflag:s18] =	ssyncadd.s32 @!p0 $0xFFFFF800  }
0x53: {  	[hbm4b:s21+s16] =	stream.linear.scatter @!p0 [tilespmem:s20], [sflag:$0x2], $0x800, $0x38;
	[tilespmem:$0x4200] =	vst v63  }
0x54: {  	_ =	swait.ge @!p0 [sflag:s14], $0x800  }
0x55: {  	[sflag:s14] =	ssyncset.done @!p0 $0x0  }
.LBB2_2:
0x56: {  	[sflag:s14] =	ssyncadd.s32 @!p0 $0xFFFFF800  }
0x57: {  	_ =	sfence.sel $0x180000  }
0x58: {  	[bflag:$0x0] =	sbarrier.arrive $0xFFFF  }
0x59: {  	p0 =	sne.s32 s0, $0x0;
	_ =	strace $0x90000047  }
0x5a: {  	s0 =	sadd.s32 @!p0 $0x100000, s1;
	[bflag:$0x2] =	sbarrier.arrive $0xFFFF  }
0x5b: {  	[sflag:s0] =	ssyncadd.tile.s32 @!p0 $0x1;
	_ =	shalt  }
.Lfunc_end2:
_tile_overlayer_lowered:
.L_overlay_start_2:
0x5c: {  	(tag) =	ssettag $0x2  }
0x5d: {  	s0 =	rddreg [dreg:$0x0];
	s2 =	stileid.u32  }
0x5e: {  	s1 =	rddreg [dreg:$0x1];
	p0 =	sne.s32 s2, $0x0  }
0x5f: {  	s3 =	rddreg [dreg:$0x2];
	[bflag:$0x3] =	sbarrier.arrive $0xFFFF;
	s2 =	simm.s32 @!p0 $0x1C02  }
0x60: {  	[timem:s3], [sflag:s2] =	dma.local @!p0 [hbm:s0], s1  }
0x61: {  	s0 =	simm.s32 @!p0 $0x2  }
0x62: {  	_ =	swait.ge @!p0 [sflag:s0], s1  }
0x63: {  	s1 =	ssub.s32 @!p0 $0x0, s1;
	[sflag:s0] =	ssyncset.done @!p0 $0x0  }
0x64: {  	[sflag:s0] =	ssyncadd.s32 @!p0 s1  }
0x65: {  	[bflag:$0x3] =	sbarrier.arrive $0xFFFF  }
0x66: {  	_ =	shalt  }

</sc_bundles>
